<compile_context>
chip_gen: v7x
topology: tpu7x:2x2x1
jax: 0.10.2.dev20260603
libtpu: 0.0.44.dev20260713+nightly
codegen_flags: <defaults>
</compile_context>

<pallas_src>
import functools

import jax
import jax.numpy as jnp
from jax import lax
from jax.experimental import pallas as pl
from jax.experimental.pallas import tpu as pltpu
from jax.experimental.pallas import tpu_sc as plsc

D = 32
NT = 4
CHUNK = 128
L = 16

_info = plsc.get_sparse_core_info()
_NC, _NS = _info.num_cores, _info.num_subcores
NW = _NC * _NS


def _make_kernel(batch):
    b_per_w = batch // NW
    nchunk = b_per_w // CHUNK
    OW = NT * D

    mesh = plsc.VectorSubcoreMesh(core_axis_name="c", subcore_axis_name="s")

    @functools.partial(
        pl.kernel,
        mesh=mesh,
        out_type=jax.ShapeDtypeStruct((batch * OW,), jnp.float32),
        scratch_types=[
            pltpu.VMEM((NT, nchunk, CHUNK), jnp.int32),
            pltpu.VMEM((nchunk, CHUNK, D), jnp.float32),
            pltpu.VMEM((nchunk, CHUNK * OW), jnp.float32),
            pltpu.VMEM((30, D), jnp.float32),
            pltpu.SemaphoreType.DMA,
            pltpu.SemaphoreType.DMA,
        ],
        compiler_params=pltpu.CompilerParams(
            use_tc_tiling_on_sc=False, needs_layout_passes=False),
    )
    def emb_kernel(g_hbm, a_hbm, o_hbm, z_hbm, Wg, Wa, Wo, Wz, out_hbm,
                   idx, zbuf, obuf, smalls, sem, wsem):
        wid = lax.axis_index("s") * _NC + lax.axis_index("c")
        base = wid * nchunk
        pltpu.sync_copy(z_hbm.at[pl.ds(base, nchunk)], idx.at[3])
        zcopies = [
            pltpu.async_copy(Wz.at[idx.at[3].at[j]], zbuf.at[j], sem)
            for j in range(nchunk)
        ]
        pltpu.sync_copy(Wg, smalls.at[pl.ds(0, 2)])
        pltpu.sync_copy(Wa, smalls.at[pl.ds(2, 7)])
        pltpu.sync_copy(Wo, smalls.at[pl.ds(9, 21)])
        pltpu.sync_copy(g_hbm.at[pl.ds(base, nchunk)], idx.at[0])
        pltpu.sync_copy(a_hbm.at[pl.ds(base, nchunk)], idx.at[1])
        pltpu.sync_copy(o_hbm.at[pl.ds(base, nchunk)], idx.at[2])
        lane = lax.iota(jnp.int32, L)
        for t, roff in ((0, 0), (1, 2), (2, 9)):
            def body(k, _, t=t, roff=roff):
                j = k // (CHUNK // L)
                g = k % (CHUNK // L)
                rowvec = idx[t, j, pl.ds(g * L, L)] + roff
                for e in range(L):
                    rbc = jnp.take_along_axis(
                        rowvec, jnp.full((L,), e, jnp.int32), axis=0)
                    o0 = (g * L + e) * OW + t * D
                    for h in range(D // L):
                        vals = plsc.load_gather(smalls, [rbc, lane + h * L])
                        obuf[j, pl.ds(o0 + h * L, L)] = vals
                return ()
            lax.fori_loop(0, nchunk * (CHUNK // L), body, ())
        row0 = wid * b_per_w
        for j in range(nchunk):
            zcopies[j].wait()
            def zmove(i, _, j=j):
                for h in range(D // L):
                    obuf[j, pl.ds(i * OW + 3 * D + h * L, L)] = (
                        zbuf[j, i, pl.ds(h * L, L)])
                return ()
            lax.fori_loop(0, CHUNK, zmove, ())
            pltpu.async_copy(
                obuf.at[j],
                out_hbm.at[pl.ds((row0 + j * CHUNK) * OW, CHUNK * OW)], wsem)
        for j in range(nchunk):
            pltpu.make_async_copy(
                obuf.at[j],
                out_hbm.at[pl.ds((row0 + j * CHUNK) * OW, CHUNK * OW)], wsem
            ).wait()

    return emb_kernel


def kernel(gender_idx, age_idx, occupation_idx, area_idx,
           W_gender, W_age, W_occupation, W_area):
    batch = gender_idx.shape[0]
    shape2d = (batch // CHUNK, CHUNK)
    g = gender_idx.astype(jnp.int32).reshape(shape2d)
    a = age_idx.astype(jnp.int32).reshape(shape2d)
    o = occupation_idx.astype(jnp.int32).reshape(shape2d)
    z = area_idx.astype(jnp.int32).reshape(shape2d)
    out = _make_kernel(batch)(g, a, o, z, W_gender, W_age, W_occupation, W_area)
    return out.reshape(batch, NT * D)

# --- scband reference (transcript-rebuilt; emitter-appended) ---
"""Pipeline reference for scband-user-19774029430852 (READ-ONLY COPY).

The authoritative reference and input builder live on the scoring server;
editing this copy changes nothing except your own understanding.
"""

import jax, jax.numpy as jnp
import numpy as np

NUM_GENDER = 2
NUM_AGE = 7
NUM_OCCUPATION = 21
NUM_ZIPCODE = 100000
EMBED_DIM = 32
BATCH = 16384


def setup_inputs(seed: int = 0) -> dict:
    key = jax.random.key(seed)
    k1, k2, k3, k4, k5, k6, k7, k8 = jax.random.split(key, 8)
    gender_idx = jax.random.randint(k1, (BATCH,), 0, NUM_GENDER, dtype=jnp.int64 if jax.config.jax_enable_x64 else jnp.int32)
    age_idx = jax.random.randint(k2, (BATCH,), 0, NUM_AGE, dtype=jnp.int32)
    occupation_idx = jax.random.randint(k3, (BATCH,), 0, NUM_OCCUPATION, dtype=jnp.int32)
    area_idx = jax.random.randint(k4, (BATCH,), 0, NUM_ZIPCODE, dtype=jnp.int32)
    # nn.Embedding default init: N(0, 1)
    W_gender = jax.random.normal(k5, (NUM_GENDER, EMBED_DIM), dtype=jnp.float32)
    W_age = jax.random.normal(k6, (NUM_AGE, EMBED_DIM), dtype=jnp.float32)
    W_occupation = jax.random.normal(k7, (NUM_OCCUPATION, EMBED_DIM), dtype=jnp.float32)
    W_area = jax.random.normal(k8, (NUM_ZIPCODE, EMBED_DIM), dtype=jnp.float32)
    return {
        "gender_idx": gender_idx,
        "age_idx": age_idx,
        "occupation_idx": occupation_idx,
        "area_idx": area_idx,
        "W_gender": W_gender,
        "W_age": W_age,
        "W_occupation": W_occupation,
        "W_area": W_area,
    }


def reference(gender_idx, age_idx, occupation_idx, area_idx, W_gender, W_age, W_occupation, W_area):
    gender_emb = jnp.take(W_gender, gender_idx, axis=0)
    age_emb = jnp.take(W_age, age_idx, axis=0)
    occupation_emb = jnp.take(W_occupation, occupation_idx, axis=0)
    area_emb = jnp.take(W_area, area_idx, axis=0)
    return jnp.concatenate((gender_emb, age_emb, occupation_emb, area_emb), axis=1)

if __name__ == "__main__":
    import jax
    _d = setup_inputs()
    print(jax.jit(kernel)(*tuple(_d.values())))

</pallas_src>

<mosaic_0001>
#map = affine_map<(d0, d1) -> (0, 0)>
#map1 = affine_map<(d0, d1) -> (0)>
module attributes {stable_mosaic.version = 14 : i64} {
  func.func @emb_kernel(%arg0: i32, %arg1: i32, %arg2: memref<128x128xi32, #tpu.memory_space<hbm>>, %arg3: memref<128x128xi32, #tpu.memory_space<hbm>>, %arg4: memref<128x128xi32, #tpu.memory_space<hbm>>, %arg5: memref<128x128xi32, #tpu.memory_space<hbm>>, %arg6: memref<2x32xf32, #tpu.memory_space<hbm>>, %arg7: memref<7x32xf32, #tpu.memory_space<hbm>>, %arg8: memref<21x32xf32, #tpu.memory_space<hbm>>, %arg9: memref<100000x32xf32, #tpu.memory_space<hbm>>, %arg10: memref<2097152xf32, #tpu.memory_space<hbm>>, %arg11: memref<4x4x128xi32, #tpu.memory_space<vmem>>, %arg12: memref<4x128x32xf32, #tpu.memory_space<vmem>>, %arg13: memref<4x16384xf32, #tpu.memory_space<vmem>>, %arg14: memref<30x32xf32, #tpu.memory_space<vmem>>, %arg15: memref<!tpu.dma_semaphore, #tpu.memory_space<semaphore_mem>>, %arg16: memref<!tpu.dma_semaphore, #tpu.memory_space<semaphore_mem>>) attributes {dimension_semantics = [#tpu.dimension_semantics<core_parallel>, #tpu.dimension_semantics<subcore_parallel>], iteration_bounds = array<i64: 2, 16>, scalar_prefetch = 0 : i64, scratch_operands = 6 : i64, tpu.core_type = #tpu.core_type<sc_vector_subcore>, window_params = [{transform_indices = #map}, {transform_indices = #map}, {transform_indices = #map}, {transform_indices = #map}, {transform_indices = #map}, {transform_indices = #map}, {transform_indices = #map}, {transform_indices = #map}, {transform_indices = #map1}]} {
    %mul3A = arith.constant 2 : i32
    %mul3A_0 = arith.muli %arg1, %mul3A : i32
    %add3A = arith.addi %mul3A_0, %arg0 : i32
    %mul3A_1 = arith.constant 4 : i32
    %mul3A_2 = arith.muli %add3A, %mul3A_1 : i32
    %run_scoped3A = arith.constant 3 : i32
    "tpu.region"() ({
      %run_scoped3A_280 = tpu.sem_alloc : memref<!tpu.dma_semaphore, #tpu.memory_space<semaphore_mem>>
      %dma_start3A_281 = arith.constant 0 : i32
      %dma_start3A_282 = arith.constant 0 : i32
      %dma_start3A_283 = tpu.memref_slice %arg11[%run_scoped3A, %dma_start3A_281, %dma_start3A_282] : memref<4x4x128xi32, #tpu.memory_space<vmem>> -> memref<1x4x128xi32, #tpu.memory_space<vmem>>
      %dma_start3A_284 = tpu.memref_squeeze %dma_start3A_283 : memref<1x4x128xi32, #tpu.memory_space<vmem>> -> memref<4x128xi32, #tpu.memory_space<vmem>>
      %dma_start3A_285 = arith.constant 0 : i32
      %dma_start3A_286 = tpu.memref_slice %arg5[%mul3A_2, %dma_start3A_285] : memref<128x128xi32, #tpu.memory_space<hbm>> -> memref<4x128xi32, #tpu.memory_space<hbm>>
      %dma_start3A_287 = arith.constant 0 : i32
      %dma_start3A_288 = arith.constant 0 : i32
      %dma_start3A_289 = tpu.memref_slice %arg11[%run_scoped3A, %dma_start3A_287, %dma_start3A_288] : memref<4x4x128xi32, #tpu.memory_space<vmem>> -> memref<1x4x128xi32, #tpu.memory_space<vmem>>
      %dma_start3A_290 = tpu.memref_squeeze %dma_start3A_289 : memref<1x4x128xi32, #tpu.memory_space<vmem>> -> memref<4x128xi32, #tpu.memory_space<vmem>>
      %dma_start3A_291 = arith.constant 0 : i32
      %dma_start3A_292 = tpu.memref_slice %arg5[%mul3A_2, %dma_start3A_291] : memref<128x128xi32, #tpu.memory_space<hbm>> -> memref<4x128xi32, #tpu.memory_space<hbm>>
      tpu.enqueue_dma source(%dma_start3A_292 : memref<4x128xi32, #tpu.memory_space<hbm>>) target(%dma_start3A_290 : memref<4x128xi32, #tpu.memory_space<vmem>>) target_semaphore(%run_scoped3A_280 : memref<!tpu.dma_semaphore, #tpu.memory_space<semaphore_mem>>)
      %dma_wait3A_293 = arith.constant 0 : i32
      %dma_wait3A_294 = arith.constant 0 : i32
      %dma_wait3A_295 = tpu.memref_slice %arg11[%run_scoped3A, %dma_wait3A_293, %dma_wait3A_294] : memref<4x4x128xi32, #tpu.memory_space<vmem>> -> memref<1x4x128xi32, #tpu.memory_space<vmem>>
      %dma_wait3A_296 = tpu.memref_squeeze %dma_wait3A_295 : memref<1x4x128xi32, #tpu.memory_space<vmem>> -> memref<4x128xi32, #tpu.memory_space<vmem>>
      %dma_wait3A_297 = arith.constant 0 : i32
      %dma_wait3A_298 = tpu.memref_slice %arg5[%mul3A_2, %dma_wait3A_297] : memref<128x128xi32, #tpu.memory_space<hbm>> -> memref<4x128xi32, #tpu.memory_space<hbm>>
      %dma_wait3A_299 = arith.constant 0 : i32
      %dma_wait3A_300 = arith.constant 0 : i32
      %dma_wait3A_301 = tpu.memref_slice %arg11[%run_scoped3A, %dma_wait3A_299, %dma_wait3A_300] : memref<4x4x128xi32, #tpu.memory_space<vmem>> -> memref<1x4x128xi32, #tpu.memory_space<vmem>>
      %dma_wait3A_302 = tpu.memref_squeeze %dma_wait3A_301 : memref<1x4x128xi32, #tpu.memory_space<vmem>> -> memref<4x128xi32, #tpu.memory_space<vmem>>
      %dma_wait3A_303 = arith.constant 0 : i32
      %dma_wait3A_304 = tpu.memref_slice %arg5[%mul3A_2, %dma_wait3A_303] : memref<128x128xi32, #tpu.memory_space<hbm>> -> memref<4x128xi32, #tpu.memory_space<hbm>>
      tpu.wait_dma2 semaphore(%run_scoped3A_280 : memref<!tpu.dma_semaphore, #tpu.memory_space<semaphore_mem>>) src(%dma_wait3A_304 : memref<4x128xi32, #tpu.memory_space<hbm>>) dst(%dma_wait3A_302 : memref<4x128xi32, #tpu.memory_space<vmem>>)
      tpu.yield
    }) : () -> ()
    %dma_start3A = arith.constant 3 : i32
    %dma_start3A_3 = arith.constant 0 : i32
    %dma_start3A_4 = arith.constant 0 : i32
    %dma_start3A_5 = arith.constant 0 : i32
    %dma_start3A_6 = arith.constant 0 : i32
    %dma_start3A_7 = tpu.memref_slice %arg12[%dma_start3A_4, %dma_start3A_5, %dma_start3A_6] : memref<4x128x32xf32, #tpu.memory_space<vmem>> -> memref<1x128x32xf32, #tpu.memory_space<vmem>>
    %dma_start3A_8 = tpu.memref_squeeze %dma_start3A_7 : memref<1x128x32xf32, #tpu.memory_space<vmem>> -> memref<128x32xf32, #tpu.memory_space<vmem>>
    %dma_start3A_9 = arith.constant 0 : i32
    %dma_start3A_10 = arith.constant 0 : i32
    %dma_start3A_11 = tpu.memref_slice %arg11[%dma_start3A, %dma_start3A_9, %dma_start3A_10] : memref<4x4x128xi32, #tpu.memory_space<vmem>> -> memref<1x4x128xi32, #tpu.memory_space<vmem>>
    %dma_start3A_12 = tpu.memref_squeeze %dma_start3A_11 : memref<1x4x128xi32, #tpu.memory_space<vmem>> -> memref<4x128xi32, #tpu.memory_space<vmem>>
    %dma_start3A_13 = arith.constant 0 : i32
    %dma_start3A_14 = tpu.memref_slice %dma_start3A_12[%dma_start3A_3, %dma_start3A_13] : memref<4x128xi32, #tpu.memory_space<vmem>> -> memref<1x128xi32, #tpu.memory_space<vmem>>
    %dma_start3A_15 = tpu.memref_squeeze %dma_start3A_14 : memref<1x128xi32, #tpu.memory_space<vmem>> -> memref<128xi32, #tpu.memory_space<vmem>>
    %dma_start3A_16 = arith.constant 0 : i32
    %dma_start3A_17 = arith.constant 0 : i32
    %dma_start3A_18 = tpu.memref_slice %arg9[%dma_start3A_16, %dma_start3A_17] : memref<100000x32xf32, #tpu.memory_space<hbm>> -> memref<100000x32xf32, #tpu.memory_space<hbm>>
    tpu.enqueue_indirect_dma source(%dma_start3A_18 : memref<100000x32xf32, #tpu.memory_space<hbm>>) target(%dma_start3A_8 : memref<128x32xf32, #tpu.memory_space<vmem>>) offsets(%dma_start3A_15 : memref<128xi32, #tpu.memory_space<vmem>>) semaphore(%arg15 : memref<!tpu.dma_semaphore, #tpu.memory_space<semaphore_mem>>)
    %dma_start3A_19 = arith.constant 3 : i32
    %dma_start3A_20 = arith.constant 1 : i32
    %dma_start3A_21 = arith.constant 1 : i32
    %dma_start3A_22 = arith.constant 0 : i32
    %dma_start3A_23 = arith.constant 0 : i32
    %dma_start3A_24 = tpu.memref_slice %arg12[%dma_start3A_21, %dma_start3A_22, %dma_start3A_23] : memref<4x128x32xf32, #tpu.memory_space<vmem>> -> memref<1x128x32xf32, #tpu.memory_space<vmem>>
    %dma_start3A_25 = tpu.memref_squeeze %dma_start3A_24 : memref<1x128x32xf32, #tpu.memory_space<vmem>> -> memref<128x32xf32, #tpu.memory_space<vmem>>
    %dma_start3A_26 = arith.constant 0 : i32
    %dma_start3A_27 = arith.constant 0 : i32
    %dma_start3A_28 = tpu.memref_slice %arg11[%dma_start3A_19, %dma_start3A_26, %dma_start3A_27] : memref<4x4x128xi32, #tpu.memory_space<vmem>> -> memref<1x4x128xi32, #tpu.memory_space<vmem>>
    %dma_start3A_29 = tpu.memref_squeeze %dma_start3A_28 : memref<1x4x128xi32, #tpu.memory_space<vmem>> -> memref<4x128xi32, #tpu.memory_space<vmem>>
    %dma_start3A_30 = arith.constant 0 : i32
    %dma_start3A_31 = tpu.memref_slice %dma_start3A_29[%dma_start3A_20, %dma_start3A_30] : memref<4x128xi32, #tpu.memory_space<vmem>> -> memref<1x128xi32, #tpu.memory_space<vmem>>
    %dma_start3A_32 = tpu.memref_squeeze %dma_start3A_31 : memref<1x128xi32, #tpu.memory_space<vmem>> -> memref<128xi32, #tpu.memory_space<vmem>>
    %dma_start3A_33 = arith.constant 0 : i32
    %dma_start3A_34 = arith.constant 0 : i32
    %dma_start3A_35 = tpu.memref_slice %arg9[%dma_start3A_33, %dma_start3A_34] : memref<100000x32xf32, #tpu.memory_space<hbm>> -> memref<100000x32xf32, #tpu.memory_space<hbm>>
    tpu.enqueue_indirect_dma source(%dma_start3A_35 : memref<100000x32xf32, #tpu.memory_space<hbm>>) target(%dma_start3A_25 : memref<128x32xf32, #tpu.memory_space<vmem>>) offsets(%dma_start3A_32 : memref<128xi32, #tpu.memory_space<vmem>>) semaphore(%arg15 : memref<!tpu.dma_semaphore, #tpu.memory_space<semaphore_mem>>)
    %dma_start3A_36 = arith.constant 3 : i32
    %dma_start3A_37 = arith.constant 2 : i32
    %dma_start3A_38 = arith.constant 2 : i32
    %dma_start3A_39 = arith.constant 0 : i32
    %dma_start3A_40 = arith.constant 0 : i32
    %dma_start3A_41 = tpu.memref_slice %arg12[%dma_start3A_38, %dma_start3A_39, %dma_start3A_40] : memref<4x128x32xf32, #tpu.memory_space<vmem>> -> memref<1x128x32xf32, #tpu.memory_space<vmem>>
    %dma_start3A_42 = tpu.memref_squeeze %dma_start3A_41 : memref<1x128x32xf32, #tpu.memory_space<vmem>> -> memref<128x32xf32, #tpu.memory_space<vmem>>
    %dma_start3A_43 = arith.constant 0 : i32
    %dma_start3A_44 = arith.constant 0 : i32
    %dma_start3A_45 = tpu.memref_slice %arg11[%dma_start3A_36, %dma_start3A_43, %dma_start3A_44] : memref<4x4x128xi32, #tpu.memory_space<vmem>> -> memref<1x4x128xi32, #tpu.memory_space<vmem>>
    %dma_start3A_46 = tpu.memref_squeeze %dma_start3A_45 : memref<1x4x128xi32, #tpu.memory_space<vmem>> -> memref<4x128xi32, #tpu.memory_space<vmem>>
    %dma_start3A_47 = arith.constant 0 : i32
    %dma_start3A_48 = tpu.memref_slice %dma_start3A_46[%dma_start3A_37, %dma_start3A_47] : memref<4x128xi32, #tpu.memory_space<vmem>> -> memref<1x128xi32, #tpu.memory_space<vmem>>
    %dma_start3A_49 = tpu.memref_squeeze %dma_start3A_48 : memref<1x128xi32, #tpu.memory_space<vmem>> -> memref<128xi32, #tpu.memory_space<vmem>>
    %dma_start3A_50 = arith.constant 0 : i32
    %dma_start3A_51 = arith.constant 0 : i32
    %dma_start3A_52 = tpu.memref_slice %arg9[%dma_start3A_50, %dma_start3A_51] : memref<100000x32xf32, #tpu.memory_space<hbm>> -> memref<100000x32xf32, #tpu.memory_space<hbm>>
    tpu.enqueue_indirect_dma source(%dma_start3A_52 : memref<100000x32xf32, #tpu.memory_space<hbm>>) target(%dma_start3A_42 : memref<128x32xf32, #tpu.memory_space<vmem>>) offsets(%dma_start3A_49 : memref<128xi32, #tpu.memory_space<vmem>>) semaphore(%arg15 : memref<!tpu.dma_semaphore, #tpu.memory_space<semaphore_mem>>)
    %dma_start3A_53 = arith.constant 3 : i32
    %dma_start3A_54 = arith.constant 3 : i32
    %dma_start3A_55 = arith.constant 3 : i32
    %dma_start3A_56 = arith.constant 0 : i32
    %dma_start3A_57 = arith.constant 0 : i32
    %dma_start3A_58 = tpu.memref_slice %arg12[%dma_start3A_55, %dma_start3A_56, %dma_start3A_57] : memref<4x128x32xf32, #tpu.memory_space<vmem>> -> memref<1x128x32xf32, #tpu.memory_space<vmem>>
    %dma_start3A_59 = tpu.memref_squeeze %dma_start3A_58 : memref<1x128x32xf32, #tpu.memory_space<vmem>> -> memref<128x32xf32, #tpu.memory_space<vmem>>
    %dma_start3A_60 = arith.constant 0 : i32
    %dma_start3A_61 = arith.constant 0 : i32
    %dma_start3A_62 = tpu.memref_slice %arg11[%dma_start3A_53, %dma_start3A_60, %dma_start3A_61] : memref<4x4x128xi32, #tpu.memory_space<vmem>> -> memref<1x4x128xi32, #tpu.memory_space<vmem>>
    %dma_start3A_63 = tpu.memref_squeeze %dma_start3A_62 : memref<1x4x128xi32, #tpu.memory_space<vmem>> -> memref<4x128xi32, #tpu.memory_space<vmem>>
    %dma_start3A_64 = arith.constant 0 : i32
    %dma_start3A_65 = tpu.memref_slice %dma_start3A_63[%dma_start3A_54, %dma_start3A_64] : memref<4x128xi32, #tpu.memory_space<vmem>> -> memref<1x128xi32, #tpu.memory_space<vmem>>
    %dma_start3A_66 = tpu.memref_squeeze %dma_start3A_65 : memref<1x128xi32, #tpu.memory_space<vmem>> -> memref<128xi32, #tpu.memory_space<vmem>>
    %dma_start3A_67 = arith.constant 0 : i32
    %dma_start3A_68 = arith.constant 0 : i32
    %dma_start3A_69 = tpu.memref_slice %arg9[%dma_start3A_67, %dma_start3A_68] : memref<100000x32xf32, #tpu.memory_space<hbm>> -> memref<100000x32xf32, #tpu.memory_space<hbm>>
    tpu.enqueue_indirect_dma source(%dma_start3A_69 : memref<100000x32xf32, #tpu.memory_space<hbm>>) target(%dma_start3A_59 : memref<128x32xf32, #tpu.memory_space<vmem>>) offsets(%dma_start3A_66 : memref<128xi32, #tpu.memory_space<vmem>>) semaphore(%arg15 : memref<!tpu.dma_semaphore, #tpu.memory_space<semaphore_mem>>)
    "tpu.region"() ({
      %run_scoped3A_280 = tpu.sem_alloc : memref<!tpu.dma_semaphore, #tpu.memory_space<semaphore_mem>>
      %dma_start3A_281 = arith.constant 0 : i32
      %dma_start3A_282 = arith.constant 0 : i32
      %dma_start3A_283 = tpu.memref_slice %arg14[%dma_start3A_281, %dma_start3A_282] : memref<30x32xf32, #tpu.memory_space<vmem>> -> memref<2x32xf32, #tpu.memory_space<vmem>>
      %dma_start3A_284 = arith.constant 0 : i32
      %dma_start3A_285 = arith.constant 0 : i32
      %dma_start3A_286 = tpu.memref_slice %arg14[%dma_start3A_284, %dma_start3A_285] : memref<30x32xf32, #tpu.memory_space<vmem>> -> memref<2x32xf32, #tpu.memory_space<vmem>>
      tpu.enqueue_dma source(%arg6 : memref<2x32xf32, #tpu.memory_space<hbm>>) target(%dma_start3A_286 : memref<2x32xf32, #tpu.memory_space<vmem>>) target_semaphore(%run_scoped3A_280 : memref<!tpu.dma_semaphore, #tpu.memory_space<semaphore_mem>>)
      %dma_wait3A_287 = arith.constant 0 : i32
      %dma_wait3A_288 = arith.constant 0 : i32
      %dma_wait3A_289 = tpu.memref_slice %arg14[%dma_wait3A_287, %dma_wait3A_288] : memref<30x32xf32, #tpu.memory_space<vmem>> -> memref<2x32xf32, #tpu.memory_space<vmem>>
      %dma_wait3A_290 = arith.constant 0 : i32
      %dma_wait3A_291 = arith.constant 0 : i32
      %dma_wait3A_292 = tpu.memref_slice %arg14[%dma_wait3A_290, %dma_wait3A_291] : memref<30x32xf32, #tpu.memory_space<vmem>> -> memref<2x32xf32, #tpu.memory_space<vmem>>
      tpu.wait_dma2 semaphore(%run_scoped3A_280 : memref<!tpu.dma_semaphore, #tpu.memory_space<semaphore_mem>>) src(%arg6 : memref<2x32xf32, #tpu.memory_space<hbm>>) dst(%dma_wait3A_292 : memref<2x32xf32, #tpu.memory_space<vmem>>)
      tpu.yield
    }) : () -> ()
    "tpu.region"() ({
      %run_scoped3A_280 = tpu.sem_alloc : memref<!tpu.dma_semaphore, #tpu.memory_space<semaphore_mem>>
      %dma_start3A_281 = arith.constant 2 : i32
      %dma_start3A_282 = arith.constant 0 : i32
      %dma_start3A_283 = tpu.memref_slice %arg14[%dma_start3A_281, %dma_start3A_282] : memref<30x32xf32, #tpu.memory_space<vmem>> -> memref<7x32xf32, #tpu.memory_space<vmem>>
      %dma_start3A_284 = arith.constant 2 : i32
      %dma_start3A_285 = arith.constant 0 : i32
      %dma_start3A_286 = tpu.memref_slice %arg14[%dma_start3A_284, %dma_start3A_285] : memref<30x32xf32, #tpu.memory_space<vmem>> -> memref<7x32xf32, #tpu.memory_space<vmem>>
      tpu.enqueue_dma source(%arg7 : memref<7x32xf32, #tpu.memory_space<hbm>>) target(%dma_start3A_286 : memref<7x32xf32, #tpu.memory_space<vmem>>) target_semaphore(%run_scoped3A_280 : memref<!tpu.dma_semaphore, #tpu.memory_space<semaphore_mem>>)
      %dma_wait3A_287 = arith.constant 2 : i32
      %dma_wait3A_288 = arith.constant 0 : i32
      %dma_wait3A_289 = tpu.memref_slice %arg14[%dma_wait3A_287, %dma_wait3A_288] : memref<30x32xf32, #tpu.memory_space<vmem>> -> memref<7x32xf32, #tpu.memory_space<vmem>>
      %dma_wait3A_290 = arith.constant 2 : i32
      %dma_wait3A_291 = arith.constant 0 : i32
      %dma_wait3A_292 = tpu.memref_slice %arg14[%dma_wait3A_290, %dma_wait3A_291] : memref<30x32xf32, #tpu.memory_space<vmem>> -> memref<7x32xf32, #tpu.memory_space<vmem>>
      tpu.wait_dma2 semaphore(%run_scoped3A_280 : memref<!tpu.dma_semaphore, #tpu.memory_space<semaphore_mem>>) src(%arg7 : memref<7x32xf32, #tpu.memory_space<hbm>>) dst(%dma_wait3A_292 : memref<7x32xf32, #tpu.memory_space<vmem>>)
      tpu.yield
    }) : () -> ()
    "tpu.region"() ({
      %run_scoped3A_280 = tpu.sem_alloc : memref<!tpu.dma_semaphore, #tpu.memory_space<semaphore_mem>>
      %dma_start3A_281 = arith.constant 9 : i32
      %dma_start3A_282 = arith.constant 0 : i32
      %dma_start3A_283 = tpu.memref_slice %arg14[%dma_start3A_281, %dma_start3A_282] : memref<30x32xf32, #tpu.memory_space<vmem>> -> memref<21x32xf32, #tpu.memory_space<vmem>>
      %dma_start3A_284 = arith.constant 9 : i32
      %dma_start3A_285 = arith.constant 0 : i32
      %dma_start3A_286 = tpu.memref_slice %arg14[%dma_start3A_284, %dma_start3A_285] : memref<30x32xf32, #tpu.memory_space<vmem>> -> memref<21x32xf32, #tpu.memory_space<vmem>>
      tpu.enqueue_dma source(%arg8 : memref<21x32xf32, #tpu.memory_space<hbm>>) target(%dma_start3A_286 : memref<21x32xf32, #tpu.memory_space<vmem>>) target_semaphore(%run_scoped3A_280 : memref<!tpu.dma_semaphore, #tpu.memory_space<semaphore_mem>>)
      %dma_wait3A_287 = arith.constant 9 : i32
      %dma_wait3A_288 = arith.constant 0 : i32
      %dma_wait3A_289 = tpu.memref_slice %arg14[%dma_wait3A_287, %dma_wait3A_288] : memref<30x32xf32, #tpu.memory_space<vmem>> -> memref<21x32xf32, #tpu.memory_space<vmem>>
      %dma_wait3A_290 = arith.constant 9 : i32
      %dma_wait3A_291 = arith.constant 0 : i32
      %dma_wait3A_292 = tpu.memref_slice %arg14[%dma_wait3A_290, %dma_wait3A_291] : memref<30x32xf32, #tpu.memory_space<vmem>> -> memref<21x32xf32, #tpu.memory_space<vmem>>
      tpu.wait_dma2 semaphore(%run_scoped3A_280 : memref<!tpu.dma_semaphore, #tpu.memory_space<semaphore_mem>>) src(%arg8 : memref<21x32xf32, #tpu.memory_space<hbm>>) dst(%dma_wait3A_292 : memref<21x32xf32, #tpu.memory_space<vmem>>)
      tpu.yield
    }) : () -> ()
    %run_scoped3A_70 = arith.constant 0 : i32
    "tpu.region"() ({
      %run_scoped3A_280 = tpu.sem_alloc : memref<!tpu.dma_semaphore, #tpu.memory_space<semaphore_mem>>
      %dma_start3A_281 = arith.constant 0 : i32
      %dma_start3A_282 = arith.constant 0 : i32
      %dma_start3A_283 = tpu.memref_slice %arg11[%run_scoped3A_70, %dma_start3A_281, %dma_start3A_282] : memref<4x4x128xi32, #tpu.memory_space<vmem>> -> memref<1x4x128xi32, #tpu.memory_space<vmem>>
      %dma_start3A_284 = tpu.memref_squeeze %dma_start3A_283 : memref<1x4x128xi32, #tpu.memory_space<vmem>> -> memref<4x128xi32, #tpu.memory_space<vmem>>
      %dma_start3A_285 = arith.constant 0 : i32
      %dma_start3A_286 = tpu.memref_slice %arg2[%mul3A_2, %dma_start3A_285] : memref<128x128xi32, #tpu.memory_space<hbm>> -> memref<4x128xi32, #tpu.memory_space<hbm>>
      %dma_start3A_287 = arith.constant 0 : i32
      %dma_start3A_288 = arith.constant 0 : i32
      %dma_start3A_289 = tpu.memref_slice %arg11[%run_scoped3A_70, %dma_start3A_287, %dma_start3A_288] : memref<4x4x128xi32, #tpu.memory_space<vmem>> -> memref<1x4x128xi32, #tpu.memory_space<vmem>>
      %dma_start3A_290 = tpu.memref_squeeze %dma_start3A_289 : memref<1x4x128xi32, #tpu.memory_space<vmem>> -> memref<4x128xi32, #tpu.memory_space<vmem>>
      %dma_start3A_291 = arith.constant 0 : i32
      %dma_start3A_292 = tpu.memref_slice %arg2[%mul3A_2, %dma_start3A_291] : memref<128x128xi32, #tpu.memory_space<hbm>> -> memref<4x128xi32, #tpu.memory_space<hbm>>
      tpu.enqueue_dma source(%dma_start3A_292 : memref<4x128xi32, #tpu.memory_space<hbm>>) target(%dma_start3A_290 : memref<4x128xi32, #tpu.memory_space<vmem>>) target_semaphore(%run_scoped3A_280 : memref<!tpu.dma_semaphore, #tpu.memory_space<semaphore_mem>>)
      %dma_wait3A_293 = arith.constant 0 : i32
      %dma_wait3A_294 = arith.constant 0 : i32
      %dma_wait3A_295 = tpu.memref_slice %arg11[%run_scoped3A_70, %dma_wait3A_293, %dma_wait3A_294] : memref<4x4x128xi32, #tpu.memory_space<vmem>> -> memref<1x4x128xi32, #tpu.memory_space<vmem>>
      %dma_wait3A_296 = tpu.memref_squeeze %dma_wait3A_295 : memref<1x4x128xi32, #tpu.memory_space<vmem>> -> memref<4x128xi32, #tpu.memory_space<vmem>>
      %dma_wait3A_297 = arith.constant 0 : i32
      %dma_wait3A_298 = tpu.memref_slice %arg2[%mul3A_2, %dma_wait3A_297] : memref<128x128xi32, #tpu.memory_space<hbm>> -> memref<4x128xi32, #tpu.memory_space<hbm>>
      %dma_wait3A_299 = arith.constant 0 : i32
      %dma_wait3A_300 = arith.constant 0 : i32
      %dma_wait3A_301 = tpu.memref_slice %arg11[%run_scoped3A_70, %dma_wait3A_299, %dma_wait3A_300] : memref<4x4x128xi32, #tpu.memory_space<vmem>> -> memref<1x4x128xi32, #tpu.memory_space<vmem>>
      %dma_wait3A_302 = tpu.memref_squeeze %dma_wait3A_301 : memref<1x4x128xi32, #tpu.memory_space<vmem>> -> memref<4x128xi32, #tpu.memory_space<vmem>>
      %dma_wait3A_303 = arith.constant 0 : i32
      %dma_wait3A_304 = tpu.memref_slice %arg2[%mul3A_2, %dma_wait3A_303] : memref<128x128xi32, #tpu.memory_space<hbm>> -> memref<4x128xi32, #tpu.memory_space<hbm>>
      tpu.wait_dma2 semaphore(%run_scoped3A_280 : memref<!tpu.dma_semaphore, #tpu.memory_space<semaphore_mem>>) src(%dma_wait3A_304 : memref<4x128xi32, #tpu.memory_space<hbm>>) dst(%dma_wait3A_302 : memref<4x128xi32, #tpu.memory_space<vmem>>)
      tpu.yield
    }) : () -> ()
    %run_scoped3A_71 = arith.constant 1 : i32
    "tpu.region"() ({
      %run_scoped3A_280 = tpu.sem_alloc : memref<!tpu.dma_semaphore, #tpu.memory_space<semaphore_mem>>
      %dma_start3A_281 = arith.constant 0 : i32
      %dma_start3A_282 = arith.constant 0 : i32
      %dma_start3A_283 = tpu.memref_slice %arg11[%run_scoped3A_71, %dma_start3A_281, %dma_start3A_282] : memref<4x4x128xi32, #tpu.memory_space<vmem>> -> memref<1x4x128xi32, #tpu.memory_space<vmem>>
      %dma_start3A_284 = tpu.memref_squeeze %dma_start3A_283 : memref<1x4x128xi32, #tpu.memory_space<vmem>> -> memref<4x128xi32, #tpu.memory_space<vmem>>
      %dma_start3A_285 = arith.constant 0 : i32
      %dma_start3A_286 = tpu.memref_slice %arg3[%mul3A_2, %dma_start3A_285] : memref<128x128xi32, #tpu.memory_space<hbm>> -> memref<4x128xi32, #tpu.memory_space<hbm>>
      %dma_start3A_287 = arith.constant 0 : i32
      %dma_start3A_288 = arith.constant 0 : i32
      %dma_start3A_289 = tpu.memref_slice %arg11[%run_scoped3A_71, %dma_start3A_287, %dma_start3A_288] : memref<4x4x128xi32, #tpu.memory_space<vmem>> -> memref<1x4x128xi32, #tpu.memory_space<vmem>>
      %dma_start3A_290 = tpu.memref_squeeze %dma_start3A_289 : memref<1x4x128xi32, #tpu.memory_space<vmem>> -> memref<4x128xi32, #tpu.memory_space<vmem>>
      %dma_start3A_291 = arith.constant 0 : i32
      %dma_start3A_292 = tpu.memref_slice %arg3[%mul3A_2, %dma_start3A_291] : memref<128x128xi32, #tpu.memory_space<hbm>> -> memref<4x128xi32, #tpu.memory_space<hbm>>
      tpu.enqueue_dma source(%dma_start3A_292 : memref<4x128xi32, #tpu.memory_space<hbm>>) target(%dma_start3A_290 : memref<4x128xi32, #tpu.memory_space<vmem>>) target_semaphore(%run_scoped3A_280 : memref<!tpu.dma_semaphore, #tpu.memory_space<semaphore_mem>>)
      %dma_wait3A_293 = arith.constant 0 : i32
      %dma_wait3A_294 = arith.constant 0 : i32
      %dma_wait3A_295 = tpu.memref_slice %arg11[%run_scoped3A_71, %dma_wait3A_293, %dma_wait3A_294] : memref<4x4x128xi32, #tpu.memory_space<vmem>> -> memref<1x4x128xi32, #tpu.memory_space<vmem>>
      %dma_wait3A_296 = tpu.memref_squeeze %dma_wait3A_295 : memref<1x4x128xi32, #tpu.memory_space<vmem>> -> memref<4x128xi32, #tpu.memory_space<vmem>>
      %dma_wait3A_297 = arith.constant 0 : i32
      %dma_wait3A_298 = tpu.memref_slice %arg3[%mul3A_2, %dma_wait3A_297] : memref<128x128xi32, #tpu.memory_space<hbm>> -> memref<4x128xi32, #tpu.memory_space<hbm>>
      %dma_wait3A_299 = arith.constant 0 : i32
      %dma_wait3A_300 = arith.constant 0 : i32
      %dma_wait3A_301 = tpu.memref_slice %arg11[%run_scoped3A_71, %dma_wait3A_299, %dma_wait3A_300] : memref<4x4x128xi32, #tpu.memory_space<vmem>> -> memref<1x4x128xi32, #tpu.memory_space<vmem>>
      %dma_wait3A_302 = tpu.memref_squeeze %dma_wait3A_301 : memref<1x4x128xi32, #tpu.memory_space<vmem>> -> memref<4x128xi32, #tpu.memory_space<vmem>>
      %dma_wait3A_303 = arith.constant 0 : i32
      %dma_wait3A_304 = tpu.memref_slice %arg3[%mul3A_2, %dma_wait3A_303] : memref<128x128xi32, #tpu.memory_space<hbm>> -> memref<4x128xi32, #tpu.memory_space<hbm>>
      tpu.wait_dma2 semaphore(%run_scoped3A_280 : memref<!tpu.dma_semaphore, #tpu.memory_space<semaphore_mem>>) src(%dma_wait3A_304 : memref<4x128xi32, #tpu.memory_space<hbm>>) dst(%dma_wait3A_302 : memref<4x128xi32, #tpu.memory_space<vmem>>)
      tpu.yield
    }) : () -> ()
    %run_scoped3A_72 = arith.constant 2 : i32
    "tpu.region"() ({
      %run_scoped3A_280 = tpu.sem_alloc : memref<!tpu.dma_semaphore, #tpu.memory_space<semaphore_mem>>
      %dma_start3A_281 = arith.constant 0 : i32
      %dma_start3A_282 = arith.constant 0 : i32
      %dma_start3A_283 = tpu.memref_slice %arg11[%run_scoped3A_72, %dma_start3A_281, %dma_start3A_282] : memref<4x4x128xi32, #tpu.memory_space<vmem>> -> memref<1x4x128xi32, #tpu.memory_space<vmem>>
      %dma_start3A_284 = tpu.memref_squeeze %dma_start3A_283 : memref<1x4x128xi32, #tpu.memory_space<vmem>> -> memref<4x128xi32, #tpu.memory_space<vmem>>
      %dma_start3A_285 = arith.constant 0 : i32
      %dma_start3A_286 = tpu.memref_slice %arg4[%mul3A_2, %dma_start3A_285] : memref<128x128xi32, #tpu.memory_space<hbm>> -> memref<4x128xi32, #tpu.memory_space<hbm>>
      %dma_start3A_287 = arith.constant 0 : i32
      %dma_start3A_288 = arith.constant 0 : i32
      %dma_start3A_289 = tpu.memref_slice %arg11[%run_scoped3A_72, %dma_start3A_287, %dma_start3A_288] : memref<4x4x128xi32, #tpu.memory_space<vmem>> -> memref<1x4x128xi32, #tpu.memory_space<vmem>>
      %dma_start3A_290 = tpu.memref_squeeze %dma_start3A_289 : memref<1x4x128xi32, #tpu.memory_space<vmem>> -> memref<4x128xi32, #tpu.memory_space<vmem>>
      %dma_start3A_291 = arith.constant 0 : i32
      %dma_start3A_292 = tpu.memref_slice %arg4[%mul3A_2, %dma_start3A_291] : memref<128x128xi32, #tpu.memory_space<hbm>> -> memref<4x128xi32, #tpu.memory_space<hbm>>
      tpu.enqueue_dma source(%dma_start3A_292 : memref<4x128xi32, #tpu.memory_space<hbm>>) target(%dma_start3A_290 : memref<4x128xi32, #tpu.memory_space<vmem>>) target_semaphore(%run_scoped3A_280 : memref<!tpu.dma_semaphore, #tpu.memory_space<semaphore_mem>>)
      %dma_wait3A_293 = arith.constant 0 : i32
      %dma_wait3A_294 = arith.constant 0 : i32
      %dma_wait3A_295 = tpu.memref_slice %arg11[%run_scoped3A_72, %dma_wait3A_293, %dma_wait3A_294] : memref<4x4x128xi32, #tpu.memory_space<vmem>> -> memref<1x4x128xi32, #tpu.memory_space<vmem>>
      %dma_wait3A_296 = tpu.memref_squeeze %dma_wait3A_295 : memref<1x4x128xi32, #tpu.memory_space<vmem>> -> memref<4x128xi32, #tpu.memory_space<vmem>>
      %dma_wait3A_297 = arith.constant 0 : i32
      %dma_wait3A_298 = tpu.memref_slice %arg4[%mul3A_2, %dma_wait3A_297] : memref<128x128xi32, #tpu.memory_space<hbm>> -> memref<4x128xi32, #tpu.memory_space<hbm>>
      %dma_wait3A_299 = arith.constant 0 : i32
      %dma_wait3A_300 = arith.constant 0 : i32
      %dma_wait3A_301 = tpu.memref_slice %arg11[%run_scoped3A_72, %dma_wait3A_299, %dma_wait3A_300] : memref<4x4x128xi32, #tpu.memory_space<vmem>> -> memref<1x4x128xi32, #tpu.memory_space<vmem>>
      %dma_wait3A_302 = tpu.memref_squeeze %dma_wait3A_301 : memref<1x4x128xi32, #tpu.memory_space<vmem>> -> memref<4x128xi32, #tpu.memory_space<vmem>>
      %dma_wait3A_303 = arith.constant 0 : i32
      %dma_wait3A_304 = tpu.memref_slice %arg4[%mul3A_2, %dma_wait3A_303] : memref<128x128xi32, #tpu.memory_space<hbm>> -> memref<4x128xi32, #tpu.memory_space<hbm>>
      tpu.wait_dma2 semaphore(%run_scoped3A_280 : memref<!tpu.dma_semaphore, #tpu.memory_space<semaphore_mem>>) src(%dma_wait3A_304 : memref<4x128xi32, #tpu.memory_space<hbm>>) dst(%dma_wait3A_302 : memref<4x128xi32, #tpu.memory_space<vmem>>)
      tpu.yield
    }) : () -> ()
    %iota3A = tpu.iota {dimensions = array<i32: 0>} : vector<16xi32>
    %scan3A = arith.constant 0 : i32
    %scan3A_73 = arith.constant 32 : i32
    %scan3A_74 = arith.addi %scan3A, %scan3A_73 : i32
    %scan3A_75 = arith.constant 1 : i32
    scf.for %scan3A_280 = %scan3A to %scan3A_74 step %scan3A_75  : i32 {
      %jit3A = arith.constant 8 : i32
      %div3A = arith.divsi %scan3A_280, %jit3A : i32
      %sign3A = arith.constant 0 : i32
      %sign3A_281 = arith.cmpi sgt, %scan3A_280, %sign3A : i32
      %sign3A_282 = arith.extui %sign3A_281 : i1 to i32
      %sign3A_283 = arith.constant 0 : i32
      %sign3A_284 = arith.cmpi slt, %scan3A_280, %sign3A_283 : i32
      %sign3A_285 = arith.extui %sign3A_284 : i1 to i32
      %sign3A_286 = arith.subi %sign3A_282, %sign3A_285 : i32
      %sign3A_287 = arith.constant 0 : i32
      %sign3A_288 = arith.cmpi sgt, %jit3A, %sign3A_287 : i32
      %sign3A_289 = arith.extui %sign3A_288 : i1 to i32
      %sign3A_290 = arith.constant 0 : i32
      %sign3A_291 = arith.cmpi slt, %jit3A, %sign3A_290 : i32
      %sign3A_292 = arith.extui %sign3A_291 : i1 to i32
      %sign3A_293 = arith.subi %sign3A_289, %sign3A_292 : i32
      %ne3A = arith.cmpi ne, %sign3A_286, %sign3A_293 : i32
      %rem3A = arith.remsi %scan3A_280, %jit3A : i32
      %ne3A_294 = arith.constant 0 : i32
      %ne3A_295 = arith.cmpi ne, %rem3A, %ne3A_294 : i32
      %and3A = arith.andi %ne3A, %ne3A_295 : i1
      %sub3A = arith.constant 1 : i32
      %sub3A_296 = arith.subi %div3A, %sub3A : i32
      %select_n3A = arith.select %and3A, %sub3A_296, %div3A : i32
      %jit3A_297 = arith.constant 8 : i32
      %eq3A = arith.constant 0 : i32
      %eq3A_298 = arith.cmpi eq, %jit3A_297, %eq3A : i32
      %jit3A_299 = arith.constant 1 : i32
      %select_n3A_300 = arith.select %eq3A_298, %jit3A_299, %jit3A_297 : i32
      %rem3A_301 = arith.remsi %scan3A_280, %select_n3A_300 : i32
      %ne3A_302 = arith.constant 0 : i32
      %ne3A_303 = arith.cmpi ne, %rem3A_301, %ne3A_302 : i32
      %lt3A = arith.constant 0 : i32
      %lt3A_304 = arith.cmpi slt, %rem3A_301, %lt3A : i32
      %lt3A_305 = arith.constant 0 : i32
      %lt3A_306 = arith.cmpi slt, %select_n3A_300, %lt3A_305 : i32
      %ne3A_307 = arith.xori %lt3A_304, %lt3A_306 : i1
      %and3A_308 = arith.andi %ne3A_307, %ne3A_303 : i1
      %add3A_309 = arith.addi %rem3A_301, %select_n3A_300 : i32
      %select_n3A_310 = arith.select %and3A_308, %add3A_309, %rem3A_301 : i32
      %mul3A_311 = arith.constant 16 : i32
      %mul3A_312 = arith.muli %select_n3A_310, %mul3A_311 : i32
      %get3A = arith.constant 0 : i32
      %get3A_313 = arith.index_cast %get3A : i32 to index
      %get3A_314 = arith.index_cast %select_n3A : i32 to index
      %get3A_315 = arith.index_cast %mul3A_312 : i32 to index
      %get3A_316 = tpu.vector_load %arg11[%get3A_313, %get3A_314, %get3A_315] {strides = array<i32>} : memref<4x4x128xi32, #tpu.memory_space<vmem>>, vector<16xi32>,
      %add3A_317 = arith.constant 0 : i32
      %add3A_318 = vector.broadcast %add3A_317 : i32 to vector<16xi32>
      %add3A_319 = arith.addi %get3A_316, %add3A_318 : vector<16xi32>
      %broadcast_in_dim3A = arith.constant 0 : i32
      %broadcast_in_dim3A_320 = vector.broadcast %broadcast_in_dim3A : i32 to vector<16xi32>
      %lt3A_321 = arith.constant 0 : i32
      %lt3A_322 = vector.broadcast %lt3A_321 : i32 to vector<16xi32>
      %lt3A_323 = arith.cmpi slt, %broadcast_in_dim3A_320, %lt3A_322 : vector<16xi32>
      %add3A_324 = arith.constant 16 : i32
      %add3A_325 = vector.broadcast %add3A_324 : i32 to vector<16xi32>
      %add3A_326 = arith.addi %broadcast_in_dim3A_320, %add3A_325 : vector<16xi32>
      %select_n3A_327 = arith.select %lt3A_323, %add3A_326, %broadcast_in_dim3A_320 : vector<16xi1>, vector<16xi32>
      %reshape3A = vector.shape_cast %select_n3A_327 : vector<16xi32> to vector<16x1xi32>
      %gather3A = vector.shape_cast %reshape3A : vector<16x1xi32> to vector<16xi32>
      %gather3A_328 = tpu.dynamic_gather %add3A_319[%gather3A] in [0] : vector<16xi32>, vector<16xi32> -> vector<16xi32>
      %mul3A_329 = arith.constant 16 : i32
      %mul3A_330 = arith.muli %select_n3A_310, %mul3A_329 : i32
      %add3A_331 = arith.constant 0 : i32
      %add3A_332 = arith.addi %mul3A_330, %add3A_331 : i32
      %mul3A_333 = arith.constant 128 : i32
      %mul3A_334 = arith.muli %add3A_332, %mul3A_333 : i32
      %add3A_335 = arith.constant 0 : i32
      %add3A_336 = arith.addi %mul3A_334, %add3A_335 : i32
      %add3A_337 = arith.constant 0 : i32
      %add3A_338 = vector.broadcast %add3A_337 : i32 to vector<16xi32>
      %add3A_339 = arith.addi %iota3A, %add3A_338 : vector<16xi32>
      %gather3A_340 = tpu.vector_load_idx %arg14[%gather3A_328, %add3A_339] : memref<30x32xf32, #tpu.memory_space<vmem>>[vector<16xi32>, vector<16xi32>], vector<16xf32>,
      %add3A_341 = arith.constant 0 : i32
      %add3A_342 = arith.addi %add3A_336, %add3A_341 : i32
      %swap3A = arith.index_cast %select_n3A : i32 to index
      %swap3A_343 = arith.index_cast %add3A_342 : i32 to index
      %swap3A_344 = tpu.vector_load %arg13[%swap3A, %swap3A_343] {strides = array<i32>} : memref<4x16384xf32, #tpu.memory_space<vmem>>, vector<16xf32>,
      tpu.vector_store %arg13[%swap3A, %swap3A_343], %gather3A_340 {strides = array<i32>} : memref<4x16384xf32, #tpu.memory_space<vmem>>, vector<16xf32>,
      %add3A_345 = arith.constant 16 : i32
      %add3A_346 = vector.broadcast %add3A_345 : i32 to vector<16xi32>
      %add3A_347 = arith.addi %iota3A, %add3A_346 : vector<16xi32>
      %gather3A_348 = tpu.vector_load_idx %arg14[%gather3A_328, %add3A_347] : memref<30x32xf32, #tpu.memory_space<vmem>>[vector<16xi32>, vector<16xi32>], vector<16xf32>,
      %add3A_349 = arith.constant 16 : i32
      %add3A_350 = arith.addi %add3A_336, %add3A_349 : i32
      %swap3A_351 = arith.index_cast %select_n3A : i32 to index
      %swap3A_352 = arith.index_cast %add3A_350 : i32 to index
      %swap3A_353 = tpu.vector_load %arg13[%swap3A_351, %swap3A_352] {strides = array<i32>} : memref<4x16384xf32, #tpu.memory_space<vmem>>, vector<16xf32>,
      tpu.vector_store %arg13[%swap3A_351, %swap3A_352], %gather3A_348 {strides = array<i32>} : memref<4x16384xf32, #tpu.memory_space<vmem>>, vector<16xf32>,
      %broadcast_in_dim3A_354 = arith.constant 1 : i32
      %broadcast_in_dim3A_355 = vector.broadcast %broadcast_in_dim3A_354 : i32 to vector<16xi32>
      %lt3A_356 = arith.constant 0 : i32
      %lt3A_357 = vector.broadcast %lt3A_356 : i32 to vector<16xi32>
      %lt3A_358 = arith.cmpi slt, %broadcast_in_dim3A_355, %lt3A_357 : vector<16xi32>
      %add3A_359 = arith.constant 16 : i32
      %add3A_360 = vector.broadcast %add3A_359 : i32 to vector<16xi32>
      %add3A_361 = arith.addi %broadcast_in_dim3A_355, %add3A_360 : vector<16xi32>
      %select_n3A_362 = arith.select %lt3A_358, %add3A_361, %broadcast_in_dim3A_355 : vector<16xi1>, vector<16xi32>
      %reshape3A_363 = vector.shape_cast %select_n3A_362 : vector<16xi32> to vector<16x1xi32>
      %gather3A_364 = vector.shape_cast %reshape3A_363 : vector<16x1xi32> to vector<16xi32>
      %gather3A_365 = tpu.dynamic_gather %add3A_319[%gather3A_364] in [0] : vector<16xi32>, vector<16xi32> -> vector<16xi32>
      %mul3A_366 = arith.constant 16 : i32
      %mul3A_367 = arith.muli %select_n3A_310, %mul3A_366 : i32
      %add3A_368 = arith.constant 1 : i32
      %add3A_369 = arith.addi %mul3A_367, %add3A_368 : i32
      %mul3A_370 = arith.constant 128 : i32
      %mul3A_371 = arith.muli %add3A_369, %mul3A_370 : i32
      %add3A_372 = arith.constant 0 : i32
      %add3A_373 = arith.addi %mul3A_371, %add3A_372 : i32
      %add3A_374 = arith.constant 0 : i32
      %add3A_375 = vector.broadcast %add3A_374 : i32 to vector<16xi32>
      %add3A_376 = arith.addi %iota3A, %add3A_375 : vector<16xi32>
      %gather3A_377 = tpu.vector_load_idx %arg14[%gather3A_365, %add3A_376] : memref<30x32xf32, #tpu.memory_space<vmem>>[vector<16xi32>, vector<16xi32>], vector<16xf32>,
      %add3A_378 = arith.constant 0 : i32
      %add3A_379 = arith.addi %add3A_373, %add3A_378 : i32
      %swap3A_380 = arith.index_cast %select_n3A : i32 to index
      %swap3A_381 = arith.index_cast %add3A_379 : i32 to index
      %swap3A_382 = tpu.vector_load %arg13[%swap3A_380, %swap3A_381] {strides = array<i32>} : memref<4x16384xf32, #tpu.memory_space<vmem>>, vector<16xf32>,
      tpu.vector_store %arg13[%swap3A_380, %swap3A_381], %gather3A_377 {strides = array<i32>} : memref<4x16384xf32, #tpu.memory_space<vmem>>, vector<16xf32>,
      %add3A_383 = arith.constant 16 : i32
      %add3A_384 = vector.broadcast %add3A_383 : i32 to vector<16xi32>
      %add3A_385 = arith.addi %iota3A, %add3A_384 : vector<16xi32>
      %gather3A_386 = tpu.vector_load_idx %arg14[%gather3A_365, %add3A_385] : memref<30x32xf32, #tpu.memory_space<vmem>>[vector<16xi32>, vector<16xi32>], vector<16xf32>,
      %add3A_387 = arith.constant 16 : i32
      %add3A_388 = arith.addi %add3A_373, %add3A_387 : i32
      %swap3A_389 = arith.index_cast %select_n3A : i32 to index
      %swap3A_390 = arith.index_cast %add3A_388 : i32 to index
      %swap3A_391 = tpu.vector_load %arg13[%swap3A_389, %swap3A_390] {strides = array<i32>} : memref<4x16384xf32, #tpu.memory_space<vmem>>, vector<16xf32>,
      tpu.vector_store %arg13[%swap3A_389, %swap3A_390], %gather3A_386 {strides = array<i32>} : memref<4x16384xf32, #tpu.memory_space<vmem>>, vector<16xf32>,
      %broadcast_in_dim3A_392 = arith.constant 2 : i32
      %broadcast_in_dim3A_393 = vector.broadcast %broadcast_in_dim3A_392 : i32 to vector<16xi32>
      %lt3A_394 = arith.constant 0 : i32
      %lt3A_395 = vector.broadcast %lt3A_394 : i32 to vector<16xi32>
      %lt3A_396 = arith.cmpi slt, %broadcast_in_dim3A_393, %lt3A_395 : vector<16xi32>
      %add3A_397 = arith.constant 16 : i32
      %add3A_398 = vector.broadcast %add3A_397 : i32 to vector<16xi32>
      %add3A_399 = arith.addi %broadcast_in_dim3A_393, %add3A_398 : vector<16xi32>
      %select_n3A_400 = arith.select %lt3A_396, %add3A_399, %broadcast_in_dim3A_393 : vector<16xi1>, vector<16xi32>
      %reshape3A_401 = vector.shape_cast %select_n3A_400 : vector<16xi32> to vector<16x1xi32>
      %gather3A_402 = vector.shape_cast %reshape3A_401 : vector<16x1xi32> to vector<16xi32>
      %gather3A_403 = tpu.dynamic_gather %add3A_319[%gather3A_402] in [0] : vector<16xi32>, vector<16xi32> -> vector<16xi32>
      %mul3A_404 = arith.constant 16 : i32
      %mul3A_405 = arith.muli %select_n3A_310, %mul3A_404 : i32
      %add3A_406 = arith.constant 2 : i32
      %add3A_407 = arith.addi %mul3A_405, %add3A_406 : i32
      %mul3A_408 = arith.constant 128 : i32
      %mul3A_409 = arith.muli %add3A_407, %mul3A_408 : i32
      %add3A_410 = arith.constant 0 : i32
      %add3A_411 = arith.addi %mul3A_409, %add3A_410 : i32
      %add3A_412 = arith.constant 0 : i32
      %add3A_413 = vector.broadcast %add3A_412 : i32 to vector<16xi32>
      %add3A_414 = arith.addi %iota3A, %add3A_413 : vector<16xi32>
      %gather3A_415 = tpu.vector_load_idx %arg14[%gather3A_403, %add3A_414] : memref<30x32xf32, #tpu.memory_space<vmem>>[vector<16xi32>, vector<16xi32>], vector<16xf32>,
      %add3A_416 = arith.constant 0 : i32
      %add3A_417 = arith.addi %add3A_411, %add3A_416 : i32
      %swap3A_418 = arith.index_cast %select_n3A : i32 to index
      %swap3A_419 = arith.index_cast %add3A_417 : i32 to index
      %swap3A_420 = tpu.vector_load %arg13[%swap3A_418, %swap3A_419] {strides = array<i32>} : memref<4x16384xf32, #tpu.memory_space<vmem>>, vector<16xf32>,
      tpu.vector_store %arg13[%swap3A_418, %swap3A_419], %gather3A_415 {strides = array<i32>} : memref<4x16384xf32, #tpu.memory_space<vmem>>, vector<16xf32>,
      %add3A_421 = arith.constant 16 : i32
      %add3A_422 = vector.broadcast %add3A_421 : i32 to vector<16xi32>
      %add3A_423 = arith.addi %iota3A, %add3A_422 : vector<16xi32>
      %gather3A_424 = tpu.vector_load_idx %arg14[%gather3A_403, %add3A_423] : memref<30x32xf32, #tpu.memory_space<vmem>>[vector<16xi32>, vector<16xi32>], vector<16xf32>,
      %add3A_425 = arith.constant 16 : i32
      %add3A_426 = arith.addi %add3A_411, %add3A_425 : i32
      %swap3A_427 = arith.index_cast %select_n3A : i32 to index
      %swap3A_428 = arith.index_cast %add3A_426 : i32 to index
      %swap3A_429 = tpu.vector_load %arg13[%swap3A_427, %swap3A_428] {strides = array<i32>} : memref<4x16384xf32, #tpu.memory_space<vmem>>, vector<16xf32>,
      tpu.vector_store %arg13[%swap3A_427, %swap3A_428], %gather3A_424 {strides = array<i32>} : memref<4x16384xf32, #tpu.memory_space<vmem>>, vector<16xf32>,
      %broadcast_in_dim3A_430 = arith.constant 3 : i32
      %broadcast_in_dim3A_431 = vector.broadcast %broadcast_in_dim3A_430 : i32 to vector<16xi32>
      %lt3A_432 = arith.constant 0 : i32
      %lt3A_433 = vector.broadcast %lt3A_432 : i32 to vector<16xi32>
      %lt3A_434 = arith.cmpi slt, %broadcast_in_dim3A_431, %lt3A_433 : vector<16xi32>
      %add3A_435 = arith.constant 16 : i32
      %add3A_436 = vector.broadcast %add3A_435 : i32 to vector<16xi32>
      %add3A_437 = arith.addi %broadcast_in_dim3A_431, %add3A_436 : vector<16xi32>
      %select_n3A_438 = arith.select %lt3A_434, %add3A_437, %broadcast_in_dim3A_431 : vector<16xi1>, vector<16xi32>
      %reshape3A_439 = vector.shape_cast %select_n3A_438 : vector<16xi32> to vector<16x1xi32>
      %gather3A_440 = vector.shape_cast %reshape3A_439 : vector<16x1xi32> to vector<16xi32>
      %gather3A_441 = tpu.dynamic_gather %add3A_319[%gather3A_440] in [0] : vector<16xi32>, vector<16xi32> -> vector<16xi32>
      %mul3A_442 = arith.constant 16 : i32
      %mul3A_443 = arith.muli %select_n3A_310, %mul3A_442 : i32
      %add3A_444 = arith.constant 3 : i32
      %add3A_445 = arith.addi %mul3A_443, %add3A_444 : i32
      %mul3A_446 = arith.constant 128 : i32
      %mul3A_447 = arith.muli %add3A_445, %mul3A_446 : i32
      %add3A_448 = arith.constant 0 : i32
      %add3A_449 = arith.addi %mul3A_447, %add3A_448 : i32
      %add3A_450 = arith.constant 0 : i32
      %add3A_451 = vector.broadcast %add3A_450 : i32 to vector<16xi32>
      %add3A_452 = arith.addi %iota3A, %add3A_451 : vector<16xi32>
      %gather3A_453 = tpu.vector_load_idx %arg14[%gather3A_441, %add3A_452] : memref<30x32xf32, #tpu.memory_space<vmem>>[vector<16xi32>, vector<16xi32>], vector<16xf32>,
      %add3A_454 = arith.constant 0 : i32
      %add3A_455 = arith.addi %add3A_449, %add3A_454 : i32
      %swap3A_456 = arith.index_cast %select_n3A : i32 to index
      %swap3A_457 = arith.index_cast %add3A_455 : i32 to index
      %swap3A_458 = tpu.vector_load %arg13[%swap3A_456, %swap3A_457] {strides = array<i32>} : memref<4x16384xf32, #tpu.memory_space<vmem>>, vector<16xf32>,
      tpu.vector_store %arg13[%swap3A_456, %swap3A_457], %gather3A_453 {strides = array<i32>} : memref<4x16384xf32, #tpu.memory_space<vmem>>, vector<16xf32>,
      %add3A_459 = arith.constant 16 : i32
      %add3A_460 = vector.broadcast %add3A_459 : i32 to vector<16xi32>
      %add3A_461 = arith.addi %iota3A, %add3A_460 : vector<16xi32>
      %gather3A_462 = tpu.vector_load_idx %arg14[%gather3A_441, %add3A_461] : memref<30x32xf32, #tpu.memory_space<vmem>>[vector<16xi32>, vector<16xi32>], vector<16xf32>,
      %add3A_463 = arith.constant 16 : i32
      %add3A_464 = arith.addi %add3A_449, %add3A_463 : i32
      %swap3A_465 = arith.index_cast %select_n3A : i32 to index
      %swap3A_466 = arith.index_cast %add3A_464 : i32 to index
      %swap3A_467 = tpu.vector_load %arg13[%swap3A_465, %swap3A_466] {strides = array<i32>} : memref<4x16384xf32, #tpu.memory_space<vmem>>, vector<16xf32>,
      tpu.vector_store %arg13[%swap3A_465, %swap3A_466], %gather3A_462 {strides = array<i32>} : memref<4x16384xf32, #tpu.memory_space<vmem>>, vector<16xf32>,
      %broadcast_in_dim3A_468 = arith.constant 4 : i32
      %broadcast_in_dim3A_469 = vector.broadcast %broadcast_in_dim3A_468 : i32 to vector<16xi32>
      %lt3A_470 = arith.constant 0 : i32
      %lt3A_471 = vector.broadcast %lt3A_470 : i32 to vector<16xi32>
      %lt3A_472 = arith.cmpi slt, %broadcast_in_dim3A_469, %lt3A_471 : vector<16xi32>
      %add3A_473 = arith.constant 16 : i32
      %add3A_474 = vector.broadcast %add3A_473 : i32 to vector<16xi32>
      %add3A_475 = arith.addi %broadcast_in_dim3A_469, %add3A_474 : vector<16xi32>
      %select_n3A_476 = arith.select %lt3A_472, %add3A_475, %broadcast_in_dim3A_469 : vector<16xi1>, vector<16xi32>
      %reshape3A_477 = vector.shape_cast %select_n3A_476 : vector<16xi32> to vector<16x1xi32>
      %gather3A_478 = vector.shape_cast %reshape3A_477 : vector<16x1xi32> to vector<16xi32>
      %gather3A_479 = tpu.dynamic_gather %add3A_319[%gather3A_478] in [0] : vector<16xi32>, vector<16xi32> -> vector<16xi32>
      %mul3A_480 = arith.constant 16 : i32
      %mul3A_481 = arith.muli %select_n3A_310, %mul3A_480 : i32
      %add3A_482 = arith.constant 4 : i32
      %add3A_483 = arith.addi %mul3A_481, %add3A_482 : i32
      %mul3A_484 = arith.constant 128 : i32
      %mul3A_485 = arith.muli %add3A_483, %mul3A_484 : i32
      %add3A_486 = arith.constant 0 : i32
      %add3A_487 = arith.addi %mul3A_485, %add3A_486 : i32
      %add3A_488 = arith.constant 0 : i32
      %add3A_489 = vector.broadcast %add3A_488 : i32 to vector<16xi32>
      %add3A_490 = arith.addi %iota3A, %add3A_489 : vector<16xi32>
      %gather3A_491 = tpu.vector_load_idx %arg14[%gather3A_479, %add3A_490] : memref<30x32xf32, #tpu.memory_space<vmem>>[vector<16xi32>, vector<16xi32>], vector<16xf32>,
      %add3A_492 = arith.constant 0 : i32
      %add3A_493 = arith.addi %add3A_487, %add3A_492 : i32
      %swap3A_494 = arith.index_cast %select_n3A : i32 to index
      %swap3A_495 = arith.index_cast %add3A_493 : i32 to index
      %swap3A_496 = tpu.vector_load %arg13[%swap3A_494, %swap3A_495] {strides = array<i32>} : memref<4x16384xf32, #tpu.memory_space<vmem>>, vector<16xf32>,
      tpu.vector_store %arg13[%swap3A_494, %swap3A_495], %gather3A_491 {strides = array<i32>} : memref<4x16384xf32, #tpu.memory_space<vmem>>, vector<16xf32>,
      %add3A_497 = arith.constant 16 : i32
      %add3A_498 = vector.broadcast %add3A_497 : i32 to vector<16xi32>
      %add3A_499 = arith.addi %iota3A, %add3A_498 : vector<16xi32>
      %gather3A_500 = tpu.vector_load_idx %arg14[%gather3A_479, %add3A_499] : memref<30x32xf32, #tpu.memory_space<vmem>>[vector<16xi32>, vector<16xi32>], vector<16xf32>,
      %add3A_501 = arith.constant 16 : i32
      %add3A_502 = arith.addi %add3A_487, %add3A_501 : i32
      %swap3A_503 = arith.index_cast %select_n3A : i32 to index
      %swap3A_504 = arith.index_cast %add3A_502 : i32 to index
      %swap3A_505 = tpu.vector_load %arg13[%swap3A_503, %swap3A_504] {strides = array<i32>} : memref<4x16384xf32, #tpu.memory_space<vmem>>, vector<16xf32>,
      tpu.vector_store %arg13[%swap3A_503, %swap3A_504], %gather3A_500 {strides = array<i32>} : memref<4x16384xf32, #tpu.memory_space<vmem>>, vector<16xf32>,
      %broadcast_in_dim3A_506 = arith.constant 5 : i32
      %broadcast_in_dim3A_507 = vector.broadcast %broadcast_in_dim3A_506 : i32 to vector<16xi32>
      %lt3A_508 = arith.constant 0 : i32
      %lt3A_509 = vector.broadcast %lt3A_508 : i32 to vector<16xi32>
      %lt3A_510 = arith.cmpi slt, %broadcast_in_dim3A_507, %lt3A_509 : vector<16xi32>
      %add3A_511 = arith.constant 16 : i32
      %add3A_512 = vector.broadcast %add3A_511 : i32 to vector<16xi32>
      %add3A_513 = arith.addi %broadcast_in_dim3A_507, %add3A_512 : vector<16xi32>
      %select_n3A_514 = arith.select %lt3A_510, %add3A_513, %broadcast_in_dim3A_507 : vector<16xi1>, vector<16xi32>
      %reshape3A_515 = vector.shape_cast %select_n3A_514 : vector<16xi32> to vector<16x1xi32>
      %gather3A_516 = vector.shape_cast %reshape3A_515 : vector<16x1xi32> to vector<16xi32>
      %gather3A_517 = tpu.dynamic_gather %add3A_319[%gather3A_516] in [0] : vector<16xi32>, vector<16xi32> -> vector<16xi32>
      %mul3A_518 = arith.constant 16 : i32
      %mul3A_519 = arith.muli %select_n3A_310, %mul3A_518 : i32
      %add3A_520 = arith.constant 5 : i32
      %add3A_521 = arith.addi %mul3A_519, %add3A_520 : i32
      %mul3A_522 = arith.constant 128 : i32
      %mul3A_523 = arith.muli %add3A_521, %mul3A_522 : i32
      %add3A_524 = arith.constant 0 : i32
      %add3A_525 = arith.addi %mul3A_523, %add3A_524 : i32
      %add3A_526 = arith.constant 0 : i32
      %add3A_527 = vector.broadcast %add3A_526 : i32 to vector<16xi32>
      %add3A_528 = arith.addi %iota3A, %add3A_527 : vector<16xi32>
      %gather3A_529 = tpu.vector_load_idx %arg14[%gather3A_517, %add3A_528] : memref<30x32xf32, #tpu.memory_space<vmem>>[vector<16xi32>, vector<16xi32>], vector<16xf32>,
      %add3A_530 = arith.constant 0 : i32
      %add3A_531 = arith.addi %add3A_525, %add3A_530 : i32
      %swap3A_532 = arith.index_cast %select_n3A : i32 to index
      %swap3A_533 = arith.index_cast %add3A_531 : i32 to index
      %swap3A_534 = tpu.vector_load %arg13[%swap3A_532, %swap3A_533] {strides = array<i32>} : memref<4x16384xf32, #tpu.memory_space<vmem>>, vector<16xf32>,
      tpu.vector_store %arg13[%swap3A_532, %swap3A_533], %gather3A_529 {strides = array<i32>} : memref<4x16384xf32, #tpu.memory_space<vmem>>, vector<16xf32>,
      %add3A_535 = arith.constant 16 : i32
      %add3A_536 = vector.broadcast %add3A_535 : i32 to vector<16xi32>
      %add3A_537 = arith.addi %iota3A, %add3A_536 : vector<16xi32>
      %gather3A_538 = tpu.vector_load_idx %arg14[%gather3A_517, %add3A_537] : memref<30x32xf32, #tpu.memory_space<vmem>>[vector<16xi32>, vector<16xi32>], vector<16xf32>,
      %add3A_539 = arith.constant 16 : i32
      %add3A_540 = arith.addi %add3A_525, %add3A_539 : i32
      %swap3A_541 = arith.index_cast %select_n3A : i32 to index
      %swap3A_542 = arith.index_cast %add3A_540 : i32 to index
      %swap3A_543 = tpu.vector_load %arg13[%swap3A_541, %swap3A_542] {strides = array<i32>} : memref<4x16384xf32, #tpu.memory_space<vmem>>, vector<16xf32>,
      tpu.vector_store %arg13[%swap3A_541, %swap3A_542], %gather3A_538 {strides = array<i32>} : memref<4x16384xf32, #tpu.memory_space<vmem>>, vector<16xf32>,
      %broadcast_in_dim3A_544 = arith.constant 6 : i32
      %broadcast_in_dim3A_545 = vector.broadcast %broadcast_in_dim3A_544 : i32 to vector<16xi32>
      %lt3A_546 = arith.constant 0 : i32
      %lt3A_547 = vector.broadcast %lt3A_546 : i32 to vector<16xi32>
      %lt3A_548 = arith.cmpi slt, %broadcast_in_dim3A_545, %lt3A_547 : vector<16xi32>
      %add3A_549 = arith.constant 16 : i32
      %add3A_550 = vector.broadcast %add3A_549 : i32 to vector<16xi32>
      %add3A_551 = arith.addi %broadcast_in_dim3A_545, %add3A_550 : vector<16xi32>
      %select_n3A_552 = arith.select %lt3A_548, %add3A_551, %broadcast_in_dim3A_545 : vector<16xi1>, vector<16xi32>
      %reshape3A_553 = vector.shape_cast %select_n3A_552 : vector<16xi32> to vector<16x1xi32>
      %gather3A_554 = vector.shape_cast %reshape3A_553 : vector<16x1xi32> to vector<16xi32>
      %gather3A_555 = tpu.dynamic_gather %add3A_319[%gather3A_554] in [0] : vector<16xi32>, vector<16xi32> -> vector<16xi32>
      %mul3A_556 = arith.constant 16 : i32
      %mul3A_557 = arith.muli %select_n3A_310, %mul3A_556 : i32
      %add3A_558 = arith.constant 6 : i32
      %add3A_559 = arith.addi %mul3A_557, %add3A_558 : i32
      %mul3A_560 = arith.constant 128 : i32
      %mul3A_561 = arith.muli %add3A_559, %mul3A_560 : i32
      %add3A_562 = arith.constant 0 : i32
      %add3A_563 = arith.addi %mul3A_561, %add3A_562 : i32
      %add3A_564 = arith.constant 0 : i32
      %add3A_565 = vector.broadcast %add3A_564 : i32 to vector<16xi32>
      %add3A_566 = arith.addi %iota3A, %add3A_565 : vector<16xi32>
      %gather3A_567 = tpu.vector_load_idx %arg14[%gather3A_555, %add3A_566] : memref<30x32xf32, #tpu.memory_space<vmem>>[vector<16xi32>, vector<16xi32>], vector<16xf32>,
      %add3A_568 = arith.constant 0 : i32
      %add3A_569 = arith.addi %add3A_563, %add3A_568 : i32
      %swap3A_570 = arith.index_cast %select_n3A : i32 to index
      %swap3A_571 = arith.index_cast %add3A_569 : i32 to index
      %swap3A_572 = tpu.vector_load %arg13[%swap3A_570, %swap3A_571] {strides = array<i32>} : memref<4x16384xf32, #tpu.memory_space<vmem>>, vector<16xf32>,
      tpu.vector_store %arg13[%swap3A_570, %swap3A_571], %gather3A_567 {strides = array<i32>} : memref<4x16384xf32, #tpu.memory_space<vmem>>, vector<16xf32>,
      %add3A_573 = arith.constant 16 : i32
      %add3A_574 = vector.broadcast %add3A_573 : i32 to vector<16xi32>
      %add3A_575 = arith.addi %iota3A, %add3A_574 : vector<16xi32>
      %gather3A_576 = tpu.vector_load_idx %arg14[%gather3A_555, %add3A_575] : memref<30x32xf32, #tpu.memory_space<vmem>>[vector<16xi32>, vector<16xi32>], vector<16xf32>,
      %add3A_577 = arith.constant 16 : i32
      %add3A_578 = arith.addi %add3A_563, %add3A_577 : i32
      %swap3A_579 = arith.index_cast %select_n3A : i32 to index
      %swap3A_580 = arith.index_cast %add3A_578 : i32 to index
      %swap3A_581 = tpu.vector_load %arg13[%swap3A_579, %swap3A_580] {strides = array<i32>} : memref<4x16384xf32, #tpu.memory_space<vmem>>, vector<16xf32>,
      tpu.vector_store %arg13[%swap3A_579, %swap3A_580], %gather3A_576 {strides = array<i32>} : memref<4x16384xf32, #tpu.memory_space<vmem>>, vector<16xf32>,
      %broadcast_in_dim3A_582 = arith.constant 7 : i32
      %broadcast_in_dim3A_583 = vector.broadcast %broadcast_in_dim3A_582 : i32 to vector<16xi32>
      %lt3A_584 = arith.constant 0 : i32
      %lt3A_585 = vector.broadcast %lt3A_584 : i32 to vector<16xi32>
      %lt3A_586 = arith.cmpi slt, %broadcast_in_dim3A_583, %lt3A_585 : vector<16xi32>
      %add3A_587 = arith.constant 16 : i32
      %add3A_588 = vector.broadcast %add3A_587 : i32 to vector<16xi32>
      %add3A_589 = arith.addi %broadcast_in_dim3A_583, %add3A_588 : vector<16xi32>
      %select_n3A_590 = arith.select %lt3A_586, %add3A_589, %broadcast_in_dim3A_583 : vector<16xi1>, vector<16xi32>
      %reshape3A_591 = vector.shape_cast %select_n3A_590 : vector<16xi32> to vector<16x1xi32>
      %gather3A_592 = vector.shape_cast %reshape3A_591 : vector<16x1xi32> to vector<16xi32>
      %gather3A_593 = tpu.dynamic_gather %add3A_319[%gather3A_592] in [0] : vector<16xi32>, vector<16xi32> -> vector<16xi32>
      %mul3A_594 = arith.constant 16 : i32
      %mul3A_595 = arith.muli %select_n3A_310, %mul3A_594 : i32
      %add3A_596 = arith.constant 7 : i32
      %add3A_597 = arith.addi %mul3A_595, %add3A_596 : i32
      %mul3A_598 = arith.constant 128 : i32
      %mul3A_599 = arith.muli %add3A_597, %mul3A_598 : i32
      %add3A_600 = arith.constant 0 : i32
      %add3A_601 = arith.addi %mul3A_599, %add3A_600 : i32
      %add3A_602 = arith.constant 0 : i32
      %add3A_603 = vector.broadcast %add3A_602 : i32 to vector<16xi32>
      %add3A_604 = arith.addi %iota3A, %add3A_603 : vector<16xi32>
      %gather3A_605 = tpu.vector_load_idx %arg14[%gather3A_593, %add3A_604] : memref<30x32xf32, #tpu.memory_space<vmem>>[vector<16xi32>, vector<16xi32>], vector<16xf32>,
      %add3A_606 = arith.constant 0 : i32
      %add3A_607 = arith.addi %add3A_601, %add3A_606 : i32
      %swap3A_608 = arith.index_cast %select_n3A : i32 to index
      %swap3A_609 = arith.index_cast %add3A_607 : i32 to index
      %swap3A_610 = tpu.vector_load %arg13[%swap3A_608, %swap3A_609] {strides = array<i32>} : memref<4x16384xf32, #tpu.memory_space<vmem>>, vector<16xf32>,
      tpu.vector_store %arg13[%swap3A_608, %swap3A_609], %gather3A_605 {strides = array<i32>} : memref<4x16384xf32, #tpu.memory_space<vmem>>, vector<16xf32>,
      %add3A_611 = arith.constant 16 : i32
      %add3A_612 = vector.broadcast %add3A_611 : i32 to vector<16xi32>
      %add3A_613 = arith.addi %iota3A, %add3A_612 : vector<16xi32>
      %gather3A_614 = tpu.vector_load_idx %arg14[%gather3A_593, %add3A_613] : memref<30x32xf32, #tpu.memory_space<vmem>>[vector<16xi32>, vector<16xi32>], vector<16xf32>,
      %add3A_615 = arith.constant 16 : i32
      %add3A_616 = arith.addi %add3A_601, %add3A_615 : i32
      %swap3A_617 = arith.index_cast %select_n3A : i32 to index
      %swap3A_618 = arith.index_cast %add3A_616 : i32 to index
      %swap3A_619 = tpu.vector_load %arg13[%swap3A_617, %swap3A_618] {strides = array<i32>} : memref<4x16384xf32, #tpu.memory_space<vmem>>, vector<16xf32>,
      tpu.vector_store %arg13[%swap3A_617, %swap3A_618], %gather3A_614 {strides = array<i32>} : memref<4x16384xf32, #tpu.memory_space<vmem>>, vector<16xf32>,
      %broadcast_in_dim3A_620 = arith.constant 8 : i32
      %broadcast_in_dim3A_621 = vector.broadcast %broadcast_in_dim3A_620 : i32 to vector<16xi32>
      %lt3A_622 = arith.constant 0 : i32
      %lt3A_623 = vector.broadcast %lt3A_622 : i32 to vector<16xi32>
      %lt3A_624 = arith.cmpi slt, %broadcast_in_dim3A_621, %lt3A_623 : vector<16xi32>
      %add3A_625 = arith.constant 16 : i32
      %add3A_626 = vector.broadcast %add3A_625 : i32 to vector<16xi32>
      %add3A_627 = arith.addi %broadcast_in_dim3A_621, %add3A_626 : vector<16xi32>
      %select_n3A_628 = arith.select %lt3A_624, %add3A_627, %broadcast_in_dim3A_621 : vector<16xi1>, vector<16xi32>
      %reshape3A_629 = vector.shape_cast %select_n3A_628 : vector<16xi32> to vector<16x1xi32>
      %gather3A_630 = vector.shape_cast %reshape3A_629 : vector<16x1xi32> to vector<16xi32>
      %gather3A_631 = tpu.dynamic_gather %add3A_319[%gather3A_630] in [0] : vector<16xi32>, vector<16xi32> -> vector<16xi32>
      %mul3A_632 = arith.constant 16 : i32
      %mul3A_633 = arith.muli %select_n3A_310, %mul3A_632 : i32
      %add3A_634 = arith.constant 8 : i32
      %add3A_635 = arith.addi %mul3A_633, %add3A_634 : i32
      %mul3A_636 = arith.constant 128 : i32
      %mul3A_637 = arith.muli %add3A_635, %mul3A_636 : i32
      %add3A_638 = arith.constant 0 : i32
      %add3A_639 = arith.addi %mul3A_637, %add3A_638 : i32
      %add3A_640 = arith.constant 0 : i32
      %add3A_641 = vector.broadcast %add3A_640 : i32 to vector<16xi32>
      %add3A_642 = arith.addi %iota3A, %add3A_641 : vector<16xi32>
      %gather3A_643 = tpu.vector_load_idx %arg14[%gather3A_631, %add3A_642] : memref<30x32xf32, #tpu.memory_space<vmem>>[vector<16xi32>, vector<16xi32>], vector<16xf32>,
      %add3A_644 = arith.constant 0 : i32
      %add3A_645 = arith.addi %add3A_639, %add3A_644 : i32
      %swap3A_646 = arith.index_cast %select_n3A : i32 to index
      %swap3A_647 = arith.index_cast %add3A_645 : i32 to index
      %swap3A_648 = tpu.vector_load %arg13[%swap3A_646, %swap3A_647] {strides = array<i32>} : memref<4x16384xf32, #tpu.memory_space<vmem>>, vector<16xf32>,
      tpu.vector_store %arg13[%swap3A_646, %swap3A_647], %gather3A_643 {strides = array<i32>} : memref<4x16384xf32, #tpu.memory_space<vmem>>, vector<16xf32>,
      %add3A_649 = arith.constant 16 : i32
      %add3A_650 = vector.broadcast %add3A_649 : i32 to vector<16xi32>
      %add3A_651 = arith.addi %iota3A, %add3A_650 : vector<16xi32>
      %gather3A_652 = tpu.vector_load_idx %arg14[%gather3A_631, %add3A_651] : memref<30x32xf32, #tpu.memory_space<vmem>>[vector<16xi32>, vector<16xi32>], vector<16xf32>,
      %add3A_653 = arith.constant 16 : i32
      %add3A_654 = arith.addi %add3A_639, %add3A_653 : i32
      %swap3A_655 = arith.index_cast %select_n3A : i32 to index
      %swap3A_656 = arith.index_cast %add3A_654 : i32 to index
      %swap3A_657 = tpu.vector_load %arg13[%swap3A_655, %swap3A_656] {strides = array<i32>} : memref<4x16384xf32, #tpu.memory_space<vmem>>, vector<16xf32>,
      tpu.vector_store %arg13[%swap3A_655, %swap3A_656], %gather3A_652 {strides = array<i32>} : memref<4x16384xf32, #tpu.memory_space<vmem>>, vector<16xf32>,
      %broadcast_in_dim3A_658 = arith.constant 9 : i32
      %broadcast_in_dim3A_659 = vector.broadcast %broadcast_in_dim3A_658 : i32 to vector<16xi32>
      %lt3A_660 = arith.constant 0 : i32
      %lt3A_661 = vector.broadcast %lt3A_660 : i32 to vector<16xi32>
      %lt3A_662 = arith.cmpi slt, %broadcast_in_dim3A_659, %lt3A_661 : vector<16xi32>
      %add3A_663 = arith.constant 16 : i32
      %add3A_664 = vector.broadcast %add3A_663 : i32 to vector<16xi32>
      %add3A_665 = arith.addi %broadcast_in_dim3A_659, %add3A_664 : vector<16xi32>
      %select_n3A_666 = arith.select %lt3A_662, %add3A_665, %broadcast_in_dim3A_659 : vector<16xi1>, vector<16xi32>
      %reshape3A_667 = vector.shape_cast %select_n3A_666 : vector<16xi32> to vector<16x1xi32>
      %gather3A_668 = vector.shape_cast %reshape3A_667 : vector<16x1xi32> to vector<16xi32>
      %gather3A_669 = tpu.dynamic_gather %add3A_319[%gather3A_668] in [0] : vector<16xi32>, vector<16xi32> -> vector<16xi32>
      %mul3A_670 = arith.constant 16 : i32
      %mul3A_671 = arith.muli %select_n3A_310, %mul3A_670 : i32
      %add3A_672 = arith.constant 9 : i32
      %add3A_673 = arith.addi %mul3A_671, %add3A_672 : i32
      %mul3A_674 = arith.constant 128 : i32
      %mul3A_675 = arith.muli %add3A_673, %mul3A_674 : i32
      %add3A_676 = arith.constant 0 : i32
      %add3A_677 = arith.addi %mul3A_675, %add3A_676 : i32
      %add3A_678 = arith.constant 0 : i32
      %add3A_679 = vector.broadcast %add3A_678 : i32 to vector<16xi32>
      %add3A_680 = arith.addi %iota3A, %add3A_679 : vector<16xi32>
      %gather3A_681 = tpu.vector_load_idx %arg14[%gather3A_669, %add3A_680] : memref<30x32xf32, #tpu.memory_space<vmem>>[vector<16xi32>, vector<16xi32>], vector<16xf32>,
      %add3A_682 = arith.constant 0 : i32
      %add3A_683 = arith.addi %add3A_677, %add3A_682 : i32
      %swap3A_684 = arith.index_cast %select_n3A : i32 to index
      %swap3A_685 = arith.index_cast %add3A_683 : i32 to index
      %swap3A_686 = tpu.vector_load %arg13[%swap3A_684, %swap3A_685] {strides = array<i32>} : memref<4x16384xf32, #tpu.memory_space<vmem>>, vector<16xf32>,
      tpu.vector_store %arg13[%swap3A_684, %swap3A_685], %gather3A_681 {strides = array<i32>} : memref<4x16384xf32, #tpu.memory_space<vmem>>, vector<16xf32>,
      %add3A_687 = arith.constant 16 : i32
      %add3A_688 = vector.broadcast %add3A_687 : i32 to vector<16xi32>
      %add3A_689 = arith.addi %iota3A, %add3A_688 : vector<16xi32>
      %gather3A_690 = tpu.vector_load_idx %arg14[%gather3A_669, %add3A_689] : memref<30x32xf32, #tpu.memory_space<vmem>>[vector<16xi32>, vector<16xi32>], vector<16xf32>,
      %add3A_691 = arith.constant 16 : i32
      %add3A_692 = arith.addi %add3A_677, %add3A_691 : i32
      %swap3A_693 = arith.index_cast %select_n3A : i32 to index
      %swap3A_694 = arith.index_cast %add3A_692 : i32 to index
      %swap3A_695 = tpu.vector_load %arg13[%swap3A_693, %swap3A_694] {strides = array<i32>} : memref<4x16384xf32, #tpu.memory_space<vmem>>, vector<16xf32>,
      tpu.vector_store %arg13[%swap3A_693, %swap3A_694], %gather3A_690 {strides = array<i32>} : memref<4x16384xf32, #tpu.memory_space<vmem>>, vector<16xf32>,
      %broadcast_in_dim3A_696 = arith.constant 10 : i32
      %broadcast_in_dim3A_697 = vector.broadcast %broadcast_in_dim3A_696 : i32 to vector<16xi32>
      %lt3A_698 = arith.constant 0 : i32
      %lt3A_699 = vector.broadcast %lt3A_698 : i32 to vector<16xi32>
      %lt3A_700 = arith.cmpi slt, %broadcast_in_dim3A_697, %lt3A_699 : vector<16xi32>
      %add3A_701 = arith.constant 16 : i32
      %add3A_702 = vector.broadcast %add3A_701 : i32 to vector<16xi32>
      %add3A_703 = arith.addi %broadcast_in_dim3A_697, %add3A_702 : vector<16xi32>
      %select_n3A_704 = arith.select %lt3A_700, %add3A_703, %broadcast_in_dim3A_697 : vector<16xi1>, vector<16xi32>
      %reshape3A_705 = vector.shape_cast %select_n3A_704 : vector<16xi32> to vector<16x1xi32>
      %gather3A_706 = vector.shape_cast %reshape3A_705 : vector<16x1xi32> to vector<16xi32>
      %gather3A_707 = tpu.dynamic_gather %add3A_319[%gather3A_706] in [0] : vector<16xi32>, vector<16xi32> -> vector<16xi32>
      %mul3A_708 = arith.constant 16 : i32
      %mul3A_709 = arith.muli %select_n3A_310, %mul3A_708 : i32
      %add3A_710 = arith.constant 10 : i32
      %add3A_711 = arith.addi %mul3A_709, %add3A_710 : i32
      %mul3A_712 = arith.constant 128 : i32
      %mul3A_713 = arith.muli %add3A_711, %mul3A_712 : i32
      %add3A_714 = arith.constant 0 : i32
      %add3A_715 = arith.addi %mul3A_713, %add3A_714 : i32
      %add3A_716 = arith.constant 0 : i32
      %add3A_717 = vector.broadcast %add3A_716 : i32 to vector<16xi32>
      %add3A_718 = arith.addi %iota3A, %add3A_717 : vector<16xi32>
      %gather3A_719 = tpu.vector_load_idx %arg14[%gather3A_707, %add3A_718] : memref<30x32xf32, #tpu.memory_space<vmem>>[vector<16xi32>, vector<16xi32>], vector<16xf32>,
      %add3A_720 = arith.constant 0 : i32
      %add3A_721 = arith.addi %add3A_715, %add3A_720 : i32
      %swap3A_722 = arith.index_cast %select_n3A : i32 to index
      %swap3A_723 = arith.index_cast %add3A_721 : i32 to index
      %swap3A_724 = tpu.vector_load %arg13[%swap3A_722, %swap3A_723] {strides = array<i32>} : memref<4x16384xf32, #tpu.memory_space<vmem>>, vector<16xf32>,
      tpu.vector_store %arg13[%swap3A_722, %swap3A_723], %gather3A_719 {strides = array<i32>} : memref<4x16384xf32, #tpu.memory_space<vmem>>, vector<16xf32>,
      %add3A_725 = arith.constant 16 : i32
      %add3A_726 = vector.broadcast %add3A_725 : i32 to vector<16xi32>
      %add3A_727 = arith.addi %iota3A, %add3A_726 : vector<16xi32>
      %gather3A_728 = tpu.vector_load_idx %arg14[%gather3A_707, %add3A_727] : memref<30x32xf32, #tpu.memory_space<vmem>>[vector<16xi32>, vector<16xi32>], vector<16xf32>,
      %add3A_729 = arith.constant 16 : i32
      %add3A_730 = arith.addi %add3A_715, %add3A_729 : i32
      %swap3A_731 = arith.index_cast %select_n3A : i32 to index
      %swap3A_732 = arith.index_cast %add3A_730 : i32 to index
      %swap3A_733 = tpu.vector_load %arg13[%swap3A_731, %swap3A_732] {strides = array<i32>} : memref<4x16384xf32, #tpu.memory_space<vmem>>, vector<16xf32>,
      tpu.vector_store %arg13[%swap3A_731, %swap3A_732], %gather3A_728 {strides = array<i32>} : memref<4x16384xf32, #tpu.memory_space<vmem>>, vector<16xf32>,
      %broadcast_in_dim3A_734 = arith.constant 11 : i32
      %broadcast_in_dim3A_735 = vector.broadcast %broadcast_in_dim3A_734 : i32 to vector<16xi32>
      %lt3A_736 = arith.constant 0 : i32
      %lt3A_737 = vector.broadcast %lt3A_736 : i32 to vector<16xi32>
      %lt3A_738 = arith.cmpi slt, %broadcast_in_dim3A_735, %lt3A_737 : vector<16xi32>
      %add3A_739 = arith.constant 16 : i32
      %add3A_740 = vector.broadcast %add3A_739 : i32 to vector<16xi32>
      %add3A_741 = arith.addi %broadcast_in_dim3A_735, %add3A_740 : vector<16xi32>
      %select_n3A_742 = arith.select %lt3A_738, %add3A_741, %broadcast_in_dim3A_735 : vector<16xi1>, vector<16xi32>
      %reshape3A_743 = vector.shape_cast %select_n3A_742 : vector<16xi32> to vector<16x1xi32>
      %gather3A_744 = vector.shape_cast %reshape3A_743 : vector<16x1xi32> to vector<16xi32>
      %gather3A_745 = tpu.dynamic_gather %add3A_319[%gather3A_744] in [0] : vector<16xi32>, vector<16xi32> -> vector<16xi32>
      %mul3A_746 = arith.constant 16 : i32
      %mul3A_747 = arith.muli %select_n3A_310, %mul3A_746 : i32
      %add3A_748 = arith.constant 11 : i32
      %add3A_749 = arith.addi %mul3A_747, %add3A_748 : i32
      %mul3A_750 = arith.constant 128 : i32
      %mul3A_751 = arith.muli %add3A_749, %mul3A_750 : i32
      %add3A_752 = arith.constant 0 : i32
      %add3A_753 = arith.addi %mul3A_751, %add3A_752 : i32
      %add3A_754 = arith.constant 0 : i32
      %add3A_755 = vector.broadcast %add3A_754 : i32 to vector<16xi32>
      %add3A_756 = arith.addi %iota3A, %add3A_755 : vector<16xi32>
      %gather3A_757 = tpu.vector_load_idx %arg14[%gather3A_745, %add3A_756] : memref<30x32xf32, #tpu.memory_space<vmem>>[vector<16xi32>, vector<16xi32>], vector<16xf32>,
      %add3A_758 = arith.constant 0 : i32
      %add3A_759 = arith.addi %add3A_753, %add3A_758 : i32
      %swap3A_760 = arith.index_cast %select_n3A : i32 to index
      %swap3A_761 = arith.index_cast %add3A_759 : i32 to index
      %swap3A_762 = tpu.vector_load %arg13[%swap3A_760, %swap3A_761] {strides = array<i32>} : memref<4x16384xf32, #tpu.memory_space<vmem>>, vector<16xf32>,
      tpu.vector_store %arg13[%swap3A_760, %swap3A_761], %gather3A_757 {strides = array<i32>} : memref<4x16384xf32, #tpu.memory_space<vmem>>, vector<16xf32>,
      %add3A_763 = arith.constant 16 : i32
      %add3A_764 = vector.broadcast %add3A_763 : i32 to vector<16xi32>
      %add3A_765 = arith.addi %iota3A, %add3A_764 : vector<16xi32>
      %gather3A_766 = tpu.vector_load_idx %arg14[%gather3A_745, %add3A_765] : memref<30x32xf32, #tpu.memory_space<vmem>>[vector<16xi32>, vector<16xi32>], vector<16xf32>,
      %add3A_767 = arith.constant 16 : i32
      %add3A_768 = arith.addi %add3A_753, %add3A_767 : i32
      %swap3A_769 = arith.index_cast %select_n3A : i32 to index
      %swap3A_770 = arith.index_cast %add3A_768 : i32 to index
      %swap3A_771 = tpu.vector_load %arg13[%swap3A_769, %swap3A_770] {strides = array<i32>} : memref<4x16384xf32, #tpu.memory_space<vmem>>, vector<16xf32>,
      tpu.vector_store %arg13[%swap3A_769, %swap3A_770], %gather3A_766 {strides = array<i32>} : memref<4x16384xf32, #tpu.memory_space<vmem>>, vector<16xf32>,
      %broadcast_in_dim3A_772 = arith.constant 12 : i32
      %broadcast_in_dim3A_773 = vector.broadcast %broadcast_in_dim3A_772 : i32 to vector<16xi32>
      %lt3A_774 = arith.constant 0 : i32
      %lt3A_775 = vector.broadcast %lt3A_774 : i32 to vector<16xi32>
      %lt3A_776 = arith.cmpi slt, %broadcast_in_dim3A_773, %lt3A_775 : vector<16xi32>
      %add3A_777 = arith.constant 16 : i32
      %add3A_778 = vector.broadcast %add3A_777 : i32 to vector<16xi32>
      %add3A_779 = arith.addi %broadcast_in_dim3A_773, %add3A_778 : vector<16xi32>
      %select_n3A_780 = arith.select %lt3A_776, %add3A_779, %broadcast_in_dim3A_773 : vector<16xi1>, vector<16xi32>
      %reshape3A_781 = vector.shape_cast %select_n3A_780 : vector<16xi32> to vector<16x1xi32>
      %gather3A_782 = vector.shape_cast %reshape3A_781 : vector<16x1xi32> to vector<16xi32>
      %gather3A_783 = tpu.dynamic_gather %add3A_319[%gather3A_782] in [0] : vector<16xi32>, vector<16xi32> -> vector<16xi32>
      %mul3A_784 = arith.constant 16 : i32
      %mul3A_785 = arith.muli %select_n3A_310, %mul3A_784 : i32
      %add3A_786 = arith.constant 12 : i32
      %add3A_787 = arith.addi %mul3A_785, %add3A_786 : i32
      %mul3A_788 = arith.constant 128 : i32
      %mul3A_789 = arith.muli %add3A_787, %mul3A_788 : i32
      %add3A_790 = arith.constant 0 : i32
      %add3A_791 = arith.addi %mul3A_789, %add3A_790 : i32
      %add3A_792 = arith.constant 0 : i32
      %add3A_793 = vector.broadcast %add3A_792 : i32 to vector<16xi32>
      %add3A_794 = arith.addi %iota3A, %add3A_793 : vector<16xi32>
      %gather3A_795 = tpu.vector_load_idx %arg14[%gather3A_783, %add3A_794] : memref<30x32xf32, #tpu.memory_space<vmem>>[vector<16xi32>, vector<16xi32>], vector<16xf32>,
      %add3A_796 = arith.constant 0 : i32
      %add3A_797 = arith.addi %add3A_791, %add3A_796 : i32
      %swap3A_798 = arith.index_cast %select_n3A : i32 to index
      %swap3A_799 = arith.index_cast %add3A_797 : i32 to index
      %swap3A_800 = tpu.vector_load %arg13[%swap3A_798, %swap3A_799] {strides = array<i32>} : memref<4x16384xf32, #tpu.memory_space<vmem>>, vector<16xf32>,
      tpu.vector_store %arg13[%swap3A_798, %swap3A_799], %gather3A_795 {strides = array<i32>} : memref<4x16384xf32, #tpu.memory_space<vmem>>, vector<16xf32>,
      %add3A_801 = arith.constant 16 : i32
      %add3A_802 = vector.broadcast %add3A_801 : i32 to vector<16xi32>
      %add3A_803 = arith.addi %iota3A, %add3A_802 : vector<16xi32>
      %gather3A_804 = tpu.vector_load_idx %arg14[%gather3A_783, %add3A_803] : memref<30x32xf32, #tpu.memory_space<vmem>>[vector<16xi32>, vector<16xi32>], vector<16xf32>,
      %add3A_805 = arith.constant 16 : i32
      %add3A_806 = arith.addi %add3A_791, %add3A_805 : i32
      %swap3A_807 = arith.index_cast %select_n3A : i32 to index
      %swap3A_808 = arith.index_cast %add3A_806 : i32 to index
      %swap3A_809 = tpu.vector_load %arg13[%swap3A_807, %swap3A_808] {strides = array<i32>} : memref<4x16384xf32, #tpu.memory_space<vmem>>, vector<16xf32>,
      tpu.vector_store %arg13[%swap3A_807, %swap3A_808], %gather3A_804 {strides = array<i32>} : memref<4x16384xf32, #tpu.memory_space<vmem>>, vector<16xf32>,
      %broadcast_in_dim3A_810 = arith.constant 13 : i32
      %broadcast_in_dim3A_811 = vector.broadcast %broadcast_in_dim3A_810 : i32 to vector<16xi32>
      %lt3A_812 = arith.constant 0 : i32
      %lt3A_813 = vector.broadcast %lt3A_812 : i32 to vector<16xi32>
      %lt3A_814 = arith.cmpi slt, %broadcast_in_dim3A_811, %lt3A_813 : vector<16xi32>
      %add3A_815 = arith.constant 16 : i32
      %add3A_816 = vector.broadcast %add3A_815 : i32 to vector<16xi32>
      %add3A_817 = arith.addi %broadcast_in_dim3A_811, %add3A_816 : vector<16xi32>
      %select_n3A_818 = arith.select %lt3A_814, %add3A_817, %broadcast_in_dim3A_811 : vector<16xi1>, vector<16xi32>
      %reshape3A_819 = vector.shape_cast %select_n3A_818 : vector<16xi32> to vector<16x1xi32>
      %gather3A_820 = vector.shape_cast %reshape3A_819 : vector<16x1xi32> to vector<16xi32>
      %gather3A_821 = tpu.dynamic_gather %add3A_319[%gather3A_820] in [0] : vector<16xi32>, vector<16xi32> -> vector<16xi32>
      %mul3A_822 = arith.constant 16 : i32
      %mul3A_823 = arith.muli %select_n3A_310, %mul3A_822 : i32
      %add3A_824 = arith.constant 13 : i32
      %add3A_825 = arith.addi %mul3A_823, %add3A_824 : i32
      %mul3A_826 = arith.constant 128 : i32
      %mul3A_827 = arith.muli %add3A_825, %mul3A_826 : i32
      %add3A_828 = arith.constant 0 : i32
      %add3A_829 = arith.addi %mul3A_827, %add3A_828 : i32
      %add3A_830 = arith.constant 0 : i32
      %add3A_831 = vector.broadcast %add3A_830 : i32 to vector<16xi32>
      %add3A_832 = arith.addi %iota3A, %add3A_831 : vector<16xi32>
      %gather3A_833 = tpu.vector_load_idx %arg14[%gather3A_821, %add3A_832] : memref<30x32xf32, #tpu.memory_space<vmem>>[vector<16xi32>, vector<16xi32>], vector<16xf32>,
      %add3A_834 = arith.constant 0 : i32
      %add3A_835 = arith.addi %add3A_829, %add3A_834 : i32
      %swap3A_836 = arith.index_cast %select_n3A : i32 to index
      %swap3A_837 = arith.index_cast %add3A_835 : i32 to index
      %swap3A_838 = tpu.vector_load %arg13[%swap3A_836, %swap3A_837] {strides = array<i32>} : memref<4x16384xf32, #tpu.memory_space<vmem>>, vector<16xf32>,
      tpu.vector_store %arg13[%swap3A_836, %swap3A_837], %gather3A_833 {strides = array<i32>} : memref<4x16384xf32, #tpu.memory_space<vmem>>, vector<16xf32>,
      %add3A_839 = arith.constant 16 : i32
      %add3A_840 = vector.broadcast %add3A_839 : i32 to vector<16xi32>
      %add3A_841 = arith.addi %iota3A, %add3A_840 : vector<16xi32>
      %gather3A_842 = tpu.vector_load_idx %arg14[%gather3A_821, %add3A_841] : memref<30x32xf32, #tpu.memory_space<vmem>>[vector<16xi32>, vector<16xi32>], vector<16xf32>,
      %add3A_843 = arith.constant 16 : i32
      %add3A_844 = arith.addi %add3A_829, %add3A_843 : i32
      %swap3A_845 = arith.index_cast %select_n3A : i32 to index
      %swap3A_846 = arith.index_cast %add3A_844 : i32 to index
      %swap3A_847 = tpu.vector_load %arg13[%swap3A_845, %swap3A_846] {strides = array<i32>} : memref<4x16384xf32, #tpu.memory_space<vmem>>, vector<16xf32>,
      tpu.vector_store %arg13[%swap3A_845, %swap3A_846], %gather3A_842 {strides = array<i32>} : memref<4x16384xf32, #tpu.memory_space<vmem>>, vector<16xf32>,
      %broadcast_in_dim3A_848 = arith.constant 14 : i32
      %broadcast_in_dim3A_849 = vector.broadcast %broadcast_in_dim3A_848 : i32 to vector<16xi32>
      %lt3A_850 = arith.constant 0 : i32
      %lt3A_851 = vector.broadcast %lt3A_850 : i32 to vector<16xi32>
      %lt3A_852 = arith.cmpi slt, %broadcast_in_dim3A_849, %lt3A_851 : vector<16xi32>
      %add3A_853 = arith.constant 16 : i32
      %add3A_854 = vector.broadcast %add3A_853 : i32 to vector<16xi32>
      %add3A_855 = arith.addi %broadcast_in_dim3A_849, %add3A_854 : vector<16xi32>
      %select_n3A_856 = arith.select %lt3A_852, %add3A_855, %broadcast_in_dim3A_849 : vector<16xi1>, vector<16xi32>
      %reshape3A_857 = vector.shape_cast %select_n3A_856 : vector<16xi32> to vector<16x1xi32>
      %gather3A_858 = vector.shape_cast %reshape3A_857 : vector<16x1xi32> to vector<16xi32>
      %gather3A_859 = tpu.dynamic_gather %add3A_319[%gather3A_858] in [0] : vector<16xi32>, vector<16xi32> -> vector<16xi32>
      %mul3A_860 = arith.constant 16 : i32
      %mul3A_861 = arith.muli %select_n3A_310, %mul3A_860 : i32
      %add3A_862 = arith.constant 14 : i32
      %add3A_863 = arith.addi %mul3A_861, %add3A_862 : i32
      %mul3A_864 = arith.constant 128 : i32
      %mul3A_865 = arith.muli %add3A_863, %mul3A_864 : i32
      %add3A_866 = arith.constant 0 : i32
      %add3A_867 = arith.addi %mul3A_865, %add3A_866 : i32
      %add3A_868 = arith.constant 0 : i32
      %add3A_869 = vector.broadcast %add3A_868 : i32 to vector<16xi32>
      %add3A_870 = arith.addi %iota3A, %add3A_869 : vector<16xi32>
      %gather3A_871 = tpu.vector_load_idx %arg14[%gather3A_859, %add3A_870] : memref<30x32xf32, #tpu.memory_space<vmem>>[vector<16xi32>, vector<16xi32>], vector<16xf32>,
      %add3A_872 = arith.constant 0 : i32
      %add3A_873 = arith.addi %add3A_867, %add3A_872 : i32
      %swap3A_874 = arith.index_cast %select_n3A : i32 to index
      %swap3A_875 = arith.index_cast %add3A_873 : i32 to index
      %swap3A_876 = tpu.vector_load %arg13[%swap3A_874, %swap3A_875] {strides = array<i32>} : memref<4x16384xf32, #tpu.memory_space<vmem>>, vector<16xf32>,
      tpu.vector_store %arg13[%swap3A_874, %swap3A_875], %gather3A_871 {strides = array<i32>} : memref<4x16384xf32, #tpu.memory_space<vmem>>, vector<16xf32>,
      %add3A_877 = arith.constant 16 : i32
      %add3A_878 = vector.broadcast %add3A_877 : i32 to vector<16xi32>
      %add3A_879 = arith.addi %iota3A, %add3A_878 : vector<16xi32>
      %gather3A_880 = tpu.vector_load_idx %arg14[%gather3A_859, %add3A_879] : memref<30x32xf32, #tpu.memory_space<vmem>>[vector<16xi32>, vector<16xi32>], vector<16xf32>,
      %add3A_881 = arith.constant 16 : i32
      %add3A_882 = arith.addi %add3A_867, %add3A_881 : i32
      %swap3A_883 = arith.index_cast %select_n3A : i32 to index
      %swap3A_884 = arith.index_cast %add3A_882 : i32 to index
      %swap3A_885 = tpu.vector_load %arg13[%swap3A_883, %swap3A_884] {strides = array<i32>} : memref<4x16384xf32, #tpu.memory_space<vmem>>, vector<16xf32>,
      tpu.vector_store %arg13[%swap3A_883, %swap3A_884], %gather3A_880 {strides = array<i32>} : memref<4x16384xf32, #tpu.memory_space<vmem>>, vector<16xf32>,
      %broadcast_in_dim3A_886 = arith.constant 15 : i32
      %broadcast_in_dim3A_887 = vector.broadcast %broadcast_in_dim3A_886 : i32 to vector<16xi32>
      %lt3A_888 = arith.constant 0 : i32
      %lt3A_889 = vector.broadcast %lt3A_888 : i32 to vector<16xi32>
      %lt3A_890 = arith.cmpi slt, %broadcast_in_dim3A_887, %lt3A_889 : vector<16xi32>
      %add3A_891 = arith.constant 16 : i32
      %add3A_892 = vector.broadcast %add3A_891 : i32 to vector<16xi32>
      %add3A_893 = arith.addi %broadcast_in_dim3A_887, %add3A_892 : vector<16xi32>
      %select_n3A_894 = arith.select %lt3A_890, %add3A_893, %broadcast_in_dim3A_887 : vector<16xi1>, vector<16xi32>
      %reshape3A_895 = vector.shape_cast %select_n3A_894 : vector<16xi32> to vector<16x1xi32>
      %gather3A_896 = vector.shape_cast %reshape3A_895 : vector<16x1xi32> to vector<16xi32>
      %gather3A_897 = tpu.dynamic_gather %add3A_319[%gather3A_896] in [0] : vector<16xi32>, vector<16xi32> -> vector<16xi32>
      %mul3A_898 = arith.constant 16 : i32
      %mul3A_899 = arith.muli %select_n3A_310, %mul3A_898 : i32
      %add3A_900 = arith.constant 15 : i32
      %add3A_901 = arith.addi %mul3A_899, %add3A_900 : i32
      %mul3A_902 = arith.constant 128 : i32
      %mul3A_903 = arith.muli %add3A_901, %mul3A_902 : i32
      %add3A_904 = arith.constant 0 : i32
      %add3A_905 = arith.addi %mul3A_903, %add3A_904 : i32
      %add3A_906 = arith.constant 0 : i32
      %add3A_907 = vector.broadcast %add3A_906 : i32 to vector<16xi32>
      %add3A_908 = arith.addi %iota3A, %add3A_907 : vector<16xi32>
      %gather3A_909 = tpu.vector_load_idx %arg14[%gather3A_897, %add3A_908] : memref<30x32xf32, #tpu.memory_space<vmem>>[vector<16xi32>, vector<16xi32>], vector<16xf32>,
      %add3A_910 = arith.constant 0 : i32
      %add3A_911 = arith.addi %add3A_905, %add3A_910 : i32
      %swap3A_912 = arith.index_cast %select_n3A : i32 to index
      %swap3A_913 = arith.index_cast %add3A_911 : i32 to index
      %swap3A_914 = tpu.vector_load %arg13[%swap3A_912, %swap3A_913] {strides = array<i32>} : memref<4x16384xf32, #tpu.memory_space<vmem>>, vector<16xf32>,
      tpu.vector_store %arg13[%swap3A_912, %swap3A_913], %gather3A_909 {strides = array<i32>} : memref<4x16384xf32, #tpu.memory_space<vmem>>, vector<16xf32>,
      %add3A_915 = arith.constant 16 : i32
      %add3A_916 = vector.broadcast %add3A_915 : i32 to vector<16xi32>
      %add3A_917 = arith.addi %iota3A, %add3A_916 : vector<16xi32>
      %gather3A_918 = tpu.vector_load_idx %arg14[%gather3A_897, %add3A_917] : memref<30x32xf32, #tpu.memory_space<vmem>>[vector<16xi32>, vector<16xi32>], vector<16xf32>,
      %add3A_919 = arith.constant 16 : i32
      %add3A_920 = arith.addi %add3A_905, %add3A_919 : i32
      %swap3A_921 = arith.index_cast %select_n3A : i32 to index
      %swap3A_922 = arith.index_cast %add3A_920 : i32 to index
      %swap3A_923 = tpu.vector_load %arg13[%swap3A_921, %swap3A_922] {strides = array<i32>} : memref<4x16384xf32, #tpu.memory_space<vmem>>, vector<16xf32>,
      tpu.vector_store %arg13[%swap3A_921, %swap3A_922], %gather3A_918 {strides = array<i32>} : memref<4x16384xf32, #tpu.memory_space<vmem>>, vector<16xf32>,
    }
    %scan3A_76 = arith.constant 32 : i32
    %scan3A_77 = arith.constant 0 : i32
    %scan3A_78 = arith.constant 32 : i32
    %scan3A_79 = arith.addi %scan3A_77, %scan3A_78 : i32
    %scan3A_80 = arith.constant 1 : i32
    scf.for %scan3A_280 = %scan3A_77 to %scan3A_79 step %scan3A_80  : i32 {
      %jit3A = arith.constant 8 : i32
      %div3A = arith.divsi %scan3A_280, %jit3A : i32
      %sign3A = arith.constant 0 : i32
      %sign3A_281 = arith.cmpi sgt, %scan3A_280, %sign3A : i32
      %sign3A_282 = arith.extui %sign3A_281 : i1 to i32
      %sign3A_283 = arith.constant 0 : i32
      %sign3A_284 = arith.cmpi slt, %scan3A_280, %sign3A_283 : i32
      %sign3A_285 = arith.extui %sign3A_284 : i1 to i32
      %sign3A_286 = arith.subi %sign3A_282, %sign3A_285 : i32
      %sign3A_287 = arith.constant 0 : i32
      %sign3A_288 = arith.cmpi sgt, %jit3A, %sign3A_287 : i32
      %sign3A_289 = arith.extui %sign3A_288 : i1 to i32
      %sign3A_290 = arith.constant 0 : i32
      %sign3A_291 = arith.cmpi slt, %jit3A, %sign3A_290 : i32
      %sign3A_292 = arith.extui %sign3A_291 : i1 to i32
      %sign3A_293 = arith.subi %sign3A_289, %sign3A_292 : i32
      %ne3A = arith.cmpi ne, %sign3A_286, %sign3A_293 : i32
      %rem3A = arith.remsi %scan3A_280, %jit3A : i32
      %ne3A_294 = arith.constant 0 : i32
      %ne3A_295 = arith.cmpi ne, %rem3A, %ne3A_294 : i32
      %and3A = arith.andi %ne3A, %ne3A_295 : i1
      %sub3A = arith.constant 1 : i32
      %sub3A_296 = arith.subi %div3A, %sub3A : i32
      %select_n3A = arith.select %and3A, %sub3A_296, %div3A : i32
      %jit3A_297 = arith.constant 8 : i32
      %eq3A = arith.constant 0 : i32
      %eq3A_298 = arith.cmpi eq, %jit3A_297, %eq3A : i32
      %jit3A_299 = arith.constant 1 : i32
      %select_n3A_300 = arith.select %eq3A_298, %jit3A_299, %jit3A_297 : i32
      %rem3A_301 = arith.remsi %scan3A_280, %select_n3A_300 : i32
      %ne3A_302 = arith.constant 0 : i32
      %ne3A_303 = arith.cmpi ne, %rem3A_301, %ne3A_302 : i32
      %lt3A = arith.constant 0 : i32
      %lt3A_304 = arith.cmpi slt, %rem3A_301, %lt3A : i32
      %lt3A_305 = arith.constant 0 : i32
      %lt3A_306 = arith.cmpi slt, %select_n3A_300, %lt3A_305 : i32
      %ne3A_307 = arith.xori %lt3A_304, %lt3A_306 : i1
      %and3A_308 = arith.andi %ne3A_307, %ne3A_303 : i1
      %add3A_309 = arith.addi %rem3A_301, %select_n3A_300 : i32
      %select_n3A_310 = arith.select %and3A_308, %add3A_309, %rem3A_301 : i32
      %mul3A_311 = arith.constant 16 : i32
      %mul3A_312 = arith.muli %select_n3A_310, %mul3A_311 : i32
      %get3A = arith.constant 1 : i32
      %get3A_313 = arith.index_cast %get3A : i32 to index
      %get3A_314 = arith.index_cast %select_n3A : i32 to index
      %get3A_315 = arith.index_cast %mul3A_312 : i32 to index
      %get3A_316 = tpu.vector_load %arg11[%get3A_313, %get3A_314, %get3A_315] {strides = array<i32>} : memref<4x4x128xi32, #tpu.memory_space<vmem>>, vector<16xi32>,
      %add3A_317 = arith.constant 2 : i32
      %add3A_318 = vector.broadcast %add3A_317 : i32 to vector<16xi32>
      %add3A_319 = arith.addi %get3A_316, %add3A_318 : vector<16xi32>
      %broadcast_in_dim3A = arith.constant 0 : i32
      %broadcast_in_dim3A_320 = vector.broadcast %broadcast_in_dim3A : i32 to vector<16xi32>
      %lt3A_321 = arith.constant 0 : i32
      %lt3A_322 = vector.broadcast %lt3A_321 : i32 to vector<16xi32>
      %lt3A_323 = arith.cmpi slt, %broadcast_in_dim3A_320, %lt3A_322 : vector<16xi32>
      %add3A_324 = arith.constant 16 : i32
      %add3A_325 = vector.broadcast %add3A_324 : i32 to vector<16xi32>
      %add3A_326 = arith.addi %broadcast_in_dim3A_320, %add3A_325 : vector<16xi32>
      %select_n3A_327 = arith.select %lt3A_323, %add3A_326, %broadcast_in_dim3A_320 : vector<16xi1>, vector<16xi32>
      %reshape3A = vector.shape_cast %select_n3A_327 : vector<16xi32> to vector<16x1xi32>
      %gather3A = vector.shape_cast %reshape3A : vector<16x1xi32> to vector<16xi32>
      %gather3A_328 = tpu.dynamic_gather %add3A_319[%gather3A] in [0] : vector<16xi32>, vector<16xi32> -> vector<16xi32>
      %mul3A_329 = arith.constant 16 : i32
      %mul3A_330 = arith.muli %select_n3A_310, %mul3A_329 : i32
      %add3A_331 = arith.constant 0 : i32
      %add3A_332 = arith.addi %mul3A_330, %add3A_331 : i32
      %mul3A_333 = arith.constant 128 : i32
      %mul3A_334 = arith.muli %add3A_332, %mul3A_333 : i32
      %add3A_335 = arith.constant 32 : i32
      %add3A_336 = arith.addi %mul3A_334, %add3A_335 : i32
      %add3A_337 = arith.constant 0 : i32
      %add3A_338 = vector.broadcast %add3A_337 : i32 to vector<16xi32>
      %add3A_339 = arith.addi %iota3A, %add3A_338 : vector<16xi32>
      %gather3A_340 = tpu.vector_load_idx %arg14[%gather3A_328, %add3A_339] : memref<30x32xf32, #tpu.memory_space<vmem>>[vector<16xi32>, vector<16xi32>], vector<16xf32>,
      %add3A_341 = arith.constant 0 : i32
      %add3A_342 = arith.addi %add3A_336, %add3A_341 : i32
      %swap3A = arith.index_cast %select_n3A : i32 to index
      %swap3A_343 = arith.index_cast %add3A_342 : i32 to index
      %swap3A_344 = tpu.vector_load %arg13[%swap3A, %swap3A_343] {strides = array<i32>} : memref<4x16384xf32, #tpu.memory_space<vmem>>, vector<16xf32>,
      tpu.vector_store %arg13[%swap3A, %swap3A_343], %gather3A_340 {strides = array<i32>} : memref<4x16384xf32, #tpu.memory_space<vmem>>, vector<16xf32>,
      %add3A_345 = arith.constant 16 : i32
      %add3A_346 = vector.broadcast %add3A_345 : i32 to vector<16xi32>
      %add3A_347 = arith.addi %iota3A, %add3A_346 : vector<16xi32>
      %gather3A_348 = tpu.vector_load_idx %arg14[%gather3A_328, %add3A_347] : memref<30x32xf32, #tpu.memory_space<vmem>>[vector<16xi32>, vector<16xi32>], vector<16xf32>,
      %add3A_349 = arith.constant 16 : i32
      %add3A_350 = arith.addi %add3A_336, %add3A_349 : i32
      %swap3A_351 = arith.index_cast %select_n3A : i32 to index
      %swap3A_352 = arith.index_cast %add3A_350 : i32 to index
      %swap3A_353 = tpu.vector_load %arg13[%swap3A_351, %swap3A_352] {strides = array<i32>} : memref<4x16384xf32, #tpu.memory_space<vmem>>, vector<16xf32>,
      tpu.vector_store %arg13[%swap3A_351, %swap3A_352], %gather3A_348 {strides = array<i32>} : memref<4x16384xf32, #tpu.memory_space<vmem>>, vector<16xf32>,
      %broadcast_in_dim3A_354 = arith.constant 1 : i32
      %broadcast_in_dim3A_355 = vector.broadcast %broadcast_in_dim3A_354 : i32 to vector<16xi32>
      %lt3A_356 = arith.constant 0 : i32
      %lt3A_357 = vector.broadcast %lt3A_356 : i32 to vector<16xi32>
      %lt3A_358 = arith.cmpi slt, %broadcast_in_dim3A_355, %lt3A_357 : vector<16xi32>
      %add3A_359 = arith.constant 16 : i32
      %add3A_360 = vector.broadcast %add3A_359 : i32 to vector<16xi32>
      %add3A_361 = arith.addi %broadcast_in_dim3A_355, %add3A_360 : vector<16xi32>
      %select_n3A_362 = arith.select %lt3A_358, %add3A_361, %broadcast_in_dim3A_355 : vector<16xi1>, vector<16xi32>
      %reshape3A_363 = vector.shape_cast %select_n3A_362 : vector<16xi32> to vector<16x1xi32>
      %gather3A_364 = vector.shape_cast %reshape3A_363 : vector<16x1xi32> to vector<16xi32>
      %gather3A_365 = tpu.dynamic_gather %add3A_319[%gather3A_364] in [0] : vector<16xi32>, vector<16xi32> -> vector<16xi32>
      %mul3A_366 = arith.constant 16 : i32
      %mul3A_367 = arith.muli %select_n3A_310, %mul3A_366 : i32
      %add3A_368 = arith.constant 1 : i32
      %add3A_369 = arith.addi %mul3A_367, %add3A_368 : i32
      %mul3A_370 = arith.constant 128 : i32
      %mul3A_371 = arith.muli %add3A_369, %mul3A_370 : i32
      %add3A_372 = arith.constant 32 : i32
      %add3A_373 = arith.addi %mul3A_371, %add3A_372 : i32
      %add3A_374 = arith.constant 0 : i32
      %add3A_375 = vector.broadcast %add3A_374 : i32 to vector<16xi32>
      %add3A_376 = arith.addi %iota3A, %add3A_375 : vector<16xi32>
      %gather3A_377 = tpu.vector_load_idx %arg14[%gather3A_365, %add3A_376] : memref<30x32xf32, #tpu.memory_space<vmem>>[vector<16xi32>, vector<16xi32>], vector<16xf32>,
      %add3A_378 = arith.constant 0 : i32
      %add3A_379 = arith.addi %add3A_373, %add3A_378 : i32
      %swap3A_380 = arith.index_cast %select_n3A : i32 to index
      %swap3A_381 = arith.index_cast %add3A_379 : i32 to index
      %swap3A_382 = tpu.vector_load %arg13[%swap3A_380, %swap3A_381] {strides = array<i32>} : memref<4x16384xf32, #tpu.memory_space<vmem>>, vector<16xf32>,
      tpu.vector_store %arg13[%swap3A_380, %swap3A_381], %gather3A_377 {strides = array<i32>} : memref<4x16384xf32, #tpu.memory_space<vmem>>, vector<16xf32>,
      %add3A_383 = arith.constant 16 : i32
      %add3A_384 = vector.broadcast %add3A_383 : i32 to vector<16xi32>
      %add3A_385 = arith.addi %iota3A, %add3A_384 : vector<16xi32>
      %gather3A_386 = tpu.vector_load_idx %arg14[%gather3A_365, %add3A_385] : memref<30x32xf32, #tpu.memory_space<vmem>>[vector<16xi32>, vector<16xi32>], vector<16xf32>,
      %add3A_387 = arith.constant 16 : i32
      %add3A_388 = arith.addi %add3A_373, %add3A_387 : i32
      %swap3A_389 = arith.index_cast %select_n3A : i32 to index
      %swap3A_390 = arith.index_cast %add3A_388 : i32 to index
      %swap3A_391 = tpu.vector_load %arg13[%swap3A_389, %swap3A_390] {strides = array<i32>} : memref<4x16384xf32, #tpu.memory_space<vmem>>, vector<16xf32>,
      tpu.vector_store %arg13[%swap3A_389, %swap3A_390], %gather3A_386 {strides = array<i32>} : memref<4x16384xf32, #tpu.memory_space<vmem>>, vector<16xf32>,
      %broadcast_in_dim3A_392 = arith.constant 2 : i32
      %broadcast_in_dim3A_393 = vector.broadcast %broadcast_in_dim3A_392 : i32 to vector<16xi32>
      %lt3A_394 = arith.constant 0 : i32
      %lt3A_395 = vector.broadcast %lt3A_394 : i32 to vector<16xi32>
      %lt3A_396 = arith.cmpi slt, %broadcast_in_dim3A_393, %lt3A_395 : vector<16xi32>
      %add3A_397 = arith.constant 16 : i32
      %add3A_398 = vector.broadcast %add3A_397 : i32 to vector<16xi32>
      %add3A_399 = arith.addi %broadcast_in_dim3A_393, %add3A_398 : vector<16xi32>
      %select_n3A_400 = arith.select %lt3A_396, %add3A_399, %broadcast_in_dim3A_393 : vector<16xi1>, vector<16xi32>
      %reshape3A_401 = vector.shape_cast %select_n3A_400 : vector<16xi32> to vector<16x1xi32>
      %gather3A_402 = vector.shape_cast %reshape3A_401 : vector<16x1xi32> to vector<16xi32>
      %gather3A_403 = tpu.dynamic_gather %add3A_319[%gather3A_402] in [0] : vector<16xi32>, vector<16xi32> -> vector<16xi32>
      %mul3A_404 = arith.constant 16 : i32
      %mul3A_405 = arith.muli %select_n3A_310, %mul3A_404 : i32
      %add3A_406 = arith.constant 2 : i32
      %add3A_407 = arith.addi %mul3A_405, %add3A_406 : i32
      %mul3A_408 = arith.constant 128 : i32
      %mul3A_409 = arith.muli %add3A_407, %mul3A_408 : i32
      %add3A_410 = arith.constant 32 : i32
      %add3A_411 = arith.addi %mul3A_409, %add3A_410 : i32
      %add3A_412 = arith.constant 0 : i32
      %add3A_413 = vector.broadcast %add3A_412 : i32 to vector<16xi32>
      %add3A_414 = arith.addi %iota3A, %add3A_413 : vector<16xi32>
      %gather3A_415 = tpu.vector_load_idx %arg14[%gather3A_403, %add3A_414] : memref<30x32xf32, #tpu.memory_space<vmem>>[vector<16xi32>, vector<16xi32>], vector<16xf32>,
      %add3A_416 = arith.constant 0 : i32
      %add3A_417 = arith.addi %add3A_411, %add3A_416 : i32
      %swap3A_418 = arith.index_cast %select_n3A : i32 to index
      %swap3A_419 = arith.index_cast %add3A_417 : i32 to index
      %swap3A_420 = tpu.vector_load %arg13[%swap3A_418, %swap3A_419] {strides = array<i32>} : memref<4x16384xf32, #tpu.memory_space<vmem>>, vector<16xf32>,
      tpu.vector_store %arg13[%swap3A_418, %swap3A_419], %gather3A_415 {strides = array<i32>} : memref<4x16384xf32, #tpu.memory_space<vmem>>, vector<16xf32>,
      %add3A_421 = arith.constant 16 : i32
      %add3A_422 = vector.broadcast %add3A_421 : i32 to vector<16xi32>
      %add3A_423 = arith.addi %iota3A, %add3A_422 : vector<16xi32>
      %gather3A_424 = tpu.vector_load_idx %arg14[%gather3A_403, %add3A_423] : memref<30x32xf32, #tpu.memory_space<vmem>>[vector<16xi32>, vector<16xi32>], vector<16xf32>,
      %add3A_425 = arith.constant 16 : i32
      %add3A_426 = arith.addi %add3A_411, %add3A_425 : i32
      %swap3A_427 = arith.index_cast %select_n3A : i32 to index
      %swap3A_428 = arith.index_cast %add3A_426 : i32 to index
      %swap3A_429 = tpu.vector_load %arg13[%swap3A_427, %swap3A_428] {strides = array<i32>} : memref<4x16384xf32, #tpu.memory_space<vmem>>, vector<16xf32>,
      tpu.vector_store %arg13[%swap3A_427, %swap3A_428], %gather3A_424 {strides = array<i32>} : memref<4x16384xf32, #tpu.memory_space<vmem>>, vector<16xf32>,
      %broadcast_in_dim3A_430 = arith.constant 3 : i32
      %broadcast_in_dim3A_431 = vector.broadcast %broadcast_in_dim3A_430 : i32 to vector<16xi32>
      %lt3A_432 = arith.constant 0 : i32
      %lt3A_433 = vector.broadcast %lt3A_432 : i32 to vector<16xi32>
      %lt3A_434 = arith.cmpi slt, %broadcast_in_dim3A_431, %lt3A_433 : vector<16xi32>
      %add3A_435 = arith.constant 16 : i32
      %add3A_436 = vector.broadcast %add3A_435 : i32 to vector<16xi32>
      %add3A_437 = arith.addi %broadcast_in_dim3A_431, %add3A_436 : vector<16xi32>
      %select_n3A_438 = arith.select %lt3A_434, %add3A_437, %broadcast_in_dim3A_431 : vector<16xi1>, vector<16xi32>
      %reshape3A_439 = vector.shape_cast %select_n3A_438 : vector<16xi32> to vector<16x1xi32>
      %gather3A_440 = vector.shape_cast %reshape3A_439 : vector<16x1xi32> to vector<16xi32>
      %gather3A_441 = tpu.dynamic_gather %add3A_319[%gather3A_440] in [0] : vector<16xi32>, vector<16xi32> -> vector<16xi32>
      %mul3A_442 = arith.constant 16 : i32
      %mul3A_443 = arith.muli %select_n3A_310, %mul3A_442 : i32
      %add3A_444 = arith.constant 3 : i32
      %add3A_445 = arith.addi %mul3A_443, %add3A_444 : i32
      %mul3A_446 = arith.constant 128 : i32
      %mul3A_447 = arith.muli %add3A_445, %mul3A_446 : i32
      %add3A_448 = arith.constant 32 : i32
      %add3A_449 = arith.addi %mul3A_447, %add3A_448 : i32
      %add3A_450 = arith.constant 0 : i32
      %add3A_451 = vector.broadcast %add3A_450 : i32 to vector<16xi32>
      %add3A_452 = arith.addi %iota3A, %add3A_451 : vector<16xi32>
      %gather3A_453 = tpu.vector_load_idx %arg14[%gather3A_441, %add3A_452] : memref<30x32xf32, #tpu.memory_space<vmem>>[vector<16xi32>, vector<16xi32>], vector<16xf32>,
      %add3A_454 = arith.constant 0 : i32
      %add3A_455 = arith.addi %add3A_449, %add3A_454 : i32
      %swap3A_456 = arith.index_cast %select_n3A : i32 to index
      %swap3A_457 = arith.index_cast %add3A_455 : i32 to index
      %swap3A_458 = tpu.vector_load %arg13[%swap3A_456, %swap3A_457] {strides = array<i32>} : memref<4x16384xf32, #tpu.memory_space<vmem>>, vector<16xf32>,
      tpu.vector_store %arg13[%swap3A_456, %swap3A_457], %gather3A_453 {strides = array<i32>} : memref<4x16384xf32, #tpu.memory_space<vmem>>, vector<16xf32>,
      %add3A_459 = arith.constant 16 : i32
      %add3A_460 = vector.broadcast %add3A_459 : i32 to vector<16xi32>
      %add3A_461 = arith.addi %iota3A, %add3A_460 : vector<16xi32>
      %gather3A_462 = tpu.vector_load_idx %arg14[%gather3A_441, %add3A_461] : memref<30x32xf32, #tpu.memory_space<vmem>>[vector<16xi32>, vector<16xi32>], vector<16xf32>,
      %add3A_463 = arith.constant 16 : i32
      %add3A_464 = arith.addi %add3A_449, %add3A_463 : i32
      %swap3A_465 = arith.index_cast %select_n3A : i32 to index
      %swap3A_466 = arith.index_cast %add3A_464 : i32 to index
      %swap3A_467 = tpu.vector_load %arg13[%swap3A_465, %swap3A_466] {strides = array<i32>} : memref<4x16384xf32, #tpu.memory_space<vmem>>, vector<16xf32>,
      tpu.vector_store %arg13[%swap3A_465, %swap3A_466], %gather3A_462 {strides = array<i32>} : memref<4x16384xf32, #tpu.memory_space<vmem>>, vector<16xf32>,
      %broadcast_in_dim3A_468 = arith.constant 4 : i32
      %broadcast_in_dim3A_469 = vector.broadcast %broadcast_in_dim3A_468 : i32 to vector<16xi32>
      %lt3A_470 = arith.constant 0 : i32
      %lt3A_471 = vector.broadcast %lt3A_470 : i32 to vector<16xi32>
      %lt3A_472 = arith.cmpi slt, %broadcast_in_dim3A_469, %lt3A_471 : vector<16xi32>
      %add3A_473 = arith.constant 16 : i32
      %add3A_474 = vector.broadcast %add3A_473 : i32 to vector<16xi32>
      %add3A_475 = arith.addi %broadcast_in_dim3A_469, %add3A_474 : vector<16xi32>
      %select_n3A_476 = arith.select %lt3A_472, %add3A_475, %broadcast_in_dim3A_469 : vector<16xi1>, vector<16xi32>
      %reshape3A_477 = vector.shape_cast %select_n3A_476 : vector<16xi32> to vector<16x1xi32>
      %gather3A_478 = vector.shape_cast %reshape3A_477 : vector<16x1xi32> to vector<16xi32>
      %gather3A_479 = tpu.dynamic_gather %add3A_319[%gather3A_478] in [0] : vector<16xi32>, vector<16xi32> -> vector<16xi32>
      %mul3A_480 = arith.constant 16 : i32
      %mul3A_481 = arith.muli %select_n3A_310, %mul3A_480 : i32
      %add3A_482 = arith.constant 4 : i32
      %add3A_483 = arith.addi %mul3A_481, %add3A_482 : i32
      %mul3A_484 = arith.constant 128 : i32
      %mul3A_485 = arith.muli %add3A_483, %mul3A_484 : i32
      %add3A_486 = arith.constant 32 : i32
      %add3A_487 = arith.addi %mul3A_485, %add3A_486 : i32
      %add3A_488 = arith.constant 0 : i32
      %add3A_489 = vector.broadcast %add3A_488 : i32 to vector<16xi32>
      %add3A_490 = arith.addi %iota3A, %add3A_489 : vector<16xi32>
      %gather3A_491 = tpu.vector_load_idx %arg14[%gather3A_479, %add3A_490] : memref<30x32xf32, #tpu.memory_space<vmem>>[vector<16xi32>, vector<16xi32>], vector<16xf32>,
      %add3A_492 = arith.constant 0 : i32
      %add3A_493 = arith.addi %add3A_487, %add3A_492 : i32
      %swap3A_494 = arith.index_cast %select_n3A : i32 to index
      %swap3A_495 = arith.index_cast %add3A_493 : i32 to index
      %swap3A_496 = tpu.vector_load %arg13[%swap3A_494, %swap3A_495] {strides = array<i32>} : memref<4x16384xf32, #tpu.memory_space<vmem>>, vector<16xf32>,
      tpu.vector_store %arg13[%swap3A_494, %swap3A_495], %gather3A_491 {strides = array<i32>} : memref<4x16384xf32, #tpu.memory_space<vmem>>, vector<16xf32>,
      %add3A_497 = arith.constant 16 : i32
      %add3A_498 = vector.broadcast %add3A_497 : i32 to vector<16xi32>
      %add3A_499 = arith.addi %iota3A, %add3A_498 : vector<16xi32>
      %gather3A_500 = tpu.vector_load_idx %arg14[%gather3A_479, %add3A_499] : memref<30x32xf32, #tpu.memory_space<vmem>>[vector<16xi32>, vector<16xi32>], vector<16xf32>,
      %add3A_501 = arith.constant 16 : i32
      %add3A_502 = arith.addi %add3A_487, %add3A_501 : i32
      %swap3A_503 = arith.index_cast %select_n3A : i32 to index
      %swap3A_504 = arith.index_cast %add3A_502 : i32 to index
      %swap3A_505 = tpu.vector_load %arg13[%swap3A_503, %swap3A_504] {strides = array<i32>} : memref<4x16384xf32, #tpu.memory_space<vmem>>, vector<16xf32>,
      tpu.vector_store %arg13[%swap3A_503, %swap3A_504], %gather3A_500 {strides = array<i32>} : memref<4x16384xf32, #tpu.memory_space<vmem>>, vector<16xf32>,
      %broadcast_in_dim3A_506 = arith.constant 5 : i32
      %broadcast_in_dim3A_507 = vector.broadcast %broadcast_in_dim3A_506 : i32 to vector<16xi32>
      %lt3A_508 = arith.constant 0 : i32
      %lt3A_509 = vector.broadcast %lt3A_508 : i32 to vector<16xi32>
      %lt3A_510 = arith.cmpi slt, %broadcast_in_dim3A_507, %lt3A_509 : vector<16xi32>
      %add3A_511 = arith.constant 16 : i32
      %add3A_512 = vector.broadcast %add3A_511 : i32 to vector<16xi32>
      %add3A_513 = arith.addi %broadcast_in_dim3A_507, %add3A_512 : vector<16xi32>
      %select_n3A_514 = arith.select %lt3A_510, %add3A_513, %broadcast_in_dim3A_507 : vector<16xi1>, vector<16xi32>
      %reshape3A_515 = vector.shape_cast %select_n3A_514 : vector<16xi32> to vector<16x1xi32>
      %gather3A_516 = vector.shape_cast %reshape3A_515 : vector<16x1xi32> to vector<16xi32>
      %gather3A_517 = tpu.dynamic_gather %add3A_319[%gather3A_516] in [0] : vector<16xi32>, vector<16xi32> -> vector<16xi32>
      %mul3A_518 = arith.constant 16 : i32
      %mul3A_519 = arith.muli %select_n3A_310, %mul3A_518 : i32
      %add3A_520 = arith.constant 5 : i32
      %add3A_521 = arith.addi %mul3A_519, %add3A_520 : i32
      %mul3A_522 = arith.constant 128 : i32
      %mul3A_523 = arith.muli %add3A_521, %mul3A_522 : i32
      %add3A_524 = arith.constant 32 : i32
      %add3A_525 = arith.addi %mul3A_523, %add3A_524 : i32
      %add3A_526 = arith.constant 0 : i32
      %add3A_527 = vector.broadcast %add3A_526 : i32 to vector<16xi32>
      %add3A_528 = arith.addi %iota3A, %add3A_527 : vector<16xi32>
      %gather3A_529 = tpu.vector_load_idx %arg14[%gather3A_517, %add3A_528] : memref<30x32xf32, #tpu.memory_space<vmem>>[vector<16xi32>, vector<16xi32>], vector<16xf32>,
      %add3A_530 = arith.constant 0 : i32
      %add3A_531 = arith.addi %add3A_525, %add3A_530 : i32
      %swap3A_532 = arith.index_cast %select_n3A : i32 to index
      %swap3A_533 = arith.index_cast %add3A_531 : i32 to index
      %swap3A_534 = tpu.vector_load %arg13[%swap3A_532, %swap3A_533] {strides = array<i32>} : memref<4x16384xf32, #tpu.memory_space<vmem>>, vector<16xf32>,
      tpu.vector_store %arg13[%swap3A_532, %swap3A_533], %gather3A_529 {strides = array<i32>} : memref<4x16384xf32, #tpu.memory_space<vmem>>, vector<16xf32>,
      %add3A_535 = arith.constant 16 : i32
      %add3A_536 = vector.broadcast %add3A_535 : i32 to vector<16xi32>
      %add3A_537 = arith.addi %iota3A, %add3A_536 : vector<16xi32>
      %gather3A_538 = tpu.vector_load_idx %arg14[%gather3A_517, %add3A_537] : memref<30x32xf32, #tpu.memory_space<vmem>>[vector<16xi32>, vector<16xi32>], vector<16xf32>,
      %add3A_539 = arith.constant 16 : i32
      %add3A_540 = arith.addi %add3A_525, %add3A_539 : i32
      %swap3A_541 = arith.index_cast %select_n3A : i32 to index
      %swap3A_542 = arith.index_cast %add3A_540 : i32 to index
      %swap3A_543 = tpu.vector_load %arg13[%swap3A_541, %swap3A_542] {strides = array<i32>} : memref<4x16384xf32, #tpu.memory_space<vmem>>, vector<16xf32>,
      tpu.vector_store %arg13[%swap3A_541, %swap3A_542], %gather3A_538 {strides = array<i32>} : memref<4x16384xf32, #tpu.memory_space<vmem>>, vector<16xf32>,
      %broadcast_in_dim3A_544 = arith.constant 6 : i32
      %broadcast_in_dim3A_545 = vector.broadcast %broadcast_in_dim3A_544 : i32 to vector<16xi32>
      %lt3A_546 = arith.constant 0 : i32
      %lt3A_547 = vector.broadcast %lt3A_546 : i32 to vector<16xi32>
      %lt3A_548 = arith.cmpi slt, %broadcast_in_dim3A_545, %lt3A_547 : vector<16xi32>
      %add3A_549 = arith.constant 16 : i32
      %add3A_550 = vector.broadcast %add3A_549 : i32 to vector<16xi32>
      %add3A_551 = arith.addi %broadcast_in_dim3A_545, %add3A_550 : vector<16xi32>
      %select_n3A_552 = arith.select %lt3A_548, %add3A_551, %broadcast_in_dim3A_545 : vector<16xi1>, vector<16xi32>
      %reshape3A_553 = vector.shape_cast %select_n3A_552 : vector<16xi32> to vector<16x1xi32>
      %gather3A_554 = vector.shape_cast %reshape3A_553 : vector<16x1xi32> to vector<16xi32>
      %gather3A_555 = tpu.dynamic_gather %add3A_319[%gather3A_554] in [0] : vector<16xi32>, vector<16xi32> -> vector<16xi32>
      %mul3A_556 = arith.constant 16 : i32
      %mul3A_557 = arith.muli %select_n3A_310, %mul3A_556 : i32
      %add3A_558 = arith.constant 6 : i32
      %add3A_559 = arith.addi %mul3A_557, %add3A_558 : i32
      %mul3A_560 = arith.constant 128 : i32
      %mul3A_561 = arith.muli %add3A_559, %mul3A_560 : i32
      %add3A_562 = arith.constant 32 : i32
      %add3A_563 = arith.addi %mul3A_561, %add3A_562 : i32
      %add3A_564 = arith.constant 0 : i32
      %add3A_565 = vector.broadcast %add3A_564 : i32 to vector<16xi32>
      %add3A_566 = arith.addi %iota3A, %add3A_565 : vector<16xi32>
      %gather3A_567 = tpu.vector_load_idx %arg14[%gather3A_555, %add3A_566] : memref<30x32xf32, #tpu.memory_space<vmem>>[vector<16xi32>, vector<16xi32>], vector<16xf32>,
      %add3A_568 = arith.constant 0 : i32
      %add3A_569 = arith.addi %add3A_563, %add3A_568 : i32
      %swap3A_570 = arith.index_cast %select_n3A : i32 to index
      %swap3A_571 = arith.index_cast %add3A_569 : i32 to index
      %swap3A_572 = tpu.vector_load %arg13[%swap3A_570, %swap3A_571] {strides = array<i32>} : memref<4x16384xf32, #tpu.memory_space<vmem>>, vector<16xf32>,
      tpu.vector_store %arg13[%swap3A_570, %swap3A_571], %gather3A_567 {strides = array<i32>} : memref<4x16384xf32, #tpu.memory_space<vmem>>, vector<16xf32>,
      %add3A_573 = arith.constant 16 : i32
      %add3A_574 = vector.broadcast %add3A_573 : i32 to vector<16xi32>
      %add3A_575 = arith.addi %iota3A, %add3A_574 : vector<16xi32>
      %gather3A_576 = tpu.vector_load_idx %arg14[%gather3A_555, %add3A_575] : memref<30x32xf32, #tpu.memory_space<vmem>>[vector<16xi32>, vector<16xi32>], vector<16xf32>,
      %add3A_577 = arith.constant 16 : i32
      %add3A_578 = arith.addi %add3A_563, %add3A_577 : i32
      %swap3A_579 = arith.index_cast %select_n3A : i32 to index
      %swap3A_580 = arith.index_cast %add3A_578 : i32 to index
      %swap3A_581 = tpu.vector_load %arg13[%swap3A_579, %swap3A_580] {strides = array<i32>} : memref<4x16384xf32, #tpu.memory_space<vmem>>, vector<16xf32>,
      tpu.vector_store %arg13[%swap3A_579, %swap3A_580], %gather3A_576 {strides = array<i32>} : memref<4x16384xf32, #tpu.memory_space<vmem>>, vector<16xf32>,
      %broadcast_in_dim3A_582 = arith.constant 7 : i32
      %broadcast_in_dim3A_583 = vector.broadcast %broadcast_in_dim3A_582 : i32 to vector<16xi32>
      %lt3A_584 = arith.constant 0 : i32
      %lt3A_585 = vector.broadcast %lt3A_584 : i32 to vector<16xi32>
      %lt3A_586 = arith.cmpi slt, %broadcast_in_dim3A_583, %lt3A_585 : vector<16xi32>
      %add3A_587 = arith.constant 16 : i32
      %add3A_588 = vector.broadcast %add3A_587 : i32 to vector<16xi32>
      %add3A_589 = arith.addi %broadcast_in_dim3A_583, %add3A_588 : vector<16xi32>
      %select_n3A_590 = arith.select %lt3A_586, %add3A_589, %broadcast_in_dim3A_583 : vector<16xi1>, vector<16xi32>
      %reshape3A_591 = vector.shape_cast %select_n3A_590 : vector<16xi32> to vector<16x1xi32>
      %gather3A_592 = vector.shape_cast %reshape3A_591 : vector<16x1xi32> to vector<16xi32>
      %gather3A_593 = tpu.dynamic_gather %add3A_319[%gather3A_592] in [0] : vector<16xi32>, vector<16xi32> -> vector<16xi32>
      %mul3A_594 = arith.constant 16 : i32
      %mul3A_595 = arith.muli %select_n3A_310, %mul3A_594 : i32
      %add3A_596 = arith.constant 7 : i32
      %add3A_597 = arith.addi %mul3A_595, %add3A_596 : i32
      %mul3A_598 = arith.constant 128 : i32
      %mul3A_599 = arith.muli %add3A_597, %mul3A_598 : i32
      %add3A_600 = arith.constant 32 : i32
      %add3A_601 = arith.addi %mul3A_599, %add3A_600 : i32
      %add3A_602 = arith.constant 0 : i32
      %add3A_603 = vector.broadcast %add3A_602 : i32 to vector<16xi32>
      %add3A_604 = arith.addi %iota3A, %add3A_603 : vector<16xi32>
      %gather3A_605 = tpu.vector_load_idx %arg14[%gather3A_593, %add3A_604] : memref<30x32xf32, #tpu.memory_space<vmem>>[vector<16xi32>, vector<16xi32>], vector<16xf32>,
      %add3A_606 = arith.constant 0 : i32
      %add3A_607 = arith.addi %add3A_601, %add3A_606 : i32
      %swap3A_608 = arith.index_cast %select_n3A : i32 to index
      %swap3A_609 = arith.index_cast %add3A_607 : i32 to index
      %swap3A_610 = tpu.vector_load %arg13[%swap3A_608, %swap3A_609] {strides = array<i32>} : memref<4x16384xf32, #tpu.memory_space<vmem>>, vector<16xf32>,
      tpu.vector_store %arg13[%swap3A_608, %swap3A_609], %gather3A_605 {strides = array<i32>} : memref<4x16384xf32, #tpu.memory_space<vmem>>, vector<16xf32>,
      %add3A_611 = arith.constant 16 : i32
      %add3A_612 = vector.broadcast %add3A_611 : i32 to vector<16xi32>
      %add3A_613 = arith.addi %iota3A, %add3A_612 : vector<16xi32>
      %gather3A_614 = tpu.vector_load_idx %arg14[%gather3A_593, %add3A_613] : memref<30x32xf32, #tpu.memory_space<vmem>>[vector<16xi32>, vector<16xi32>], vector<16xf32>,
      %add3A_615 = arith.constant 16 : i32
      %add3A_616 = arith.addi %add3A_601, %add3A_615 : i32
      %swap3A_617 = arith.index_cast %select_n3A : i32 to index
      %swap3A_618 = arith.index_cast %add3A_616 : i32 to index
      %swap3A_619 = tpu.vector_load %arg13[%swap3A_617, %swap3A_618] {strides = array<i32>} : memref<4x16384xf32, #tpu.memory_space<vmem>>, vector<16xf32>,
      tpu.vector_store %arg13[%swap3A_617, %swap3A_618], %gather3A_614 {strides = array<i32>} : memref<4x16384xf32, #tpu.memory_space<vmem>>, vector<16xf32>,
      %broadcast_in_dim3A_620 = arith.constant 8 : i32
      %broadcast_in_dim3A_621 = vector.broadcast %broadcast_in_dim3A_620 : i32 to vector<16xi32>
      %lt3A_622 = arith.constant 0 : i32
      %lt3A_623 = vector.broadcast %lt3A_622 : i32 to vector<16xi32>
      %lt3A_624 = arith.cmpi slt, %broadcast_in_dim3A_621, %lt3A_623 : vector<16xi32>
      %add3A_625 = arith.constant 16 : i32
      %add3A_626 = vector.broadcast %add3A_625 : i32 to vector<16xi32>
      %add3A_627 = arith.addi %broadcast_in_dim3A_621, %add3A_626 : vector<16xi32>
      %select_n3A_628 = arith.select %lt3A_624, %add3A_627, %broadcast_in_dim3A_621 : vector<16xi1>, vector<16xi32>
      %reshape3A_629 = vector.shape_cast %select_n3A_628 : vector<16xi32> to vector<16x1xi32>
      %gather3A_630 = vector.shape_cast %reshape3A_629 : vector<16x1xi32> to vector<16xi32>
      %gather3A_631 = tpu.dynamic_gather %add3A_319[%gather3A_630] in [0] : vector<16xi32>, vector<16xi32> -> vector<16xi32>
      %mul3A_632 = arith.constant 16 : i32
      %mul3A_633 = arith.muli %select_n3A_310, %mul3A_632 : i32
      %add3A_634 = arith.constant 8 : i32
      %add3A_635 = arith.addi %mul3A_633, %add3A_634 : i32
      %mul3A_636 = arith.constant 128 : i32
      %mul3A_637 = arith.muli %add3A_635, %mul3A_636 : i32
      %add3A_638 = arith.constant 32 : i32
      %add3A_639 = arith.addi %mul3A_637, %add3A_638 : i32
      %add3A_640 = arith.constant 0 : i32
      %add3A_641 = vector.broadcast %add3A_640 : i32 to vector<16xi32>
      %add3A_642 = arith.addi %iota3A, %add3A_641 : vector<16xi32>
      %gather3A_643 = tpu.vector_load_idx %arg14[%gather3A_631, %add3A_642] : memref<30x32xf32, #tpu.memory_space<vmem>>[vector<16xi32>, vector<16xi32>], vector<16xf32>,
      %add3A_644 = arith.constant 0 : i32
      %add3A_645 = arith.addi %add3A_639, %add3A_644 : i32
      %swap3A_646 = arith.index_cast %select_n3A : i32 to index
      %swap3A_647 = arith.index_cast %add3A_645 : i32 to index
      %swap3A_648 = tpu.vector_load %arg13[%swap3A_646, %swap3A_647] {strides = array<i32>} : memref<4x16384xf32, #tpu.memory_space<vmem>>, vector<16xf32>,
      tpu.vector_store %arg13[%swap3A_646, %swap3A_647], %gather3A_643 {strides = array<i32>} : memref<4x16384xf32, #tpu.memory_space<vmem>>, vector<16xf32>,
      %add3A_649 = arith.constant 16 : i32
      %add3A_650 = vector.broadcast %add3A_649 : i32 to vector<16xi32>
      %add3A_651 = arith.addi %iota3A, %add3A_650 : vector<16xi32>
      %gather3A_652 = tpu.vector_load_idx %arg14[%gather3A_631, %add3A_651] : memref<30x32xf32, #tpu.memory_space<vmem>>[vector<16xi32>, vector<16xi32>], vector<16xf32>,
      %add3A_653 = arith.constant 16 : i32
      %add3A_654 = arith.addi %add3A_639, %add3A_653 : i32
      %swap3A_655 = arith.index_cast %select_n3A : i32 to index
      %swap3A_656 = arith.index_cast %add3A_654 : i32 to index
      %swap3A_657 = tpu.vector_load %arg13[%swap3A_655, %swap3A_656] {strides = array<i32>} : memref<4x16384xf32, #tpu.memory_space<vmem>>, vector<16xf32>,
      tpu.vector_store %arg13[%swap3A_655, %swap3A_656], %gather3A_652 {strides = array<i32>} : memref<4x16384xf32, #tpu.memory_space<vmem>>, vector<16xf32>,
      %broadcast_in_dim3A_658 = arith.constant 9 : i32
      %broadcast_in_dim3A_659 = vector.broadcast %broadcast_in_dim3A_658 : i32 to vector<16xi32>
      %lt3A_660 = arith.constant 0 : i32
      %lt3A_661 = vector.broadcast %lt3A_660 : i32 to vector<16xi32>
      %lt3A_662 = arith.cmpi slt, %broadcast_in_dim3A_659, %lt3A_661 : vector<16xi32>
      %add3A_663 = arith.constant 16 : i32
      %add3A_664 = vector.broadcast %add3A_663 : i32 to vector<16xi32>
      %add3A_665 = arith.addi %broadcast_in_dim3A_659, %add3A_664 : vector<16xi32>
      %select_n3A_666 = arith.select %lt3A_662, %add3A_665, %broadcast_in_dim3A_659 : vector<16xi1>, vector<16xi32>
      %reshape3A_667 = vector.shape_cast %select_n3A_666 : vector<16xi32> to vector<16x1xi32>
      %gather3A_668 = vector.shape_cast %reshape3A_667 : vector<16x1xi32> to vector<16xi32>
      %gather3A_669 = tpu.dynamic_gather %add3A_319[%gather3A_668] in [0] : vector<16xi32>, vector<16xi32> -> vector<16xi32>
      %mul3A_670 = arith.constant 16 : i32
      %mul3A_671 = arith.muli %select_n3A_310, %mul3A_670 : i32
      %add3A_672 = arith.constant 9 : i32
      %add3A_673 = arith.addi %mul3A_671, %add3A_672 : i32
      %mul3A_674 = arith.constant 128 : i32
      %mul3A_675 = arith.muli %add3A_673, %mul3A_674 : i32
      %add3A_676 = arith.constant 32 : i32
      %add3A_677 = arith.addi %mul3A_675, %add3A_676 : i32
      %add3A_678 = arith.constant 0 : i32
      %add3A_679 = vector.broadcast %add3A_678 : i32 to vector<16xi32>
      %add3A_680 = arith.addi %iota3A, %add3A_679 : vector<16xi32>
      %gather3A_681 = tpu.vector_load_idx %arg14[%gather3A_669, %add3A_680] : memref<30x32xf32, #tpu.memory_space<vmem>>[vector<16xi32>, vector<16xi32>], vector<16xf32>,
      %add3A_682 = arith.constant 0 : i32
      %add3A_683 = arith.addi %add3A_677, %add3A_682 : i32
      %swap3A_684 = arith.index_cast %select_n3A : i32 to index
      %swap3A_685 = arith.index_cast %add3A_683 : i32 to index
      %swap3A_686 = tpu.vector_load %arg13[%swap3A_684, %swap3A_685] {strides = array<i32>} : memref<4x16384xf32, #tpu.memory_space<vmem>>, vector<16xf32>,
      tpu.vector_store %arg13[%swap3A_684, %swap3A_685], %gather3A_681 {strides = array<i32>} : memref<4x16384xf32, #tpu.memory_space<vmem>>, vector<16xf32>,
      %add3A_687 = arith.constant 16 : i32
      %add3A_688 = vector.broadcast %add3A_687 : i32 to vector<16xi32>
      %add3A_689 = arith.addi %iota3A, %add3A_688 : vector<16xi32>
      %gather3A_690 = tpu.vector_load_idx %arg14[%gather3A_669, %add3A_689] : memref<30x32xf32, #tpu.memory_space<vmem>>[vector<16xi32>, vector<16xi32>], vector<16xf32>,
      %add3A_691 = arith.constant 16 : i32
      %add3A_692 = arith.addi %add3A_677, %add3A_691 : i32
      %swap3A_693 = arith.index_cast %select_n3A : i32 to index
      %swap3A_694 = arith.index_cast %add3A_692 : i32 to index
      %swap3A_695 = tpu.vector_load %arg13[%swap3A_693, %swap3A_694] {strides = array<i32>} : memref<4x16384xf32, #tpu.memory_space<vmem>>, vector<16xf32>,
      tpu.vector_store %arg13[%swap3A_693, %swap3A_694], %gather3A_690 {strides = array<i32>} : memref<4x16384xf32, #tpu.memory_space<vmem>>, vector<16xf32>,
      %broadcast_in_dim3A_696 = arith.constant 10 : i32
      %broadcast_in_dim3A_697 = vector.broadcast %broadcast_in_dim3A_696 : i32 to vector<16xi32>
      %lt3A_698 = arith.constant 0 : i32
      %lt3A_699 = vector.broadcast %lt3A_698 : i32 to vector<16xi32>
      %lt3A_700 = arith.cmpi slt, %broadcast_in_dim3A_697, %lt3A_699 : vector<16xi32>
      %add3A_701 = arith.constant 16 : i32
      %add3A_702 = vector.broadcast %add3A_701 : i32 to vector<16xi32>
      %add3A_703 = arith.addi %broadcast_in_dim3A_697, %add3A_702 : vector<16xi32>
      %select_n3A_704 = arith.select %lt3A_700, %add3A_703, %broadcast_in_dim3A_697 : vector<16xi1>, vector<16xi32>
      %reshape3A_705 = vector.shape_cast %select_n3A_704 : vector<16xi32> to vector<16x1xi32>
      %gather3A_706 = vector.shape_cast %reshape3A_705 : vector<16x1xi32> to vector<16xi32>
      %gather3A_707 = tpu.dynamic_gather %add3A_319[%gather3A_706] in [0] : vector<16xi32>, vector<16xi32> -> vector<16xi32>
      %mul3A_708 = arith.constant 16 : i32
      %mul3A_709 = arith.muli %select_n3A_310, %mul3A_708 : i32
      %add3A_710 = arith.constant 10 : i32
      %add3A_711 = arith.addi %mul3A_709, %add3A_710 : i32
      %mul3A_712 = arith.constant 128 : i32
      %mul3A_713 = arith.muli %add3A_711, %mul3A_712 : i32
      %add3A_714 = arith.constant 32 : i32
      %add3A_715 = arith.addi %mul3A_713, %add3A_714 : i32
      %add3A_716 = arith.constant 0 : i32
      %add3A_717 = vector.broadcast %add3A_716 : i32 to vector<16xi32>
      %add3A_718 = arith.addi %iota3A, %add3A_717 : vector<16xi32>
      %gather3A_719 = tpu.vector_load_idx %arg14[%gather3A_707, %add3A_718] : memref<30x32xf32, #tpu.memory_space<vmem>>[vector<16xi32>, vector<16xi32>], vector<16xf32>,
      %add3A_720 = arith.constant 0 : i32
      %add3A_721 = arith.addi %add3A_715, %add3A_720 : i32
      %swap3A_722 = arith.index_cast %select_n3A : i32 to index
      %swap3A_723 = arith.index_cast %add3A_721 : i32 to index
      %swap3A_724 = tpu.vector_load %arg13[%swap3A_722, %swap3A_723] {strides = array<i32>} : memref<4x16384xf32, #tpu.memory_space<vmem>>, vector<16xf32>,
      tpu.vector_store %arg13[%swap3A_722, %swap3A_723], %gather3A_719 {strides = array<i32>} : memref<4x16384xf32, #tpu.memory_space<vmem>>, vector<16xf32>,
      %add3A_725 = arith.constant 16 : i32
      %add3A_726 = vector.broadcast %add3A_725 : i32 to vector<16xi32>
      %add3A_727 = arith.addi %iota3A, %add3A_726 : vector<16xi32>
      %gather3A_728 = tpu.vector_load_idx %arg14[%gather3A_707, %add3A_727] : memref<30x32xf32, #tpu.memory_space<vmem>>[vector<16xi32>, vector<16xi32>], vector<16xf32>,
      %add3A_729 = arith.constant 16 : i32
      %add3A_730 = arith.addi %add3A_715, %add3A_729 : i32
      %swap3A_731 = arith.index_cast %select_n3A : i32 to index
      %swap3A_732 = arith.index_cast %add3A_730 : i32 to index
      %swap3A_733 = tpu.vector_load %arg13[%swap3A_731, %swap3A_732] {strides = array<i32>} : memref<4x16384xf32, #tpu.memory_space<vmem>>, vector<16xf32>,
      tpu.vector_store %arg13[%swap3A_731, %swap3A_732], %gather3A_728 {strides = array<i32>} : memref<4x16384xf32, #tpu.memory_space<vmem>>, vector<16xf32>,
      %broadcast_in_dim3A_734 = arith.constant 11 : i32
      %broadcast_in_dim3A_735 = vector.broadcast %broadcast_in_dim3A_734 : i32 to vector<16xi32>
      %lt3A_736 = arith.constant 0 : i32
      %lt3A_737 = vector.broadcast %lt3A_736 : i32 to vector<16xi32>
      %lt3A_738 = arith.cmpi slt, %broadcast_in_dim3A_735, %lt3A_737 : vector<16xi32>
      %add3A_739 = arith.constant 16 : i32
      %add3A_740 = vector.broadcast %add3A_739 : i32 to vector<16xi32>
      %add3A_741 = arith.addi %broadcast_in_dim3A_735, %add3A_740 : vector<16xi32>
      %select_n3A_742 = arith.select %lt3A_738, %add3A_741, %broadcast_in_dim3A_735 : vector<16xi1>, vector<16xi32>
      %reshape3A_743 = vector.shape_cast %select_n3A_742 : vector<16xi32> to vector<16x1xi32>
      %gather3A_744 = vector.shape_cast %reshape3A_743 : vector<16x1xi32> to vector<16xi32>
      %gather3A_745 = tpu.dynamic_gather %add3A_319[%gather3A_744] in [0] : vector<16xi32>, vector<16xi32> -> vector<16xi32>
      %mul3A_746 = arith.constant 16 : i32
      %mul3A_747 = arith.muli %select_n3A_310, %mul3A_746 : i32
      %add3A_748 = arith.constant 11 : i32
      %add3A_749 = arith.addi %mul3A_747, %add3A_748 : i32
      %mul3A_750 = arith.constant 128 : i32
      %mul3A_751 = arith.muli %add3A_749, %mul3A_750 : i32
      %add3A_752 = arith.constant 32 : i32
      %add3A_753 = arith.addi %mul3A_751, %add3A_752 : i32
      %add3A_754 = arith.constant 0 : i32
      %add3A_755 = vector.broadcast %add3A_754 : i32 to vector<16xi32>
      %add3A_756 = arith.addi %iota3A, %add3A_755 : vector<16xi32>
      %gather3A_757 = tpu.vector_load_idx %arg14[%gather3A_745, %add3A_756] : memref<30x32xf32, #tpu.memory_space<vmem>>[vector<16xi32>, vector<16xi32>], vector<16xf32>,
      %add3A_758 = arith.constant 0 : i32
      %add3A_759 = arith.addi %add3A_753, %add3A_758 : i32
      %swap3A_760 = arith.index_cast %select_n3A : i32 to index
      %swap3A_761 = arith.index_cast %add3A_759 : i32 to index
      %swap3A_762 = tpu.vector_load %arg13[%swap3A_760, %swap3A_761] {strides = array<i32>} : memref<4x16384xf32, #tpu.memory_space<vmem>>, vector<16xf32>,
      tpu.vector_store %arg13[%swap3A_760, %swap3A_761], %gather3A_757 {strides = array<i32>} : memref<4x16384xf32, #tpu.memory_space<vmem>>, vector<16xf32>,
      %add3A_763 = arith.constant 16 : i32
      %add3A_764 = vector.broadcast %add3A_763 : i32 to vector<16xi32>
      %add3A_765 = arith.addi %iota3A, %add3A_764 : vector<16xi32>
      %gather3A_766 = tpu.vector_load_idx %arg14[%gather3A_745, %add3A_765] : memref<30x32xf32, #tpu.memory_space<vmem>>[vector<16xi32>, vector<16xi32>], vector<16xf32>,
      %add3A_767 = arith.constant 16 : i32
      %add3A_768 = arith.addi %add3A_753, %add3A_767 : i32
      %swap3A_769 = arith.index_cast %select_n3A : i32 to index
      %swap3A_770 = arith.index_cast %add3A_768 : i32 to index
      %swap3A_771 = tpu.vector_load %arg13[%swap3A_769, %swap3A_770] {strides = array<i32>} : memref<4x16384xf32, #tpu.memory_space<vmem>>, vector<16xf32>,
      tpu.vector_store %arg13[%swap3A_769, %swap3A_770], %gather3A_766 {strides = array<i32>} : memref<4x16384xf32, #tpu.memory_space<vmem>>, vector<16xf32>,
      %broadcast_in_dim3A_772 = arith.constant 12 : i32
      %broadcast_in_dim3A_773 = vector.broadcast %broadcast_in_dim3A_772 : i32 to vector<16xi32>
      %lt3A_774 = arith.constant 0 : i32
      %lt3A_775 = vector.broadcast %lt3A_774 : i32 to vector<16xi32>
      %lt3A_776 = arith.cmpi slt, %broadcast_in_dim3A_773, %lt3A_775 : vector<16xi32>
      %add3A_777 = arith.constant 16 : i32
      %add3A_778 = vector.broadcast %add3A_777 : i32 to vector<16xi32>
      %add3A_779 = arith.addi %broadcast_in_dim3A_773, %add3A_778 : vector<16xi32>
      %select_n3A_780 = arith.select %lt3A_776, %add3A_779, %broadcast_in_dim3A_773 : vector<16xi1>, vector<16xi32>
      %reshape3A_781 = vector.shape_cast %select_n3A_780 : vector<16xi32> to vector<16x1xi32>
      %gather3A_782 = vector.shape_cast %reshape3A_781 : vector<16x1xi32> to vector<16xi32>
      %gather3A_783 = tpu.dynamic_gather %add3A_319[%gather3A_782] in [0] : vector<16xi32>, vector<16xi32> -> vector<16xi32>
      %mul3A_784 = arith.constant 16 : i32
      %mul3A_785 = arith.muli %select_n3A_310, %mul3A_784 : i32
      %add3A_786 = arith.constant 12 : i32
      %add3A_787 = arith.addi %mul3A_785, %add3A_786 : i32
      %mul3A_788 = arith.constant 128 : i32
      %mul3A_789 = arith.muli %add3A_787, %mul3A_788 : i32
      %add3A_790 = arith.constant 32 : i32
      %add3A_791 = arith.addi %mul3A_789, %add3A_790 : i32
      %add3A_792 = arith.constant 0 : i32
      %add3A_793 = vector.broadcast %add3A_792 : i32 to vector<16xi32>
      %add3A_794 = arith.addi %iota3A, %add3A_793 : vector<16xi32>
      %gather3A_795 = tpu.vector_load_idx %arg14[%gather3A_783, %add3A_794] : memref<30x32xf32, #tpu.memory_space<vmem>>[vector<16xi32>, vector<16xi32>], vector<16xf32>,
      %add3A_796 = arith.constant 0 : i32
      %add3A_797 = arith.addi %add3A_791, %add3A_796 : i32
      %swap3A_798 = arith.index_cast %select_n3A : i32 to index
      %swap3A_799 = arith.index_cast %add3A_797 : i32 to index
      %swap3A_800 = tpu.vector_load %arg13[%swap3A_798, %swap3A_799] {strides = array<i32>} : memref<4x16384xf32, #tpu.memory_space<vmem>>, vector<16xf32>,
      tpu.vector_store %arg13[%swap3A_798, %swap3A_799], %gather3A_795 {strides = array<i32>} : memref<4x16384xf32, #tpu.memory_space<vmem>>, vector<16xf32>,
      %add3A_801 = arith.constant 16 : i32
      %add3A_802 = vector.broadcast %add3A_801 : i32 to vector<16xi32>
      %add3A_803 = arith.addi %iota3A, %add3A_802 : vector<16xi32>
      %gather3A_804 = tpu.vector_load_idx %arg14[%gather3A_783, %add3A_803] : memref<30x32xf32, #tpu.memory_space<vmem>>[vector<16xi32>, vector<16xi32>], vector<16xf32>,
      %add3A_805 = arith.constant 16 : i32
      %add3A_806 = arith.addi %add3A_791, %add3A_805 : i32
      %swap3A_807 = arith.index_cast %select_n3A : i32 to index
      %swap3A_808 = arith.index_cast %add3A_806 : i32 to index
      %swap3A_809 = tpu.vector_load %arg13[%swap3A_807, %swap3A_808] {strides = array<i32>} : memref<4x16384xf32, #tpu.memory_space<vmem>>, vector<16xf32>,
      tpu.vector_store %arg13[%swap3A_807, %swap3A_808], %gather3A_804 {strides = array<i32>} : memref<4x16384xf32, #tpu.memory_space<vmem>>, vector<16xf32>,
      %broadcast_in_dim3A_810 = arith.constant 13 : i32
      %broadcast_in_dim3A_811 = vector.broadcast %broadcast_in_dim3A_810 : i32 to vector<16xi32>
      %lt3A_812 = arith.constant 0 : i32
      %lt3A_813 = vector.broadcast %lt3A_812 : i32 to vector<16xi32>
      %lt3A_814 = arith.cmpi slt, %broadcast_in_dim3A_811, %lt3A_813 : vector<16xi32>
      %add3A_815 = arith.constant 16 : i32
      %add3A_816 = vector.broadcast %add3A_815 : i32 to vector<16xi32>
      %add3A_817 = arith.addi %broadcast_in_dim3A_811, %add3A_816 : vector<16xi32>
      %select_n3A_818 = arith.select %lt3A_814, %add3A_817, %broadcast_in_dim3A_811 : vector<16xi1>, vector<16xi32>
      %reshape3A_819 = vector.shape_cast %select_n3A_818 : vector<16xi32> to vector<16x1xi32>
      %gather3A_820 = vector.shape_cast %reshape3A_819 : vector<16x1xi32> to vector<16xi32>
      %gather3A_821 = tpu.dynamic_gather %add3A_319[%gather3A_820] in [0] : vector<16xi32>, vector<16xi32> -> vector<16xi32>
      %mul3A_822 = arith.constant 16 : i32
      %mul3A_823 = arith.muli %select_n3A_310, %mul3A_822 : i32
      %add3A_824 = arith.constant 13 : i32
      %add3A_825 = arith.addi %mul3A_823, %add3A_824 : i32
      %mul3A_826 = arith.constant 128 : i32
      %mul3A_827 = arith.muli %add3A_825, %mul3A_826 : i32
      %add3A_828 = arith.constant 32 : i32
      %add3A_829 = arith.addi %mul3A_827, %add3A_828 : i32
      %add3A_830 = arith.constant 0 : i32
      %add3A_831 = vector.broadcast %add3A_830 : i32 to vector<16xi32>
      %add3A_832 = arith.addi %iota3A, %add3A_831 : vector<16xi32>
      %gather3A_833 = tpu.vector_load_idx %arg14[%gather3A_821, %add3A_832] : memref<30x32xf32, #tpu.memory_space<vmem>>[vector<16xi32>, vector<16xi32>], vector<16xf32>,
      %add3A_834 = arith.constant 0 : i32
      %add3A_835 = arith.addi %add3A_829, %add3A_834 : i32
      %swap3A_836 = arith.index_cast %select_n3A : i32 to index
      %swap3A_837 = arith.index_cast %add3A_835 : i32 to index
      %swap3A_838 = tpu.vector_load %arg13[%swap3A_836, %swap3A_837] {strides = array<i32>} : memref<4x16384xf32, #tpu.memory_space<vmem>>, vector<16xf32>,
      tpu.vector_store %arg13[%swap3A_836, %swap3A_837], %gather3A_833 {strides = array<i32>} : memref<4x16384xf32, #tpu.memory_space<vmem>>, vector<16xf32>,
      %add3A_839 = arith.constant 16 : i32
      %add3A_840 = vector.broadcast %add3A_839 : i32 to vector<16xi32>
      %add3A_841 = arith.addi %iota3A, %add3A_840 : vector<16xi32>
      %gather3A_842 = tpu.vector_load_idx %arg14[%gather3A_821, %add3A_841] : memref<30x32xf32, #tpu.memory_space<vmem>>[vector<16xi32>, vector<16xi32>], vector<16xf32>,
      %add3A_843 = arith.constant 16 : i32
      %add3A_844 = arith.addi %add3A_829, %add3A_843 : i32
      %swap3A_845 = arith.index_cast %select_n3A : i32 to index
      %swap3A_846 = arith.index_cast %add3A_844 : i32 to index
      %swap3A_847 = tpu.vector_load %arg13[%swap3A_845, %swap3A_846] {strides = array<i32>} : memref<4x16384xf32, #tpu.memory_space<vmem>>, vector<16xf32>,
      tpu.vector_store %arg13[%swap3A_845, %swap3A_846], %gather3A_842 {strides = array<i32>} : memref<4x16384xf32, #tpu.memory_space<vmem>>, vector<16xf32>,
      %broadcast_in_dim3A_848 = arith.constant 14 : i32
      %broadcast_in_dim3A_849 = vector.broadcast %broadcast_in_dim3A_848 : i32 to vector<16xi32>
      %lt3A_850 = arith.constant 0 : i32
      %lt3A_851 = vector.broadcast %lt3A_850 : i32 to vector<16xi32>
      %lt3A_852 = arith.cmpi slt, %broadcast_in_dim3A_849, %lt3A_851 : vector<16xi32>
      %add3A_853 = arith.constant 16 : i32
      %add3A_854 = vector.broadcast %add3A_853 : i32 to vector<16xi32>
      %add3A_855 = arith.addi %broadcast_in_dim3A_849, %add3A_854 : vector<16xi32>
      %select_n3A_856 = arith.select %lt3A_852, %add3A_855, %broadcast_in_dim3A_849 : vector<16xi1>, vector<16xi32>
      %reshape3A_857 = vector.shape_cast %select_n3A_856 : vector<16xi32> to vector<16x1xi32>
      %gather3A_858 = vector.shape_cast %reshape3A_857 : vector<16x1xi32> to vector<16xi32>
      %gather3A_859 = tpu.dynamic_gather %add3A_319[%gather3A_858] in [0] : vector<16xi32>, vector<16xi32> -> vector<16xi32>
      %mul3A_860 = arith.constant 16 : i32
      %mul3A_861 = arith.muli %select_n3A_310, %mul3A_860 : i32
      %add3A_862 = arith.constant 14 : i32
      %add3A_863 = arith.addi %mul3A_861, %add3A_862 : i32
      %mul3A_864 = arith.constant 128 : i32
      %mul3A_865 = arith.muli %add3A_863, %mul3A_864 : i32
      %add3A_866 = arith.constant 32 : i32
      %add3A_867 = arith.addi %mul3A_865, %add3A_866 : i32
      %add3A_868 = arith.constant 0 : i32
      %add3A_869 = vector.broadcast %add3A_868 : i32 to vector<16xi32>
      %add3A_870 = arith.addi %iota3A, %add3A_869 : vector<16xi32>
      %gather3A_871 = tpu.vector_load_idx %arg14[%gather3A_859, %add3A_870] : memref<30x32xf32, #tpu.memory_space<vmem>>[vector<16xi32>, vector<16xi32>], vector<16xf32>,
      %add3A_872 = arith.constant 0 : i32
      %add3A_873 = arith.addi %add3A_867, %add3A_872 : i32
      %swap3A_874 = arith.index_cast %select_n3A : i32 to index
      %swap3A_875 = arith.index_cast %add3A_873 : i32 to index
      %swap3A_876 = tpu.vector_load %arg13[%swap3A_874, %swap3A_875] {strides = array<i32>} : memref<4x16384xf32, #tpu.memory_space<vmem>>, vector<16xf32>,
      tpu.vector_store %arg13[%swap3A_874, %swap3A_875], %gather3A_871 {strides = array<i32>} : memref<4x16384xf32, #tpu.memory_space<vmem>>, vector<16xf32>,
      %add3A_877 = arith.constant 16 : i32
      %add3A_878 = vector.broadcast %add3A_877 : i32 to vector<16xi32>
      %add3A_879 = arith.addi %iota3A, %add3A_878 : vector<16xi32>
      %gather3A_880 = tpu.vector_load_idx %arg14[%gather3A_859, %add3A_879] : memref<30x32xf32, #tpu.memory_space<vmem>>[vector<16xi32>, vector<16xi32>], vector<16xf32>,
      %add3A_881 = arith.constant 16 : i32
      %add3A_882 = arith.addi %add3A_867, %add3A_881 : i32
      %swap3A_883 = arith.index_cast %select_n3A : i32 to index
      %swap3A_884 = arith.index_cast %add3A_882 : i32 to index
      %swap3A_885 = tpu.vector_load %arg13[%swap3A_883, %swap3A_884] {strides = array<i32>} : memref<4x16384xf32, #tpu.memory_space<vmem>>, vector<16xf32>,
      tpu.vector_store %arg13[%swap3A_883, %swap3A_884], %gather3A_880 {strides = array<i32>} : memref<4x16384xf32, #tpu.memory_space<vmem>>, vector<16xf32>,
      %broadcast_in_dim3A_886 = arith.constant 15 : i32
      %broadcast_in_dim3A_887 = vector.broadcast %broadcast_in_dim3A_886 : i32 to vector<16xi32>
      %lt3A_888 = arith.constant 0 : i32
      %lt3A_889 = vector.broadcast %lt3A_888 : i32 to vector<16xi32>
      %lt3A_890 = arith.cmpi slt, %broadcast_in_dim3A_887, %lt3A_889 : vector<16xi32>
      %add3A_891 = arith.constant 16 : i32
      %add3A_892 = vector.broadcast %add3A_891 : i32 to vector<16xi32>
      %add3A_893 = arith.addi %broadcast_in_dim3A_887, %add3A_892 : vector<16xi32>
      %select_n3A_894 = arith.select %lt3A_890, %add3A_893, %broadcast_in_dim3A_887 : vector<16xi1>, vector<16xi32>
      %reshape3A_895 = vector.shape_cast %select_n3A_894 : vector<16xi32> to vector<16x1xi32>
      %gather3A_896 = vector.shape_cast %reshape3A_895 : vector<16x1xi32> to vector<16xi32>
      %gather3A_897 = tpu.dynamic_gather %add3A_319[%gather3A_896] in [0] : vector<16xi32>, vector<16xi32> -> vector<16xi32>
      %mul3A_898 = arith.constant 16 : i32
      %mul3A_899 = arith.muli %select_n3A_310, %mul3A_898 : i32
      %add3A_900 = arith.constant 15 : i32
      %add3A_901 = arith.addi %mul3A_899, %add3A_900 : i32
      %mul3A_902 = arith.constant 128 : i32
      %mul3A_903 = arith.muli %add3A_901, %mul3A_902 : i32
      %add3A_904 = arith.constant 32 : i32
      %add3A_905 = arith.addi %mul3A_903, %add3A_904 : i32
      %add3A_906 = arith.constant 0 : i32
      %add3A_907 = vector.broadcast %add3A_906 : i32 to vector<16xi32>
      %add3A_908 = arith.addi %iota3A, %add3A_907 : vector<16xi32>
      %gather3A_909 = tpu.vector_load_idx %arg14[%gather3A_897, %add3A_908] : memref<30x32xf32, #tpu.memory_space<vmem>>[vector<16xi32>, vector<16xi32>], vector<16xf32>,
      %add3A_910 = arith.constant 0 : i32
      %add3A_911 = arith.addi %add3A_905, %add3A_910 : i32
      %swap3A_912 = arith.index_cast %select_n3A : i32 to index
      %swap3A_913 = arith.index_cast %add3A_911 : i32 to index
      %swap3A_914 = tpu.vector_load %arg13[%swap3A_912, %swap3A_913] {strides = array<i32>} : memref<4x16384xf32, #tpu.memory_space<vmem>>, vector<16xf32>,
      tpu.vector_store %arg13[%swap3A_912, %swap3A_913], %gather3A_909 {strides = array<i32>} : memref<4x16384xf32, #tpu.memory_space<vmem>>, vector<16xf32>,
      %add3A_915 = arith.constant 16 : i32
      %add3A_916 = vector.broadcast %add3A_915 : i32 to vector<16xi32>
      %add3A_917 = arith.addi %iota3A, %add3A_916 : vector<16xi32>
      %gather3A_918 = tpu.vector_load_idx %arg14[%gather3A_897, %add3A_917] : memref<30x32xf32, #tpu.memory_space<vmem>>[vector<16xi32>, vector<16xi32>], vector<16xf32>,
      %add3A_919 = arith.constant 16 : i32
      %add3A_920 = arith.addi %add3A_905, %add3A_919 : i32
      %swap3A_921 = arith.index_cast %select_n3A : i32 to index
      %swap3A_922 = arith.index_cast %add3A_920 : i32 to index
      %swap3A_923 = tpu.vector_load %arg13[%swap3A_921, %swap3A_922] {strides = array<i32>} : memref<4x16384xf32, #tpu.memory_space<vmem>>, vector<16xf32>,
      tpu.vector_store %arg13[%swap3A_921, %swap3A_922], %gather3A_918 {strides = array<i32>} : memref<4x16384xf32, #tpu.memory_space<vmem>>, vector<16xf32>,
    }
    %scan3A_81 = arith.constant 32 : i32
    %scan3A_82 = arith.constant 0 : i32
    %scan3A_83 = arith.constant 32 : i32
    %scan3A_84 = arith.addi %scan3A_82, %scan3A_83 : i32
    %scan3A_85 = arith.constant 1 : i32
    scf.for %scan3A_280 = %scan3A_82 to %scan3A_84 step %scan3A_85  : i32 {
      %jit3A = arith.constant 8 : i32
      %div3A = arith.divsi %scan3A_280, %jit3A : i32
      %sign3A = arith.constant 0 : i32
      %sign3A_281 = arith.cmpi sgt, %scan3A_280, %sign3A : i32
      %sign3A_282 = arith.extui %sign3A_281 : i1 to i32
      %sign3A_283 = arith.constant 0 : i32
      %sign3A_284 = arith.cmpi slt, %scan3A_280, %sign3A_283 : i32
      %sign3A_285 = arith.extui %sign3A_284 : i1 to i32
      %sign3A_286 = arith.subi %sign3A_282, %sign3A_285 : i32
      %sign3A_287 = arith.constant 0 : i32
      %sign3A_288 = arith.cmpi sgt, %jit3A, %sign3A_287 : i32
      %sign3A_289 = arith.extui %sign3A_288 : i1 to i32
      %sign3A_290 = arith.constant 0 : i32
      %sign3A_291 = arith.cmpi slt, %jit3A, %sign3A_290 : i32
      %sign3A_292 = arith.extui %sign3A_291 : i1 to i32
      %sign3A_293 = arith.subi %sign3A_289, %sign3A_292 : i32
      %ne3A = arith.cmpi ne, %sign3A_286, %sign3A_293 : i32
      %rem3A = arith.remsi %scan3A_280, %jit3A : i32
      %ne3A_294 = arith.constant 0 : i32
      %ne3A_295 = arith.cmpi ne, %rem3A, %ne3A_294 : i32
      %and3A = arith.andi %ne3A, %ne3A_295 : i1
      %sub3A = arith.constant 1 : i32
      %sub3A_296 = arith.subi %div3A, %sub3A : i32
      %select_n3A = arith.select %and3A, %sub3A_296, %div3A : i32
      %jit3A_297 = arith.constant 8 : i32
      %eq3A = arith.constant 0 : i32
      %eq3A_298 = arith.cmpi eq, %jit3A_297, %eq3A : i32
      %jit3A_299 = arith.constant 1 : i32
      %select_n3A_300 = arith.select %eq3A_298, %jit3A_299, %jit3A_297 : i32
      %rem3A_301 = arith.remsi %scan3A_280, %select_n3A_300 : i32
      %ne3A_302 = arith.constant 0 : i32
      %ne3A_303 = arith.cmpi ne, %rem3A_301, %ne3A_302 : i32
      %lt3A = arith.constant 0 : i32
      %lt3A_304 = arith.cmpi slt, %rem3A_301, %lt3A : i32
      %lt3A_305 = arith.constant 0 : i32
      %lt3A_306 = arith.cmpi slt, %select_n3A_300, %lt3A_305 : i32
      %ne3A_307 = arith.xori %lt3A_304, %lt3A_306 : i1
      %and3A_308 = arith.andi %ne3A_307, %ne3A_303 : i1
      %add3A_309 = arith.addi %rem3A_301, %select_n3A_300 : i32
      %select_n3A_310 = arith.select %and3A_308, %add3A_309, %rem3A_301 : i32
      %mul3A_311 = arith.constant 16 : i32
      %mul3A_312 = arith.muli %select_n3A_310, %mul3A_311 : i32
      %get3A = arith.constant 2 : i32
      %get3A_313 = arith.index_cast %get3A : i32 to index
      %get3A_314 = arith.index_cast %select_n3A : i32 to index
      %get3A_315 = arith.index_cast %mul3A_312 : i32 to index
      %get3A_316 = tpu.vector_load %arg11[%get3A_313, %get3A_314, %get3A_315] {strides = array<i32>} : memref<4x4x128xi32, #tpu.memory_space<vmem>>, vector<16xi32>,
      %add3A_317 = arith.constant 9 : i32
      %add3A_318 = vector.broadcast %add3A_317 : i32 to vector<16xi32>
      %add3A_319 = arith.addi %get3A_316, %add3A_318 : vector<16xi32>
      %broadcast_in_dim3A = arith.constant 0 : i32
      %broadcast_in_dim3A_320 = vector.broadcast %broadcast_in_dim3A : i32 to vector<16xi32>
      %lt3A_321 = arith.constant 0 : i32
      %lt3A_322 = vector.broadcast %lt3A_321 : i32 to vector<16xi32>
      %lt3A_323 = arith.cmpi slt, %broadcast_in_dim3A_320, %lt3A_322 : vector<16xi32>
      %add3A_324 = arith.constant 16 : i32
      %add3A_325 = vector.broadcast %add3A_324 : i32 to vector<16xi32>
      %add3A_326 = arith.addi %broadcast_in_dim3A_320, %add3A_325 : vector<16xi32>
      %select_n3A_327 = arith.select %lt3A_323, %add3A_326, %broadcast_in_dim3A_320 : vector<16xi1>, vector<16xi32>
      %reshape3A = vector.shape_cast %select_n3A_327 : vector<16xi32> to vector<16x1xi32>
      %gather3A = vector.shape_cast %reshape3A : vector<16x1xi32> to vector<16xi32>
      %gather3A_328 = tpu.dynamic_gather %add3A_319[%gather3A] in [0] : vector<16xi32>, vector<16xi32> -> vector<16xi32>
      %mul3A_329 = arith.constant 16 : i32
      %mul3A_330 = arith.muli %select_n3A_310, %mul3A_329 : i32
      %add3A_331 = arith.constant 0 : i32
      %add3A_332 = arith.addi %mul3A_330, %add3A_331 : i32
      %mul3A_333 = arith.constant 128 : i32
      %mul3A_334 = arith.muli %add3A_332, %mul3A_333 : i32
      %add3A_335 = arith.constant 64 : i32
      %add3A_336 = arith.addi %mul3A_334, %add3A_335 : i32
      %add3A_337 = arith.constant 0 : i32
      %add3A_338 = vector.broadcast %add3A_337 : i32 to vector<16xi32>
      %add3A_339 = arith.addi %iota3A, %add3A_338 : vector<16xi32>
      %gather3A_340 = tpu.vector_load_idx %arg14[%gather3A_328, %add3A_339] : memref<30x32xf32, #tpu.memory_space<vmem>>[vector<16xi32>, vector<16xi32>], vector<16xf32>,
      %add3A_341 = arith.constant 0 : i32
      %add3A_342 = arith.addi %add3A_336, %add3A_341 : i32
      %swap3A = arith.index_cast %select_n3A : i32 to index
      %swap3A_343 = arith.index_cast %add3A_342 : i32 to index
      %swap3A_344 = tpu.vector_load %arg13[%swap3A, %swap3A_343] {strides = array<i32>} : memref<4x16384xf32, #tpu.memory_space<vmem>>, vector<16xf32>,
      tpu.vector_store %arg13[%swap3A, %swap3A_343], %gather3A_340 {strides = array<i32>} : memref<4x16384xf32, #tpu.memory_space<vmem>>, vector<16xf32>,
      %add3A_345 = arith.constant 16 : i32
      %add3A_346 = vector.broadcast %add3A_345 : i32 to vector<16xi32>
      %add3A_347 = arith.addi %iota3A, %add3A_346 : vector<16xi32>
      %gather3A_348 = tpu.vector_load_idx %arg14[%gather3A_328, %add3A_347] : memref<30x32xf32, #tpu.memory_space<vmem>>[vector<16xi32>, vector<16xi32>], vector<16xf32>,
      %add3A_349 = arith.constant 16 : i32
      %add3A_350 = arith.addi %add3A_336, %add3A_349 : i32
      %swap3A_351 = arith.index_cast %select_n3A : i32 to index
      %swap3A_352 = arith.index_cast %add3A_350 : i32 to index
      %swap3A_353 = tpu.vector_load %arg13[%swap3A_351, %swap3A_352] {strides = array<i32>} : memref<4x16384xf32, #tpu.memory_space<vmem>>, vector<16xf32>,
      tpu.vector_store %arg13[%swap3A_351, %swap3A_352], %gather3A_348 {strides = array<i32>} : memref<4x16384xf32, #tpu.memory_space<vmem>>, vector<16xf32>,
      %broadcast_in_dim3A_354 = arith.constant 1 : i32
      %broadcast_in_dim3A_355 = vector.broadcast %broadcast_in_dim3A_354 : i32 to vector<16xi32>
      %lt3A_356 = arith.constant 0 : i32
      %lt3A_357 = vector.broadcast %lt3A_356 : i32 to vector<16xi32>
      %lt3A_358 = arith.cmpi slt, %broadcast_in_dim3A_355, %lt3A_357 : vector<16xi32>
      %add3A_359 = arith.constant 16 : i32
      %add3A_360 = vector.broadcast %add3A_359 : i32 to vector<16xi32>
      %add3A_361 = arith.addi %broadcast_in_dim3A_355, %add3A_360 : vector<16xi32>
      %select_n3A_362 = arith.select %lt3A_358, %add3A_361, %broadcast_in_dim3A_355 : vector<16xi1>, vector<16xi32>
      %reshape3A_363 = vector.shape_cast %select_n3A_362 : vector<16xi32> to vector<16x1xi32>
      %gather3A_364 = vector.shape_cast %reshape3A_363 : vector<16x1xi32> to vector<16xi32>
      %gather3A_365 = tpu.dynamic_gather %add3A_319[%gather3A_364] in [0] : vector<16xi32>, vector<16xi32> -> vector<16xi32>
      %mul3A_366 = arith.constant 16 : i32
      %mul3A_367 = arith.muli %select_n3A_310, %mul3A_366 : i32
      %add3A_368 = arith.constant 1 : i32
      %add3A_369 = arith.addi %mul3A_367, %add3A_368 : i32
      %mul3A_370 = arith.constant 128 : i32
      %mul3A_371 = arith.muli %add3A_369, %mul3A_370 : i32
      %add3A_372 = arith.constant 64 : i32
      %add3A_373 = arith.addi %mul3A_371, %add3A_372 : i32
      %add3A_374 = arith.constant 0 : i32
      %add3A_375 = vector.broadcast %add3A_374 : i32 to vector<16xi32>
      %add3A_376 = arith.addi %iota3A, %add3A_375 : vector<16xi32>
      %gather3A_377 = tpu.vector_load_idx %arg14[%gather3A_365, %add3A_376] : memref<30x32xf32, #tpu.memory_space<vmem>>[vector<16xi32>, vector<16xi32>], vector<16xf32>,
      %add3A_378 = arith.constant 0 : i32
      %add3A_379 = arith.addi %add3A_373, %add3A_378 : i32
      %swap3A_380 = arith.index_cast %select_n3A : i32 to index
      %swap3A_381 = arith.index_cast %add3A_379 : i32 to index
      %swap3A_382 = tpu.vector_load %arg13[%swap3A_380, %swap3A_381] {strides = array<i32>} : memref<4x16384xf32, #tpu.memory_space<vmem>>, vector<16xf32>,
      tpu.vector_store %arg13[%swap3A_380, %swap3A_381], %gather3A_377 {strides = array<i32>} : memref<4x16384xf32, #tpu.memory_space<vmem>>, vector<16xf32>,
      %add3A_383 = arith.constant 16 : i32
      %add3A_384 = vector.broadcast %add3A_383 : i32 to vector<16xi32>
      %add3A_385 = arith.addi %iota3A, %add3A_384 : vector<16xi32>
      %gather3A_386 = tpu.vector_load_idx %arg14[%gather3A_365, %add3A_385] : memref<30x32xf32, #tpu.memory_space<vmem>>[vector<16xi32>, vector<16xi32>], vector<16xf32>,
      %add3A_387 = arith.constant 16 : i32
      %add3A_388 = arith.addi %add3A_373, %add3A_387 : i32
      %swap3A_389 = arith.index_cast %select_n3A : i32 to index
      %swap3A_390 = arith.index_cast %add3A_388 : i32 to index
      %swap3A_391 = tpu.vector_load %arg13[%swap3A_389, %swap3A_390] {strides = array<i32>} : memref<4x16384xf32, #tpu.memory_space<vmem>>, vector<16xf32>,
      tpu.vector_store %arg13[%swap3A_389, %swap3A_390], %gather3A_386 {strides = array<i32>} : memref<4x16384xf32, #tpu.memory_space<vmem>>, vector<16xf32>,
      %broadcast_in_dim3A_392 = arith.constant 2 : i32
      %broadcast_in_dim3A_393 = vector.broadcast %broadcast_in_dim3A_392 : i32 to vector<16xi32>
      %lt3A_394 = arith.constant 0 : i32
      %lt3A_395 = vector.broadcast %lt3A_394 : i32 to vector<16xi32>
      %lt3A_396 = arith.cmpi slt, %broadcast_in_dim3A_393, %lt3A_395 : vector<16xi32>
      %add3A_397 = arith.constant 16 : i32
      %add3A_398 = vector.broadcast %add3A_397 : i32 to vector<16xi32>
      %add3A_399 = arith.addi %broadcast_in_dim3A_393, %add3A_398 : vector<16xi32>
      %select_n3A_400 = arith.select %lt3A_396, %add3A_399, %broadcast_in_dim3A_393 : vector<16xi1>, vector<16xi32>
      %reshape3A_401 = vector.shape_cast %select_n3A_400 : vector<16xi32> to vector<16x1xi32>
      %gather3A_402 = vector.shape_cast %reshape3A_401 : vector<16x1xi32> to vector<16xi32>
      %gather3A_403 = tpu.dynamic_gather %add3A_319[%gather3A_402] in [0] : vector<16xi32>, vector<16xi32> -> vector<16xi32>
      %mul3A_404 = arith.constant 16 : i32
      %mul3A_405 = arith.muli %select_n3A_310, %mul3A_404 : i32
      %add3A_406 = arith.constant 2 : i32
      %add3A_407 = arith.addi %mul3A_405, %add3A_406 : i32
      %mul3A_408 = arith.constant 128 : i32
      %mul3A_409 = arith.muli %add3A_407, %mul3A_408 : i32
      %add3A_410 = arith.constant 64 : i32
      %add3A_411 = arith.addi %mul3A_409, %add3A_410 : i32
      %add3A_412 = arith.constant 0 : i32
      %add3A_413 = vector.broadcast %add3A_412 : i32 to vector<16xi32>
      %add3A_414 = arith.addi %iota3A, %add3A_413 : vector<16xi32>
      %gather3A_415 = tpu.vector_load_idx %arg14[%gather3A_403, %add3A_414] : memref<30x32xf32, #tpu.memory_space<vmem>>[vector<16xi32>, vector<16xi32>], vector<16xf32>,
      %add3A_416 = arith.constant 0 : i32
      %add3A_417 = arith.addi %add3A_411, %add3A_416 : i32
      %swap3A_418 = arith.index_cast %select_n3A : i32 to index
      %swap3A_419 = arith.index_cast %add3A_417 : i32 to index
      %swap3A_420 = tpu.vector_load %arg13[%swap3A_418, %swap3A_419] {strides = array<i32>} : memref<4x16384xf32, #tpu.memory_space<vmem>>, vector<16xf32>,
      tpu.vector_store %arg13[%swap3A_418, %swap3A_419], %gather3A_415 {strides = array<i32>} : memref<4x16384xf32, #tpu.memory_space<vmem>>, vector<16xf32>,
      %add3A_421 = arith.constant 16 : i32
      %add3A_422 = vector.broadcast %add3A_421 : i32 to vector<16xi32>
      %add3A_423 = arith.addi %iota3A, %add3A_422 : vector<16xi32>
      %gather3A_424 = tpu.vector_load_idx %arg14[%gather3A_403, %add3A_423] : memref<30x32xf32, #tpu.memory_space<vmem>>[vector<16xi32>, vector<16xi32>], vector<16xf32>,
      %add3A_425 = arith.constant 16 : i32
      %add3A_426 = arith.addi %add3A_411, %add3A_425 : i32
      %swap3A_427 = arith.index_cast %select_n3A : i32 to index
      %swap3A_428 = arith.index_cast %add3A_426 : i32 to index
      %swap3A_429 = tpu.vector_load %arg13[%swap3A_427, %swap3A_428] {strides = array<i32>} : memref<4x16384xf32, #tpu.memory_space<vmem>>, vector<16xf32>,
      tpu.vector_store %arg13[%swap3A_427, %swap3A_428], %gather3A_424 {strides = array<i32>} : memref<4x16384xf32, #tpu.memory_space<vmem>>, vector<16xf32>,
      %broadcast_in_dim3A_430 = arith.constant 3 : i32
      %broadcast_in_dim3A_431 = vector.broadcast %broadcast_in_dim3A_430 : i32 to vector<16xi32>
      %lt3A_432 = arith.constant 0 : i32
      %lt3A_433 = vector.broadcast %lt3A_432 : i32 to vector<16xi32>
      %lt3A_434 = arith.cmpi slt, %broadcast_in_dim3A_431, %lt3A_433 : vector<16xi32>
      %add3A_435 = arith.constant 16 : i32
      %add3A_436 = vector.broadcast %add3A_435 : i32 to vector<16xi32>
      %add3A_437 = arith.addi %broadcast_in_dim3A_431, %add3A_436 : vector<16xi32>
      %select_n3A_438 = arith.select %lt3A_434, %add3A_437, %broadcast_in_dim3A_431 : vector<16xi1>, vector<16xi32>
      %reshape3A_439 = vector.shape_cast %select_n3A_438 : vector<16xi32> to vector<16x1xi32>
      %gather3A_440 = vector.shape_cast %reshape3A_439 : vector<16x1xi32> to vector<16xi32>
      %gather3A_441 = tpu.dynamic_gather %add3A_319[%gather3A_440] in [0] : vector<16xi32>, vector<16xi32> -> vector<16xi32>
      %mul3A_442 = arith.constant 16 : i32
      %mul3A_443 = arith.muli %select_n3A_310, %mul3A_442 : i32
      %add3A_444 = arith.constant 3 : i32
      %add3A_445 = arith.addi %mul3A_443, %add3A_444 : i32
      %mul3A_446 = arith.constant 128 : i32
      %mul3A_447 = arith.muli %add3A_445, %mul3A_446 : i32
      %add3A_448 = arith.constant 64 : i32
      %add3A_449 = arith.addi %mul3A_447, %add3A_448 : i32
      %add3A_450 = arith.constant 0 : i32
      %add3A_451 = vector.broadcast %add3A_450 : i32 to vector<16xi32>
      %add3A_452 = arith.addi %iota3A, %add3A_451 : vector<16xi32>
      %gather3A_453 = tpu.vector_load_idx %arg14[%gather3A_441, %add3A_452] : memref<30x32xf32, #tpu.memory_space<vmem>>[vector<16xi32>, vector<16xi32>], vector<16xf32>,
      %add3A_454 = arith.constant 0 : i32
      %add3A_455 = arith.addi %add3A_449, %add3A_454 : i32
      %swap3A_456 = arith.index_cast %select_n3A : i32 to index
      %swap3A_457 = arith.index_cast %add3A_455 : i32 to index
      %swap3A_458 = tpu.vector_load %arg13[%swap3A_456, %swap3A_457] {strides = array<i32>} : memref<4x16384xf32, #tpu.memory_space<vmem>>, vector<16xf32>,
      tpu.vector_store %arg13[%swap3A_456, %swap3A_457], %gather3A_453 {strides = array<i32>} : memref<4x16384xf32, #tpu.memory_space<vmem>>, vector<16xf32>,
      %add3A_459 = arith.constant 16 : i32
      %add3A_460 = vector.broadcast %add3A_459 : i32 to vector<16xi32>
      %add3A_461 = arith.addi %iota3A, %add3A_460 : vector<16xi32>
      %gather3A_462 = tpu.vector_load_idx %arg14[%gather3A_441, %add3A_461] : memref<30x32xf32, #tpu.memory_space<vmem>>[vector<16xi32>, vector<16xi32>], vector<16xf32>,
      %add3A_463 = arith.constant 16 : i32
      %add3A_464 = arith.addi %add3A_449, %add3A_463 : i32
      %swap3A_465 = arith.index_cast %select_n3A : i32 to index
      %swap3A_466 = arith.index_cast %add3A_464 : i32 to index
      %swap3A_467 = tpu.vector_load %arg13[%swap3A_465, %swap3A_466] {strides = array<i32>} : memref<4x16384xf32, #tpu.memory_space<vmem>>, vector<16xf32>,
      tpu.vector_store %arg13[%swap3A_465, %swap3A_466], %gather3A_462 {strides = array<i32>} : memref<4x16384xf32, #tpu.memory_space<vmem>>, vector<16xf32>,
      %broadcast_in_dim3A_468 = arith.constant 4 : i32
      %broadcast_in_dim3A_469 = vector.broadcast %broadcast_in_dim3A_468 : i32 to vector<16xi32>
      %lt3A_470 = arith.constant 0 : i32
      %lt3A_471 = vector.broadcast %lt3A_470 : i32 to vector<16xi32>
      %lt3A_472 = arith.cmpi slt, %broadcast_in_dim3A_469, %lt3A_471 : vector<16xi32>
      %add3A_473 = arith.constant 16 : i32
      %add3A_474 = vector.broadcast %add3A_473 : i32 to vector<16xi32>
      %add3A_475 = arith.addi %broadcast_in_dim3A_469, %add3A_474 : vector<16xi32>
      %select_n3A_476 = arith.select %lt3A_472, %add3A_475, %broadcast_in_dim3A_469 : vector<16xi1>, vector<16xi32>
      %reshape3A_477 = vector.shape_cast %select_n3A_476 : vector<16xi32> to vector<16x1xi32>
      %gather3A_478 = vector.shape_cast %reshape3A_477 : vector<16x1xi32> to vector<16xi32>
      %gather3A_479 = tpu.dynamic_gather %add3A_319[%gather3A_478] in [0] : vector<16xi32>, vector<16xi32> -> vector<16xi32>
      %mul3A_480 = arith.constant 16 : i32
      %mul3A_481 = arith.muli %select_n3A_310, %mul3A_480 : i32
      %add3A_482 = arith.constant 4 : i32
      %add3A_483 = arith.addi %mul3A_481, %add3A_482 : i32
      %mul3A_484 = arith.constant 128 : i32
      %mul3A_485 = arith.muli %add3A_483, %mul3A_484 : i32
      %add3A_486 = arith.constant 64 : i32
      %add3A_487 = arith.addi %mul3A_485, %add3A_486 : i32
      %add3A_488 = arith.constant 0 : i32
      %add3A_489 = vector.broadcast %add3A_488 : i32 to vector<16xi32>
      %add3A_490 = arith.addi %iota3A, %add3A_489 : vector<16xi32>
      %gather3A_491 = tpu.vector_load_idx %arg14[%gather3A_479, %add3A_490] : memref<30x32xf32, #tpu.memory_space<vmem>>[vector<16xi32>, vector<16xi32>], vector<16xf32>,
      %add3A_492 = arith.constant 0 : i32
      %add3A_493 = arith.addi %add3A_487, %add3A_492 : i32
      %swap3A_494 = arith.index_cast %select_n3A : i32 to index
      %swap3A_495 = arith.index_cast %add3A_493 : i32 to index
      %swap3A_496 = tpu.vector_load %arg13[%swap3A_494, %swap3A_495] {strides = array<i32>} : memref<4x16384xf32, #tpu.memory_space<vmem>>, vector<16xf32>,
      tpu.vector_store %arg13[%swap3A_494, %swap3A_495], %gather3A_491 {strides = array<i32>} : memref<4x16384xf32, #tpu.memory_space<vmem>>, vector<16xf32>,
      %add3A_497 = arith.constant 16 : i32
      %add3A_498 = vector.broadcast %add3A_497 : i32 to vector<16xi32>
      %add3A_499 = arith.addi %iota3A, %add3A_498 : vector<16xi32>
      %gather3A_500 = tpu.vector_load_idx %arg14[%gather3A_479, %add3A_499] : memref<30x32xf32, #tpu.memory_space<vmem>>[vector<16xi32>, vector<16xi32>], vector<16xf32>,
      %add3A_501 = arith.constant 16 : i32
      %add3A_502 = arith.addi %add3A_487, %add3A_501 : i32
      %swap3A_503 = arith.index_cast %select_n3A : i32 to index
      %swap3A_504 = arith.index_cast %add3A_502 : i32 to index
      %swap3A_505 = tpu.vector_load %arg13[%swap3A_503, %swap3A_504] {strides = array<i32>} : memref<4x16384xf32, #tpu.memory_space<vmem>>, vector<16xf32>,
      tpu.vector_store %arg13[%swap3A_503, %swap3A_504], %gather3A_500 {strides = array<i32>} : memref<4x16384xf32, #tpu.memory_space<vmem>>, vector<16xf32>,
      %broadcast_in_dim3A_506 = arith.constant 5 : i32
      %broadcast_in_dim3A_507 = vector.broadcast %broadcast_in_dim3A_506 : i32 to vector<16xi32>
      %lt3A_508 = arith.constant 0 : i32
      %lt3A_509 = vector.broadcast %lt3A_508 : i32 to vector<16xi32>
      %lt3A_510 = arith.cmpi slt, %broadcast_in_dim3A_507, %lt3A_509 : vector<16xi32>
      %add3A_511 = arith.constant 16 : i32
      %add3A_512 = vector.broadcast %add3A_511 : i32 to vector<16xi32>
      %add3A_513 = arith.addi %broadcast_in_dim3A_507, %add3A_512 : vector<16xi32>
      %select_n3A_514 = arith.select %lt3A_510, %add3A_513, %broadcast_in_dim3A_507 : vector<16xi1>, vector<16xi32>
      %reshape3A_515 = vector.shape_cast %select_n3A_514 : vector<16xi32> to vector<16x1xi32>
      %gather3A_516 = vector.shape_cast %reshape3A_515 : vector<16x1xi32> to vector<16xi32>
      %gather3A_517 = tpu.dynamic_gather %add3A_319[%gather3A_516] in [0] : vector<16xi32>, vector<16xi32> -> vector<16xi32>
      %mul3A_518 = arith.constant 16 : i32
      %mul3A_519 = arith.muli %select_n3A_310, %mul3A_518 : i32
      %add3A_520 = arith.constant 5 : i32
      %add3A_521 = arith.addi %mul3A_519, %add3A_520 : i32
      %mul3A_522 = arith.constant 128 : i32
      %mul3A_523 = arith.muli %add3A_521, %mul3A_522 : i32
      %add3A_524 = arith.constant 64 : i32
      %add3A_525 = arith.addi %mul3A_523, %add3A_524 : i32
      %add3A_526 = arith.constant 0 : i32
      %add3A_527 = vector.broadcast %add3A_526 : i32 to vector<16xi32>
      %add3A_528 = arith.addi %iota3A, %add3A_527 : vector<16xi32>
      %gather3A_529 = tpu.vector_load_idx %arg14[%gather3A_517, %add3A_528] : memref<30x32xf32, #tpu.memory_space<vmem>>[vector<16xi32>, vector<16xi32>], vector<16xf32>,
      %add3A_530 = arith.constant 0 : i32
      %add3A_531 = arith.addi %add3A_525, %add3A_530 : i32
      %swap3A_532 = arith.index_cast %select_n3A : i32 to index
      %swap3A_533 = arith.index_cast %add3A_531 : i32 to index
      %swap3A_534 = tpu.vector_load %arg13[%swap3A_532, %swap3A_533] {strides = array<i32>} : memref<4x16384xf32, #tpu.memory_space<vmem>>, vector<16xf32>,
      tpu.vector_store %arg13[%swap3A_532, %swap3A_533], %gather3A_529 {strides = array<i32>} : memref<4x16384xf32, #tpu.memory_space<vmem>>, vector<16xf32>,
      %add3A_535 = arith.constant 16 : i32
      %add3A_536 = vector.broadcast %add3A_535 : i32 to vector<16xi32>
      %add3A_537 = arith.addi %iota3A, %add3A_536 : vector<16xi32>
      %gather3A_538 = tpu.vector_load_idx %arg14[%gather3A_517, %add3A_537] : memref<30x32xf32, #tpu.memory_space<vmem>>[vector<16xi32>, vector<16xi32>], vector<16xf32>,
      %add3A_539 = arith.constant 16 : i32
      %add3A_540 = arith.addi %add3A_525, %add3A_539 : i32
      %swap3A_541 = arith.index_cast %select_n3A : i32 to index
      %swap3A_542 = arith.index_cast %add3A_540 : i32 to index
      %swap3A_543 = tpu.vector_load %arg13[%swap3A_541, %swap3A_542] {strides = array<i32>} : memref<4x16384xf32, #tpu.memory_space<vmem>>, vector<16xf32>,
      tpu.vector_store %arg13[%swap3A_541, %swap3A_542], %gather3A_538 {strides = array<i32>} : memref<4x16384xf32, #tpu.memory_space<vmem>>, vector<16xf32>,
      %broadcast_in_dim3A_544 = arith.constant 6 : i32
      %broadcast_in_dim3A_545 = vector.broadcast %broadcast_in_dim3A_544 : i32 to vector<16xi32>
      %lt3A_546 = arith.constant 0 : i32
      %lt3A_547 = vector.broadcast %lt3A_546 : i32 to vector<16xi32>
      %lt3A_548 = arith.cmpi slt, %broadcast_in_dim3A_545, %lt3A_547 : vector<16xi32>
      %add3A_549 = arith.constant 16 : i32
      %add3A_550 = vector.broadcast %add3A_549 : i32 to vector<16xi32>
      %add3A_551 = arith.addi %broadcast_in_dim3A_545, %add3A_550 : vector<16xi32>
      %select_n3A_552 = arith.select %lt3A_548, %add3A_551, %broadcast_in_dim3A_545 : vector<16xi1>, vector<16xi32>
      %reshape3A_553 = vector.shape_cast %select_n3A_552 : vector<16xi32> to vector<16x1xi32>
      %gather3A_554 = vector.shape_cast %reshape3A_553 : vector<16x1xi32> to vector<16xi32>
      %gather3A_555 = tpu.dynamic_gather %add3A_319[%gather3A_554] in [0] : vector<16xi32>, vector<16xi32> -> vector<16xi32>
      %mul3A_556 = arith.constant 16 : i32
      %mul3A_557 = arith.muli %select_n3A_310, %mul3A_556 : i32
      %add3A_558 = arith.constant 6 : i32
      %add3A_559 = arith.addi %mul3A_557, %add3A_558 : i32
      %mul3A_560 = arith.constant 128 : i32
      %mul3A_561 = arith.muli %add3A_559, %mul3A_560 : i32
      %add3A_562 = arith.constant 64 : i32
      %add3A_563 = arith.addi %mul3A_561, %add3A_562 : i32
      %add3A_564 = arith.constant 0 : i32
      %add3A_565 = vector.broadcast %add3A_564 : i32 to vector<16xi32>
      %add3A_566 = arith.addi %iota3A, %add3A_565 : vector<16xi32>
      %gather3A_567 = tpu.vector_load_idx %arg14[%gather3A_555, %add3A_566] : memref<30x32xf32, #tpu.memory_space<vmem>>[vector<16xi32>, vector<16xi32>], vector<16xf32>,
      %add3A_568 = arith.constant 0 : i32
      %add3A_569 = arith.addi %add3A_563, %add3A_568 : i32
      %swap3A_570 = arith.index_cast %select_n3A : i32 to index
      %swap3A_571 = arith.index_cast %add3A_569 : i32 to index
      %swap3A_572 = tpu.vector_load %arg13[%swap3A_570, %swap3A_571] {strides = array<i32>} : memref<4x16384xf32, #tpu.memory_space<vmem>>, vector<16xf32>,
      tpu.vector_store %arg13[%swap3A_570, %swap3A_571], %gather3A_567 {strides = array<i32>} : memref<4x16384xf32, #tpu.memory_space<vmem>>, vector<16xf32>,
      %add3A_573 = arith.constant 16 : i32
      %add3A_574 = vector.broadcast %add3A_573 : i32 to vector<16xi32>
      %add3A_575 = arith.addi %iota3A, %add3A_574 : vector<16xi32>
      %gather3A_576 = tpu.vector_load_idx %arg14[%gather3A_555, %add3A_575] : memref<30x32xf32, #tpu.memory_space<vmem>>[vector<16xi32>, vector<16xi32>], vector<16xf32>,
      %add3A_577 = arith.constant 16 : i32
      %add3A_578 = arith.addi %add3A_563, %add3A_577 : i32
      %swap3A_579 = arith.index_cast %select_n3A : i32 to index
      %swap3A_580 = arith.index_cast %add3A_578 : i32 to index
      %swap3A_581 = tpu.vector_load %arg13[%swap3A_579, %swap3A_580] {strides = array<i32>} : memref<4x16384xf32, #tpu.memory_space<vmem>>, vector<16xf32>,
      tpu.vector_store %arg13[%swap3A_579, %swap3A_580], %gather3A_576 {strides = array<i32>} : memref<4x16384xf32, #tpu.memory_space<vmem>>, vector<16xf32>,
      %broadcast_in_dim3A_582 = arith.constant 7 : i32
      %broadcast_in_dim3A_583 = vector.broadcast %broadcast_in_dim3A_582 : i32 to vector<16xi32>
      %lt3A_584 = arith.constant 0 : i32
      %lt3A_585 = vector.broadcast %lt3A_584 : i32 to vector<16xi32>
      %lt3A_586 = arith.cmpi slt, %broadcast_in_dim3A_583, %lt3A_585 : vector<16xi32>
      %add3A_587 = arith.constant 16 : i32
      %add3A_588 = vector.broadcast %add3A_587 : i32 to vector<16xi32>
      %add3A_589 = arith.addi %broadcast_in_dim3A_583, %add3A_588 : vector<16xi32>
      %select_n3A_590 = arith.select %lt3A_586, %add3A_589, %broadcast_in_dim3A_583 : vector<16xi1>, vector<16xi32>
      %reshape3A_591 = vector.shape_cast %select_n3A_590 : vector<16xi32> to vector<16x1xi32>
      %gather3A_592 = vector.shape_cast %reshape3A_591 : vector<16x1xi32> to vector<16xi32>
      %gather3A_593 = tpu.dynamic_gather %add3A_319[%gather3A_592] in [0] : vector<16xi32>, vector<16xi32> -> vector<16xi32>
      %mul3A_594 = arith.constant 16 : i32
      %mul3A_595 = arith.muli %select_n3A_310, %mul3A_594 : i32
      %add3A_596 = arith.constant 7 : i32
      %add3A_597 = arith.addi %mul3A_595, %add3A_596 : i32
      %mul3A_598 = arith.constant 128 : i32
      %mul3A_599 = arith.muli %add3A_597, %mul3A_598 : i32
      %add3A_600 = arith.constant 64 : i32
      %add3A_601 = arith.addi %mul3A_599, %add3A_600 : i32
      %add3A_602 = arith.constant 0 : i32
      %add3A_603 = vector.broadcast %add3A_602 : i32 to vector<16xi32>
      %add3A_604 = arith.addi %iota3A, %add3A_603 : vector<16xi32>
      %gather3A_605 = tpu.vector_load_idx %arg14[%gather3A_593, %add3A_604] : memref<30x32xf32, #tpu.memory_space<vmem>>[vector<16xi32>, vector<16xi32>], vector<16xf32>,
      %add3A_606 = arith.constant 0 : i32
      %add3A_607 = arith.addi %add3A_601, %add3A_606 : i32
      %swap3A_608 = arith.index_cast %select_n3A : i32 to index
      %swap3A_609 = arith.index_cast %add3A_607 : i32 to index
      %swap3A_610 = tpu.vector_load %arg13[%swap3A_608, %swap3A_609] {strides = array<i32>} : memref<4x16384xf32, #tpu.memory_space<vmem>>, vector<16xf32>,
      tpu.vector_store %arg13[%swap3A_608, %swap3A_609], %gather3A_605 {strides = array<i32>} : memref<4x16384xf32, #tpu.memory_space<vmem>>, vector<16xf32>,
      %add3A_611 = arith.constant 16 : i32
      %add3A_612 = vector.broadcast %add3A_611 : i32 to vector<16xi32>
      %add3A_613 = arith.addi %iota3A, %add3A_612 : vector<16xi32>
      %gather3A_614 = tpu.vector_load_idx %arg14[%gather3A_593, %add3A_613] : memref<30x32xf32, #tpu.memory_space<vmem>>[vector<16xi32>, vector<16xi32>], vector<16xf32>,
      %add3A_615 = arith.constant 16 : i32
      %add3A_616 = arith.addi %add3A_601, %add3A_615 : i32
      %swap3A_617 = arith.index_cast %select_n3A : i32 to index
      %swap3A_618 = arith.index_cast %add3A_616 : i32 to index
      %swap3A_619 = tpu.vector_load %arg13[%swap3A_617, %swap3A_618] {strides = array<i32>} : memref<4x16384xf32, #tpu.memory_space<vmem>>, vector<16xf32>,
      tpu.vector_store %arg13[%swap3A_617, %swap3A_618], %gather3A_614 {strides = array<i32>} : memref<4x16384xf32, #tpu.memory_space<vmem>>, vector<16xf32>,
      %broadcast_in_dim3A_620 = arith.constant 8 : i32
      %broadcast_in_dim3A_621 = vector.broadcast %broadcast_in_dim3A_620 : i32 to vector<16xi32>
      %lt3A_622 = arith.constant 0 : i32
      %lt3A_623 = vector.broadcast %lt3A_622 : i32 to vector<16xi32>
      %lt3A_624 = arith.cmpi slt, %broadcast_in_dim3A_621, %lt3A_623 : vector<16xi32>
      %add3A_625 = arith.constant 16 : i32
      %add3A_626 = vector.broadcast %add3A_625 : i32 to vector<16xi32>
      %add3A_627 = arith.addi %broadcast_in_dim3A_621, %add3A_626 : vector<16xi32>
      %select_n3A_628 = arith.select %lt3A_624, %add3A_627, %broadcast_in_dim3A_621 : vector<16xi1>, vector<16xi32>
      %reshape3A_629 = vector.shape_cast %select_n3A_628 : vector<16xi32> to vector<16x1xi32>
      %gather3A_630 = vector.shape_cast %reshape3A_629 : vector<16x1xi32> to vector<16xi32>
      %gather3A_631 = tpu.dynamic_gather %add3A_319[%gather3A_630] in [0] : vector<16xi32>, vector<16xi32> -> vector<16xi32>
      %mul3A_632 = arith.constant 16 : i32
      %mul3A_633 = arith.muli %select_n3A_310, %mul3A_632 : i32
      %add3A_634 = arith.constant 8 : i32
      %add3A_635 = arith.addi %mul3A_633, %add3A_634 : i32
      %mul3A_636 = arith.constant 128 : i32
      %mul3A_637 = arith.muli %add3A_635, %mul3A_636 : i32
      %add3A_638 = arith.constant 64 : i32
      %add3A_639 = arith.addi %mul3A_637, %add3A_638 : i32
      %add3A_640 = arith.constant 0 : i32
      %add3A_641 = vector.broadcast %add3A_640 : i32 to vector<16xi32>
      %add3A_642 = arith.addi %iota3A, %add3A_641 : vector<16xi32>
      %gather3A_643 = tpu.vector_load_idx %arg14[%gather3A_631, %add3A_642] : memref<30x32xf32, #tpu.memory_space<vmem>>[vector<16xi32>, vector<16xi32>], vector<16xf32>,
      %add3A_644 = arith.constant 0 : i32
      %add3A_645 = arith.addi %add3A_639, %add3A_644 : i32
      %swap3A_646 = arith.index_cast %select_n3A : i32 to index
      %swap3A_647 = arith.index_cast %add3A_645 : i32 to index
      %swap3A_648 = tpu.vector_load %arg13[%swap3A_646, %swap3A_647] {strides = array<i32>} : memref<4x16384xf32, #tpu.memory_space<vmem>>, vector<16xf32>,
      tpu.vector_store %arg13[%swap3A_646, %swap3A_647], %gather3A_643 {strides = array<i32>} : memref<4x16384xf32, #tpu.memory_space<vmem>>, vector<16xf32>,
      %add3A_649 = arith.constant 16 : i32
      %add3A_650 = vector.broadcast %add3A_649 : i32 to vector<16xi32>
      %add3A_651 = arith.addi %iota3A, %add3A_650 : vector<16xi32>
      %gather3A_652 = tpu.vector_load_idx %arg14[%gather3A_631, %add3A_651] : memref<30x32xf32, #tpu.memory_space<vmem>>[vector<16xi32>, vector<16xi32>], vector<16xf32>,
      %add3A_653 = arith.constant 16 : i32
      %add3A_654 = arith.addi %add3A_639, %add3A_653 : i32
      %swap3A_655 = arith.index_cast %select_n3A : i32 to index
      %swap3A_656 = arith.index_cast %add3A_654 : i32 to index
      %swap3A_657 = tpu.vector_load %arg13[%swap3A_655, %swap3A_656] {strides = array<i32>} : memref<4x16384xf32, #tpu.memory_space<vmem>>, vector<16xf32>,
      tpu.vector_store %arg13[%swap3A_655, %swap3A_656], %gather3A_652 {strides = array<i32>} : memref<4x16384xf32, #tpu.memory_space<vmem>>, vector<16xf32>,
      %broadcast_in_dim3A_658 = arith.constant 9 : i32
      %broadcast_in_dim3A_659 = vector.broadcast %broadcast_in_dim3A_658 : i32 to vector<16xi32>
      %lt3A_660 = arith.constant 0 : i32
      %lt3A_661 = vector.broadcast %lt3A_660 : i32 to vector<16xi32>
      %lt3A_662 = arith.cmpi slt, %broadcast_in_dim3A_659, %lt3A_661 : vector<16xi32>
      %add3A_663 = arith.constant 16 : i32
      %add3A_664 = vector.broadcast %add3A_663 : i32 to vector<16xi32>
      %add3A_665 = arith.addi %broadcast_in_dim3A_659, %add3A_664 : vector<16xi32>
      %select_n3A_666 = arith.select %lt3A_662, %add3A_665, %broadcast_in_dim3A_659 : vector<16xi1>, vector<16xi32>
      %reshape3A_667 = vector.shape_cast %select_n3A_666 : vector<16xi32> to vector<16x1xi32>
      %gather3A_668 = vector.shape_cast %reshape3A_667 : vector<16x1xi32> to vector<16xi32>
      %gather3A_669 = tpu.dynamic_gather %add3A_319[%gather3A_668] in [0] : vector<16xi32>, vector<16xi32> -> vector<16xi32>
      %mul3A_670 = arith.constant 16 : i32
      %mul3A_671 = arith.muli %select_n3A_310, %mul3A_670 : i32
      %add3A_672 = arith.constant 9 : i32
      %add3A_673 = arith.addi %mul3A_671, %add3A_672 : i32
      %mul3A_674 = arith.constant 128 : i32
      %mul3A_675 = arith.muli %add3A_673, %mul3A_674 : i32
      %add3A_676 = arith.constant 64 : i32
      %add3A_677 = arith.addi %mul3A_675, %add3A_676 : i32
      %add3A_678 = arith.constant 0 : i32
      %add3A_679 = vector.broadcast %add3A_678 : i32 to vector<16xi32>
      %add3A_680 = arith.addi %iota3A, %add3A_679 : vector<16xi32>
      %gather3A_681 = tpu.vector_load_idx %arg14[%gather3A_669, %add3A_680] : memref<30x32xf32, #tpu.memory_space<vmem>>[vector<16xi32>, vector<16xi32>], vector<16xf32>,
      %add3A_682 = arith.constant 0 : i32
      %add3A_683 = arith.addi %add3A_677, %add3A_682 : i32
      %swap3A_684 = arith.index_cast %select_n3A : i32 to index
      %swap3A_685 = arith.index_cast %add3A_683 : i32 to index
      %swap3A_686 = tpu.vector_load %arg13[%swap3A_684, %swap3A_685] {strides = array<i32>} : memref<4x16384xf32, #tpu.memory_space<vmem>>, vector<16xf32>,
      tpu.vector_store %arg13[%swap3A_684, %swap3A_685], %gather3A_681 {strides = array<i32>} : memref<4x16384xf32, #tpu.memory_space<vmem>>, vector<16xf32>,
      %add3A_687 = arith.constant 16 : i32
      %add3A_688 = vector.broadcast %add3A_687 : i32 to vector<16xi32>
      %add3A_689 = arith.addi %iota3A, %add3A_688 : vector<16xi32>
      %gather3A_690 = tpu.vector_load_idx %arg14[%gather3A_669, %add3A_689] : memref<30x32xf32, #tpu.memory_space<vmem>>[vector<16xi32>, vector<16xi32>], vector<16xf32>,
      %add3A_691 = arith.constant 16 : i32
      %add3A_692 = arith.addi %add3A_677, %add3A_691 : i32
      %swap3A_693 = arith.index_cast %select_n3A : i32 to index
      %swap3A_694 = arith.index_cast %add3A_692 : i32 to index
      %swap3A_695 = tpu.vector_load %arg13[%swap3A_693, %swap3A_694] {strides = array<i32>} : memref<4x16384xf32, #tpu.memory_space<vmem>>, vector<16xf32>,
      tpu.vector_store %arg13[%swap3A_693, %swap3A_694], %gather3A_690 {strides = array<i32>} : memref<4x16384xf32, #tpu.memory_space<vmem>>, vector<16xf32>,
      %broadcast_in_dim3A_696 = arith.constant 10 : i32
      %broadcast_in_dim3A_697 = vector.broadcast %broadcast_in_dim3A_696 : i32 to vector<16xi32>
      %lt3A_698 = arith.constant 0 : i32
      %lt3A_699 = vector.broadcast %lt3A_698 : i32 to vector<16xi32>
      %lt3A_700 = arith.cmpi slt, %broadcast_in_dim3A_697, %lt3A_699 : vector<16xi32>
      %add3A_701 = arith.constant 16 : i32
      %add3A_702 = vector.broadcast %add3A_701 : i32 to vector<16xi32>
      %add3A_703 = arith.addi %broadcast_in_dim3A_697, %add3A_702 : vector<16xi32>
      %select_n3A_704 = arith.select %lt3A_700, %add3A_703, %broadcast_in_dim3A_697 : vector<16xi1>, vector<16xi32>
      %reshape3A_705 = vector.shape_cast %select_n3A_704 : vector<16xi32> to vector<16x1xi32>
      %gather3A_706 = vector.shape_cast %reshape3A_705 : vector<16x1xi32> to vector<16xi32>
      %gather3A_707 = tpu.dynamic_gather %add3A_319[%gather3A_706] in [0] : vector<16xi32>, vector<16xi32> -> vector<16xi32>
      %mul3A_708 = arith.constant 16 : i32
      %mul3A_709 = arith.muli %select_n3A_310, %mul3A_708 : i32
      %add3A_710 = arith.constant 10 : i32
      %add3A_711 = arith.addi %mul3A_709, %add3A_710 : i32
      %mul3A_712 = arith.constant 128 : i32
      %mul3A_713 = arith.muli %add3A_711, %mul3A_712 : i32
      %add3A_714 = arith.constant 64 : i32
      %add3A_715 = arith.addi %mul3A_713, %add3A_714 : i32
      %add3A_716 = arith.constant 0 : i32
      %add3A_717 = vector.broadcast %add3A_716 : i32 to vector<16xi32>
      %add3A_718 = arith.addi %iota3A, %add3A_717 : vector<16xi32>
      %gather3A_719 = tpu.vector_load_idx %arg14[%gather3A_707, %add3A_718] : memref<30x32xf32, #tpu.memory_space<vmem>>[vector<16xi32>, vector<16xi32>], vector<16xf32>,
      %add3A_720 = arith.constant 0 : i32
      %add3A_721 = arith.addi %add3A_715, %add3A_720 : i32
      %swap3A_722 = arith.index_cast %select_n3A : i32 to index
      %swap3A_723 = arith.index_cast %add3A_721 : i32 to index
      %swap3A_724 = tpu.vector_load %arg13[%swap3A_722, %swap3A_723] {strides = array<i32>} : memref<4x16384xf32, #tpu.memory_space<vmem>>, vector<16xf32>,
      tpu.vector_store %arg13[%swap3A_722, %swap3A_723], %gather3A_719 {strides = array<i32>} : memref<4x16384xf32, #tpu.memory_space<vmem>>, vector<16xf32>,
      %add3A_725 = arith.constant 16 : i32
      %add3A_726 = vector.broadcast %add3A_725 : i32 to vector<16xi32>
      %add3A_727 = arith.addi %iota3A, %add3A_726 : vector<16xi32>
      %gather3A_728 = tpu.vector_load_idx %arg14[%gather3A_707, %add3A_727] : memref<30x32xf32, #tpu.memory_space<vmem>>[vector<16xi32>, vector<16xi32>], vector<16xf32>,
      %add3A_729 = arith.constant 16 : i32
      %add3A_730 = arith.addi %add3A_715, %add3A_729 : i32
      %swap3A_731 = arith.index_cast %select_n3A : i32 to index
      %swap3A_732 = arith.index_cast %add3A_730 : i32 to index
      %swap3A_733 = tpu.vector_load %arg13[%swap3A_731, %swap3A_732] {strides = array<i32>} : memref<4x16384xf32, #tpu.memory_space<vmem>>, vector<16xf32>,
      tpu.vector_store %arg13[%swap3A_731, %swap3A_732], %gather3A_728 {strides = array<i32>} : memref<4x16384xf32, #tpu.memory_space<vmem>>, vector<16xf32>,
      %broadcast_in_dim3A_734 = arith.constant 11 : i32
      %broadcast_in_dim3A_735 = vector.broadcast %broadcast_in_dim3A_734 : i32 to vector<16xi32>
      %lt3A_736 = arith.constant 0 : i32
      %lt3A_737 = vector.broadcast %lt3A_736 : i32 to vector<16xi32>
      %lt3A_738 = arith.cmpi slt, %broadcast_in_dim3A_735, %lt3A_737 : vector<16xi32>
      %add3A_739 = arith.constant 16 : i32
      %add3A_740 = vector.broadcast %add3A_739 : i32 to vector<16xi32>
      %add3A_741 = arith.addi %broadcast_in_dim3A_735, %add3A_740 : vector<16xi32>
      %select_n3A_742 = arith.select %lt3A_738, %add3A_741, %broadcast_in_dim3A_735 : vector<16xi1>, vector<16xi32>
      %reshape3A_743 = vector.shape_cast %select_n3A_742 : vector<16xi32> to vector<16x1xi32>
      %gather3A_744 = vector.shape_cast %reshape3A_743 : vector<16x1xi32> to vector<16xi32>
      %gather3A_745 = tpu.dynamic_gather %add3A_319[%gather3A_744] in [0] : vector<16xi32>, vector<16xi32> -> vector<16xi32>
      %mul3A_746 = arith.constant 16 : i32
      %mul3A_747 = arith.muli %select_n3A_310, %mul3A_746 : i32
      %add3A_748 = arith.constant 11 : i32
      %add3A_749 = arith.addi %mul3A_747, %add3A_748 : i32
      %mul3A_750 = arith.constant 128 : i32
      %mul3A_751 = arith.muli %add3A_749, %mul3A_750 : i32
      %add3A_752 = arith.constant 64 : i32
      %add3A_753 = arith.addi %mul3A_751, %add3A_752 : i32
      %add3A_754 = arith.constant 0 : i32
      %add3A_755 = vector.broadcast %add3A_754 : i32 to vector<16xi32>
      %add3A_756 = arith.addi %iota3A, %add3A_755 : vector<16xi32>
      %gather3A_757 = tpu.vector_load_idx %arg14[%gather3A_745, %add3A_756] : memref<30x32xf32, #tpu.memory_space<vmem>>[vector<16xi32>, vector<16xi32>], vector<16xf32>,
      %add3A_758 = arith.constant 0 : i32
      %add3A_759 = arith.addi %add3A_753, %add3A_758 : i32
      %swap3A_760 = arith.index_cast %select_n3A : i32 to index
      %swap3A_761 = arith.index_cast %add3A_759 : i32 to index
      %swap3A_762 = tpu.vector_load %arg13[%swap3A_760, %swap3A_761] {strides = array<i32>} : memref<4x16384xf32, #tpu.memory_space<vmem>>, vector<16xf32>,
      tpu.vector_store %arg13[%swap3A_760, %swap3A_761], %gather3A_757 {strides = array<i32>} : memref<4x16384xf32, #tpu.memory_space<vmem>>, vector<16xf32>,
      %add3A_763 = arith.constant 16 : i32
      %add3A_764 = vector.broadcast %add3A_763 : i32 to vector<16xi32>
      %add3A_765 = arith.addi %iota3A, %add3A_764 : vector<16xi32>
      %gather3A_766 = tpu.vector_load_idx %arg14[%gather3A_745, %add3A_765] : memref<30x32xf32, #tpu.memory_space<vmem>>[vector<16xi32>, vector<16xi32>], vector<16xf32>,
      %add3A_767 = arith.constant 16 : i32
      %add3A_768 = arith.addi %add3A_753, %add3A_767 : i32
      %swap3A_769 = arith.index_cast %select_n3A : i32 to index
      %swap3A_770 = arith.index_cast %add3A_768 : i32 to index
      %swap3A_771 = tpu.vector_load %arg13[%swap3A_769, %swap3A_770] {strides = array<i32>} : memref<4x16384xf32, #tpu.memory_space<vmem>>, vector<16xf32>,
      tpu.vector_store %arg13[%swap3A_769, %swap3A_770], %gather3A_766 {strides = array<i32>} : memref<4x16384xf32, #tpu.memory_space<vmem>>, vector<16xf32>,
      %broadcast_in_dim3A_772 = arith.constant 12 : i32
      %broadcast_in_dim3A_773 = vector.broadcast %broadcast_in_dim3A_772 : i32 to vector<16xi32>
      %lt3A_774 = arith.constant 0 : i32
      %lt3A_775 = vector.broadcast %lt3A_774 : i32 to vector<16xi32>
      %lt3A_776 = arith.cmpi slt, %broadcast_in_dim3A_773, %lt3A_775 : vector<16xi32>
      %add3A_777 = arith.constant 16 : i32
      %add3A_778 = vector.broadcast %add3A_777 : i32 to vector<16xi32>
      %add3A_779 = arith.addi %broadcast_in_dim3A_773, %add3A_778 : vector<16xi32>
      %select_n3A_780 = arith.select %lt3A_776, %add3A_779, %broadcast_in_dim3A_773 : vector<16xi1>, vector<16xi32>
      %reshape3A_781 = vector.shape_cast %select_n3A_780 : vector<16xi32> to vector<16x1xi32>
      %gather3A_782 = vector.shape_cast %reshape3A_781 : vector<16x1xi32> to vector<16xi32>
      %gather3A_783 = tpu.dynamic_gather %add3A_319[%gather3A_782] in [0] : vector<16xi32>, vector<16xi32> -> vector<16xi32>
      %mul3A_784 = arith.constant 16 : i32
      %mul3A_785 = arith.muli %select_n3A_310, %mul3A_784 : i32
      %add3A_786 = arith.constant 12 : i32
      %add3A_787 = arith.addi %mul3A_785, %add3A_786 : i32
      %mul3A_788 = arith.constant 128 : i32
      %mul3A_789 = arith.muli %add3A_787, %mul3A_788 : i32
      %add3A_790 = arith.constant 64 : i32
      %add3A_791 = arith.addi %mul3A_789, %add3A_790 : i32
      %add3A_792 = arith.constant 0 : i32
      %add3A_793 = vector.broadcast %add3A_792 : i32 to vector<16xi32>
      %add3A_794 = arith.addi %iota3A, %add3A_793 : vector<16xi32>
      %gather3A_795 = tpu.vector_load_idx %arg14[%gather3A_783, %add3A_794] : memref<30x32xf32, #tpu.memory_space<vmem>>[vector<16xi32>, vector<16xi32>], vector<16xf32>,
      %add3A_796 = arith.constant 0 : i32
      %add3A_797 = arith.addi %add3A_791, %add3A_796 : i32
      %swap3A_798 = arith.index_cast %select_n3A : i32 to index
      %swap3A_799 = arith.index_cast %add3A_797 : i32 to index
      %swap3A_800 = tpu.vector_load %arg13[%swap3A_798, %swap3A_799] {strides = array<i32>} : memref<4x16384xf32, #tpu.memory_space<vmem>>, vector<16xf32>,
      tpu.vector_store %arg13[%swap3A_798, %swap3A_799], %gather3A_795 {strides = array<i32>} : memref<4x16384xf32, #tpu.memory_space<vmem>>, vector<16xf32>,
      %add3A_801 = arith.constant 16 : i32
      %add3A_802 = vector.broadcast %add3A_801 : i32 to vector<16xi32>
      %add3A_803 = arith.addi %iota3A, %add3A_802 : vector<16xi32>
      %gather3A_804 = tpu.vector_load_idx %arg14[%gather3A_783, %add3A_803] : memref<30x32xf32, #tpu.memory_space<vmem>>[vector<16xi32>, vector<16xi32>], vector<16xf32>,
      %add3A_805 = arith.constant 16 : i32
      %add3A_806 = arith.addi %add3A_791, %add3A_805 : i32
      %swap3A_807 = arith.index_cast %select_n3A : i32 to index
      %swap3A_808 = arith.index_cast %add3A_806 : i32 to index
      %swap3A_809 = tpu.vector_load %arg13[%swap3A_807, %swap3A_808] {strides = array<i32>} : memref<4x16384xf32, #tpu.memory_space<vmem>>, vector<16xf32>,
      tpu.vector_store %arg13[%swap3A_807, %swap3A_808], %gather3A_804 {strides = array<i32>} : memref<4x16384xf32, #tpu.memory_space<vmem>>, vector<16xf32>,
      %broadcast_in_dim3A_810 = arith.constant 13 : i32
      %broadcast_in_dim3A_811 = vector.broadcast %broadcast_in_dim3A_810 : i32 to vector<16xi32>
      %lt3A_812 = arith.constant 0 : i32
      %lt3A_813 = vector.broadcast %lt3A_812 : i32 to vector<16xi32>
      %lt3A_814 = arith.cmpi slt, %broadcast_in_dim3A_811, %lt3A_813 : vector<16xi32>
      %add3A_815 = arith.constant 16 : i32
      %add3A_816 = vector.broadcast %add3A_815 : i32 to vector<16xi32>
      %add3A_817 = arith.addi %broadcast_in_dim3A_811, %add3A_816 : vector<16xi32>
      %select_n3A_818 = arith.select %lt3A_814, %add3A_817, %broadcast_in_dim3A_811 : vector<16xi1>, vector<16xi32>
      %reshape3A_819 = vector.shape_cast %select_n3A_818 : vector<16xi32> to vector<16x1xi32>
      %gather3A_820 = vector.shape_cast %reshape3A_819 : vector<16x1xi32> to vector<16xi32>
      %gather3A_821 = tpu.dynamic_gather %add3A_319[%gather3A_820] in [0] : vector<16xi32>, vector<16xi32> -> vector<16xi32>
      %mul3A_822 = arith.constant 16 : i32
      %mul3A_823 = arith.muli %select_n3A_310, %mul3A_822 : i32
      %add3A_824 = arith.constant 13 : i32
      %add3A_825 = arith.addi %mul3A_823, %add3A_824 : i32
      %mul3A_826 = arith.constant 128 : i32
      %mul3A_827 = arith.muli %add3A_825, %mul3A_826 : i32
      %add3A_828 = arith.constant 64 : i32
      %add3A_829 = arith.addi %mul3A_827, %add3A_828 : i32
      %add3A_830 = arith.constant 0 : i32
      %add3A_831 = vector.broadcast %add3A_830 : i32 to vector<16xi32>
      %add3A_832 = arith.addi %iota3A, %add3A_831 : vector<16xi32>
      %gather3A_833 = tpu.vector_load_idx %arg14[%gather3A_821, %add3A_832] : memref<30x32xf32, #tpu.memory_space<vmem>>[vector<16xi32>, vector<16xi32>], vector<16xf32>,
      %add3A_834 = arith.constant 0 : i32
      %add3A_835 = arith.addi %add3A_829, %add3A_834 : i32
      %swap3A_836 = arith.index_cast %select_n3A : i32 to index
      %swap3A_837 = arith.index_cast %add3A_835 : i32 to index
      %swap3A_838 = tpu.vector_load %arg13[%swap3A_836, %swap3A_837] {strides = array<i32>} : memref<4x16384xf32, #tpu.memory_space<vmem>>, vector<16xf32>,
      tpu.vector_store %arg13[%swap3A_836, %swap3A_837], %gather3A_833 {strides = array<i32>} : memref<4x16384xf32, #tpu.memory_space<vmem>>, vector<16xf32>,
      %add3A_839 = arith.constant 16 : i32
      %add3A_840 = vector.broadcast %add3A_839 : i32 to vector<16xi32>
      %add3A_841 = arith.addi %iota3A, %add3A_840 : vector<16xi32>
      %gather3A_842 = tpu.vector_load_idx %arg14[%gather3A_821, %add3A_841] : memref<30x32xf32, #tpu.memory_space<vmem>>[vector<16xi32>, vector<16xi32>], vector<16xf32>,
      %add3A_843 = arith.constant 16 : i32
      %add3A_844 = arith.addi %add3A_829, %add3A_843 : i32
      %swap3A_845 = arith.index_cast %select_n3A : i32 to index
      %swap3A_846 = arith.index_cast %add3A_844 : i32 to index
      %swap3A_847 = tpu.vector_load %arg13[%swap3A_845, %swap3A_846] {strides = array<i32>} : memref<4x16384xf32, #tpu.memory_space<vmem>>, vector<16xf32>,
      tpu.vector_store %arg13[%swap3A_845, %swap3A_846], %gather3A_842 {strides = array<i32>} : memref<4x16384xf32, #tpu.memory_space<vmem>>, vector<16xf32>,
      %broadcast_in_dim3A_848 = arith.constant 14 : i32
      %broadcast_in_dim3A_849 = vector.broadcast %broadcast_in_dim3A_848 : i32 to vector<16xi32>
      %lt3A_850 = arith.constant 0 : i32
      %lt3A_851 = vector.broadcast %lt3A_850 : i32 to vector<16xi32>
      %lt3A_852 = arith.cmpi slt, %broadcast_in_dim3A_849, %lt3A_851 : vector<16xi32>
      %add3A_853 = arith.constant 16 : i32
      %add3A_854 = vector.broadcast %add3A_853 : i32 to vector<16xi32>
      %add3A_855 = arith.addi %broadcast_in_dim3A_849, %add3A_854 : vector<16xi32>
      %select_n3A_856 = arith.select %lt3A_852, %add3A_855, %broadcast_in_dim3A_849 : vector<16xi1>, vector<16xi32>
      %reshape3A_857 = vector.shape_cast %select_n3A_856 : vector<16xi32> to vector<16x1xi32>
      %gather3A_858 = vector.shape_cast %reshape3A_857 : vector<16x1xi32> to vector<16xi32>
      %gather3A_859 = tpu.dynamic_gather %add3A_319[%gather3A_858] in [0] : vector<16xi32>, vector<16xi32> -> vector<16xi32>
      %mul3A_860 = arith.constant 16 : i32
      %mul3A_861 = arith.muli %select_n3A_310, %mul3A_860 : i32
      %add3A_862 = arith.constant 14 : i32
      %add3A_863 = arith.addi %mul3A_861, %add3A_862 : i32
      %mul3A_864 = arith.constant 128 : i32
      %mul3A_865 = arith.muli %add3A_863, %mul3A_864 : i32
      %add3A_866 = arith.constant 64 : i32
      %add3A_867 = arith.addi %mul3A_865, %add3A_866 : i32
      %add3A_868 = arith.constant 0 : i32
      %add3A_869 = vector.broadcast %add3A_868 : i32 to vector<16xi32>
      %add3A_870 = arith.addi %iota3A, %add3A_869 : vector<16xi32>
      %gather3A_871 = tpu.vector_load_idx %arg14[%gather3A_859, %add3A_870] : memref<30x32xf32, #tpu.memory_space<vmem>>[vector<16xi32>, vector<16xi32>], vector<16xf32>,
      %add3A_872 = arith.constant 0 : i32
      %add3A_873 = arith.addi %add3A_867, %add3A_872 : i32
      %swap3A_874 = arith.index_cast %select_n3A : i32 to index
      %swap3A_875 = arith.index_cast %add3A_873 : i32 to index
      %swap3A_876 = tpu.vector_load %arg13[%swap3A_874, %swap3A_875] {strides = array<i32>} : memref<4x16384xf32, #tpu.memory_space<vmem>>, vector<16xf32>,
      tpu.vector_store %arg13[%swap3A_874, %swap3A_875], %gather3A_871 {strides = array<i32>} : memref<4x16384xf32, #tpu.memory_space<vmem>>, vector<16xf32>,
      %add3A_877 = arith.constant 16 : i32
      %add3A_878 = vector.broadcast %add3A_877 : i32 to vector<16xi32>
      %add3A_879 = arith.addi %iota3A, %add3A_878 : vector<16xi32>
      %gather3A_880 = tpu.vector_load_idx %arg14[%gather3A_859, %add3A_879] : memref<30x32xf32, #tpu.memory_space<vmem>>[vector<16xi32>, vector<16xi32>], vector<16xf32>,
      %add3A_881 = arith.constant 16 : i32
      %add3A_882 = arith.addi %add3A_867, %add3A_881 : i32
      %swap3A_883 = arith.index_cast %select_n3A : i32 to index
      %swap3A_884 = arith.index_cast %add3A_882 : i32 to index
      %swap3A_885 = tpu.vector_load %arg13[%swap3A_883, %swap3A_884] {strides = array<i32>} : memref<4x16384xf32, #tpu.memory_space<vmem>>, vector<16xf32>,
      tpu.vector_store %arg13[%swap3A_883, %swap3A_884], %gather3A_880 {strides = array<i32>} : memref<4x16384xf32, #tpu.memory_space<vmem>>, vector<16xf32>,
      %broadcast_in_dim3A_886 = arith.constant 15 : i32
      %broadcast_in_dim3A_887 = vector.broadcast %broadcast_in_dim3A_886 : i32 to vector<16xi32>
      %lt3A_888 = arith.constant 0 : i32
      %lt3A_889 = vector.broadcast %lt3A_888 : i32 to vector<16xi32>
      %lt3A_890 = arith.cmpi slt, %broadcast_in_dim3A_887, %lt3A_889 : vector<16xi32>
      %add3A_891 = arith.constant 16 : i32
      %add3A_892 = vector.broadcast %add3A_891 : i32 to vector<16xi32>
      %add3A_893 = arith.addi %broadcast_in_dim3A_887, %add3A_892 : vector<16xi32>
      %select_n3A_894 = arith.select %lt3A_890, %add3A_893, %broadcast_in_dim3A_887 : vector<16xi1>, vector<16xi32>
      %reshape3A_895 = vector.shape_cast %select_n3A_894 : vector<16xi32> to vector<16x1xi32>
      %gather3A_896 = vector.shape_cast %reshape3A_895 : vector<16x1xi32> to vector<16xi32>
      %gather3A_897 = tpu.dynamic_gather %add3A_319[%gather3A_896] in [0] : vector<16xi32>, vector<16xi32> -> vector<16xi32>
      %mul3A_898 = arith.constant 16 : i32
      %mul3A_899 = arith.muli %select_n3A_310, %mul3A_898 : i32
      %add3A_900 = arith.constant 15 : i32
      %add3A_901 = arith.addi %mul3A_899, %add3A_900 : i32
      %mul3A_902 = arith.constant 128 : i32
      %mul3A_903 = arith.muli %add3A_901, %mul3A_902 : i32
      %add3A_904 = arith.constant 64 : i32
      %add3A_905 = arith.addi %mul3A_903, %add3A_904 : i32
      %add3A_906 = arith.constant 0 : i32
      %add3A_907 = vector.broadcast %add3A_906 : i32 to vector<16xi32>
      %add3A_908 = arith.addi %iota3A, %add3A_907 : vector<16xi32>
      %gather3A_909 = tpu.vector_load_idx %arg14[%gather3A_897, %add3A_908] : memref<30x32xf32, #tpu.memory_space<vmem>>[vector<16xi32>, vector<16xi32>], vector<16xf32>,
      %add3A_910 = arith.constant 0 : i32
      %add3A_911 = arith.addi %add3A_905, %add3A_910 : i32
      %swap3A_912 = arith.index_cast %select_n3A : i32 to index
      %swap3A_913 = arith.index_cast %add3A_911 : i32 to index
      %swap3A_914 = tpu.vector_load %arg13[%swap3A_912, %swap3A_913] {strides = array<i32>} : memref<4x16384xf32, #tpu.memory_space<vmem>>, vector<16xf32>,
      tpu.vector_store %arg13[%swap3A_912, %swap3A_913], %gather3A_909 {strides = array<i32>} : memref<4x16384xf32, #tpu.memory_space<vmem>>, vector<16xf32>,
      %add3A_915 = arith.constant 16 : i32
      %add3A_916 = vector.broadcast %add3A_915 : i32 to vector<16xi32>
      %add3A_917 = arith.addi %iota3A, %add3A_916 : vector<16xi32>
      %gather3A_918 = tpu.vector_load_idx %arg14[%gather3A_897, %add3A_917] : memref<30x32xf32, #tpu.memory_space<vmem>>[vector<16xi32>, vector<16xi32>], vector<16xf32>,
      %add3A_919 = arith.constant 16 : i32
      %add3A_920 = arith.addi %add3A_905, %add3A_919 : i32
      %swap3A_921 = arith.index_cast %select_n3A : i32 to index
      %swap3A_922 = arith.index_cast %add3A_920 : i32 to index
      %swap3A_923 = tpu.vector_load %arg13[%swap3A_921, %swap3A_922] {strides = array<i32>} : memref<4x16384xf32, #tpu.memory_space<vmem>>, vector<16xf32>,
      tpu.vector_store %arg13[%swap3A_921, %swap3A_922], %gather3A_918 {strides = array<i32>} : memref<4x16384xf32, #tpu.memory_space<vmem>>, vector<16xf32>,
    }
    %scan3A_86 = arith.constant 32 : i32
    %mul3A_87 = arith.constant 512 : i32
    %mul3A_88 = arith.muli %add3A, %mul3A_87 : i32
    %dma_wait3A = arith.constant 3 : i32
    %dma_wait3A_89 = arith.constant 0 : i32
    %dma_wait3A_90 = arith.constant 0 : i32
    %dma_wait3A_91 = arith.constant 0 : i32
    %dma_wait3A_92 = arith.constant 0 : i32
    %dma_wait3A_93 = tpu.memref_slice %arg12[%dma_wait3A_90, %dma_wait3A_91, %dma_wait3A_92] : memref<4x128x32xf32, #tpu.memory_space<vmem>> -> memref<1x128x32xf32, #tpu.memory_space<vmem>>
    %dma_wait3A_94 = tpu.memref_squeeze %dma_wait3A_93 : memref<1x128x32xf32, #tpu.memory_space<vmem>> -> memref<128x32xf32, #tpu.memory_space<vmem>>
    %dma_wait3A_95 = arith.constant 0 : i32
    %dma_wait3A_96 = arith.constant 0 : i32
    %dma_wait3A_97 = tpu.memref_slice %arg11[%dma_wait3A, %dma_wait3A_95, %dma_wait3A_96] : memref<4x4x128xi32, #tpu.memory_space<vmem>> -> memref<1x4x128xi32, #tpu.memory_space<vmem>>
    %dma_wait3A_98 = tpu.memref_squeeze %dma_wait3A_97 : memref<1x4x128xi32, #tpu.memory_space<vmem>> -> memref<4x128xi32, #tpu.memory_space<vmem>>
    %dma_wait3A_99 = arith.constant 0 : i32
    %dma_wait3A_100 = tpu.memref_slice %dma_wait3A_98[%dma_wait3A_89, %dma_wait3A_99] : memref<4x128xi32, #tpu.memory_space<vmem>> -> memref<1x128xi32, #tpu.memory_space<vmem>>
    %dma_wait3A_101 = tpu.memref_squeeze %dma_wait3A_100 : memref<1x128xi32, #tpu.memory_space<vmem>> -> memref<128xi32, #tpu.memory_space<vmem>>
    %dma_wait3A_102 = arith.constant 0 : i32
    %dma_wait3A_103 = arith.constant 0 : i32
    %dma_wait3A_104 = tpu.memref_slice %arg9[%dma_wait3A_102, %dma_wait3A_103] : memref<100000x32xf32, #tpu.memory_space<hbm>> -> memref<100000x32xf32, #tpu.memory_space<hbm>>
    tpu.wait_indirect_dma semaphore(%arg15 : memref<!tpu.dma_semaphore, #tpu.memory_space<semaphore_mem>>) src(%dma_wait3A_104 : memref<100000x32xf32, #tpu.memory_space<hbm>>) dst(%dma_wait3A_94 : memref<128x32xf32, #tpu.memory_space<vmem>>)
    %scan3A_105 = arith.constant 0 : i32
    %scan3A_106 = arith.constant 128 : i32
    %scan3A_107 = arith.addi %scan3A_105, %scan3A_106 : i32
    %scan3A_108 = arith.constant 1 : i32
    scf.for %scan3A_280 = %scan3A_105 to %scan3A_107 step %scan3A_108  : i32 {
      %get3A = arith.constant 0 : i32
      %get3A_281 = arith.index_cast %get3A : i32 to index
      %get3A_282 = arith.index_cast %scan3A_280 : i32 to index
      %get3A_283 = arith.constant 0 : index
      %get3A_284 = tpu.vector_load %arg12[%get3A_281, %get3A_282, %get3A_283] {strides = array<i32>} : memref<4x128x32xf32, #tpu.memory_space<vmem>>, vector<16xf32>,
      %mul3A_285 = arith.constant 128 : i32
      %mul3A_286 = arith.muli %scan3A_280, %mul3A_285 : i32
      %add3A_287 = arith.constant 96 : i32
      %add3A_288 = arith.addi %mul3A_286, %add3A_287 : i32
      %add3A_289 = arith.constant 0 : i32
      %add3A_290 = arith.addi %add3A_288, %add3A_289 : i32
      %swap3A = arith.constant 0 : i32
      %swap3A_291 = arith.index_cast %swap3A : i32 to index
      %swap3A_292 = arith.index_cast %add3A_290 : i32 to index
      %swap3A_293 = tpu.vector_load %arg13[%swap3A_291, %swap3A_292] {strides = array<i32>} : memref<4x16384xf32, #tpu.memory_space<vmem>>, vector<16xf32>,
      tpu.vector_store %arg13[%swap3A_291, %swap3A_292], %get3A_284 {strides = array<i32>} : memref<4x16384xf32, #tpu.memory_space<vmem>>, vector<16xf32>,
      %get3A_294 = arith.constant 0 : i32
      %get3A_295 = arith.index_cast %get3A_294 : i32 to index
      %get3A_296 = arith.index_cast %scan3A_280 : i32 to index
      %get3A_297 = arith.constant 16 : index
      %get3A_298 = tpu.vector_load %arg12[%get3A_295, %get3A_296, %get3A_297] {strides = array<i32>} : memref<4x128x32xf32, #tpu.memory_space<vmem>>, vector<16xf32>,
      %mul3A_299 = arith.constant 128 : i32
      %mul3A_300 = arith.muli %scan3A_280, %mul3A_299 : i32
      %add3A_301 = arith.constant 96 : i32
      %add3A_302 = arith.addi %mul3A_300, %add3A_301 : i32
      %add3A_303 = arith.constant 16 : i32
      %add3A_304 = arith.addi %add3A_302, %add3A_303 : i32
      %swap3A_305 = arith.constant 0 : i32
      %swap3A_306 = arith.index_cast %swap3A_305 : i32 to index
      %swap3A_307 = arith.index_cast %add3A_304 : i32 to index
      %swap3A_308 = tpu.vector_load %arg13[%swap3A_306, %swap3A_307] {strides = array<i32>} : memref<4x16384xf32, #tpu.memory_space<vmem>>, vector<16xf32>,
      tpu.vector_store %arg13[%swap3A_306, %swap3A_307], %get3A_298 {strides = array<i32>} : memref<4x16384xf32, #tpu.memory_space<vmem>>, vector<16xf32>,
    }
    %scan3A_109 = arith.constant 128 : i32
    %add3A_110 = arith.constant 0 : i32
    %add3A_111 = arith.addi %mul3A_88, %add3A_110 : i32
    %mul3A_112 = arith.constant 128 : i32
    %mul3A_113 = arith.muli %add3A_111, %mul3A_112 : i32
    %dma_start3A_114 = arith.constant 0 : i32
    %dma_start3A_115 = arith.constant 0 : i32
    %dma_start3A_116 = tpu.memref_slice %arg13[%dma_start3A_114, %dma_start3A_115] : memref<4x16384xf32, #tpu.memory_space<vmem>> -> memref<1x16384xf32, #tpu.memory_space<vmem>>
    %dma_start3A_117 = tpu.memref_squeeze %dma_start3A_116 : memref<1x16384xf32, #tpu.memory_space<vmem>> -> memref<16384xf32, #tpu.memory_space<vmem>>
    %dma_start3A_118 = tpu.memref_slice %arg10[%mul3A_113] : memref<2097152xf32, #tpu.memory_space<hbm>> -> memref<16384xf32, #tpu.memory_space<hbm>>
    %dma_start3A_119 = tpu.memref_slice %arg10[%mul3A_113] : memref<2097152xf32, #tpu.memory_space<hbm>> -> memref<16384xf32, #tpu.memory_space<hbm>>
    %dma_start3A_120 = arith.constant 0 : i32
    %dma_start3A_121 = tpu.memref_slice %arg13[%dma_start3A_114, %dma_start3A_120] : memref<4x16384xf32, #tpu.memory_space<vmem>> -> memref<1x16384xf32, #tpu.memory_space<vmem>>
    %dma_start3A_122 = tpu.memref_squeeze %dma_start3A_121 : memref<1x16384xf32, #tpu.memory_space<vmem>> -> memref<16384xf32, #tpu.memory_space<vmem>>
    tpu.enqueue_dma source(%dma_start3A_122 : memref<16384xf32, #tpu.memory_space<vmem>>) target(%dma_start3A_119 : memref<16384xf32, #tpu.memory_space<hbm>>) target_semaphore(%arg16 : memref<!tpu.dma_semaphore, #tpu.memory_space<semaphore_mem>>)
    %dma_wait3A_123 = arith.constant 3 : i32
    %dma_wait3A_124 = arith.constant 1 : i32
    %dma_wait3A_125 = arith.constant 1 : i32
    %dma_wait3A_126 = arith.constant 0 : i32
    %dma_wait3A_127 = arith.constant 0 : i32
    %dma_wait3A_128 = tpu.memref_slice %arg12[%dma_wait3A_125, %dma_wait3A_126, %dma_wait3A_127] : memref<4x128x32xf32, #tpu.memory_space<vmem>> -> memref<1x128x32xf32, #tpu.memory_space<vmem>>
    %dma_wait3A_129 = tpu.memref_squeeze %dma_wait3A_128 : memref<1x128x32xf32, #tpu.memory_space<vmem>> -> memref<128x32xf32, #tpu.memory_space<vmem>>
    %dma_wait3A_130 = arith.constant 0 : i32
    %dma_wait3A_131 = arith.constant 0 : i32
    %dma_wait3A_132 = tpu.memref_slice %arg11[%dma_wait3A_123, %dma_wait3A_130, %dma_wait3A_131] : memref<4x4x128xi32, #tpu.memory_space<vmem>> -> memref<1x4x128xi32, #tpu.memory_space<vmem>>
    %dma_wait3A_133 = tpu.memref_squeeze %dma_wait3A_132 : memref<1x4x128xi32, #tpu.memory_space<vmem>> -> memref<4x128xi32, #tpu.memory_space<vmem>>
    %dma_wait3A_134 = arith.constant 0 : i32
    %dma_wait3A_135 = tpu.memref_slice %dma_wait3A_133[%dma_wait3A_124, %dma_wait3A_134] : memref<4x128xi32, #tpu.memory_space<vmem>> -> memref<1x128xi32, #tpu.memory_space<vmem>>
    %dma_wait3A_136 = tpu.memref_squeeze %dma_wait3A_135 : memref<1x128xi32, #tpu.memory_space<vmem>> -> memref<128xi32, #tpu.memory_space<vmem>>
    %dma_wait3A_137 = arith.constant 0 : i32
    %dma_wait3A_138 = arith.constant 0 : i32
    %dma_wait3A_139 = tpu.memref_slice %arg9[%dma_wait3A_137, %dma_wait3A_138] : memref<100000x32xf32, #tpu.memory_space<hbm>> -> memref<100000x32xf32, #tpu.memory_space<hbm>>
    tpu.wait_indirect_dma semaphore(%arg15 : memref<!tpu.dma_semaphore, #tpu.memory_space<semaphore_mem>>) src(%dma_wait3A_139 : memref<100000x32xf32, #tpu.memory_space<hbm>>) dst(%dma_wait3A_129 : memref<128x32xf32, #tpu.memory_space<vmem>>)
    %scan3A_140 = arith.constant 0 : i32
    %scan3A_141 = arith.constant 128 : i32
    %scan3A_142 = arith.addi %scan3A_140, %scan3A_141 : i32
    %scan3A_143 = arith.constant 1 : i32
    scf.for %scan3A_280 = %scan3A_140 to %scan3A_142 step %scan3A_143  : i32 {
      %get3A = arith.constant 1 : i32
      %get3A_281 = arith.index_cast %get3A : i32 to index
      %get3A_282 = arith.index_cast %scan3A_280 : i32 to index
      %get3A_283 = arith.constant 0 : index
      %get3A_284 = tpu.vector_load %arg12[%get3A_281, %get3A_282, %get3A_283] {strides = array<i32>} : memref<4x128x32xf32, #tpu.memory_space<vmem>>, vector<16xf32>,
      %mul3A_285 = arith.constant 128 : i32
      %mul3A_286 = arith.muli %scan3A_280, %mul3A_285 : i32
      %add3A_287 = arith.constant 96 : i32
      %add3A_288 = arith.addi %mul3A_286, %add3A_287 : i32
      %add3A_289 = arith.constant 0 : i32
      %add3A_290 = arith.addi %add3A_288, %add3A_289 : i32
      %swap3A = arith.constant 1 : i32
      %swap3A_291 = arith.index_cast %swap3A : i32 to index
      %swap3A_292 = arith.index_cast %add3A_290 : i32 to index
      %swap3A_293 = tpu.vector_load %arg13[%swap3A_291, %swap3A_292] {strides = array<i32>} : memref<4x16384xf32, #tpu.memory_space<vmem>>, vector<16xf32>,
      tpu.vector_store %arg13[%swap3A_291, %swap3A_292], %get3A_284 {strides = array<i32>} : memref<4x16384xf32, #tpu.memory_space<vmem>>, vector<16xf32>,
      %get3A_294 = arith.constant 1 : i32
      %get3A_295 = arith.index_cast %get3A_294 : i32 to index
      %get3A_296 = arith.index_cast %scan3A_280 : i32 to index
      %get3A_297 = arith.constant 16 : index
      %get3A_298 = tpu.vector_load %arg12[%get3A_295, %get3A_296, %get3A_297] {strides = array<i32>} : memref<4x128x32xf32, #tpu.memory_space<vmem>>, vector<16xf32>,
      %mul3A_299 = arith.constant 128 : i32
      %mul3A_300 = arith.muli %scan3A_280, %mul3A_299 : i32
      %add3A_301 = arith.constant 96 : i32
      %add3A_302 = arith.addi %mul3A_300, %add3A_301 : i32
      %add3A_303 = arith.constant 16 : i32
      %add3A_304 = arith.addi %add3A_302, %add3A_303 : i32
      %swap3A_305 = arith.constant 1 : i32
      %swap3A_306 = arith.index_cast %swap3A_305 : i32 to index
      %swap3A_307 = arith.index_cast %add3A_304 : i32 to index
      %swap3A_308 = tpu.vector_load %arg13[%swap3A_306, %swap3A_307] {strides = array<i32>} : memref<4x16384xf32, #tpu.memory_space<vmem>>, vector<16xf32>,
      tpu.vector_store %arg13[%swap3A_306, %swap3A_307], %get3A_298 {strides = array<i32>} : memref<4x16384xf32, #tpu.memory_space<vmem>>, vector<16xf32>,
    }
    %scan3A_144 = arith.constant 128 : i32
    %add3A_145 = arith.constant 128 : i32
    %add3A_146 = arith.addi %mul3A_88, %add3A_145 : i32
    %mul3A_147 = arith.constant 128 : i32
    %mul3A_148 = arith.muli %add3A_146, %mul3A_147 : i32
    %dma_start3A_149 = arith.constant 1 : i32
    %dma_start3A_150 = arith.constant 0 : i32
    %dma_start3A_151 = tpu.memref_slice %arg13[%dma_start3A_149, %dma_start3A_150] : memref<4x16384xf32, #tpu.memory_space<vmem>> -> memref<1x16384xf32, #tpu.memory_space<vmem>>
    %dma_start3A_152 = tpu.memref_squeeze %dma_start3A_151 : memref<1x16384xf32, #tpu.memory_space<vmem>> -> memref<16384xf32, #tpu.memory_space<vmem>>
    %dma_start3A_153 = tpu.memref_slice %arg10[%mul3A_148] : memref<2097152xf32, #tpu.memory_space<hbm>> -> memref<16384xf32, #tpu.memory_space<hbm>>
    %dma_start3A_154 = tpu.memref_slice %arg10[%mul3A_148] : memref<2097152xf32, #tpu.memory_space<hbm>> -> memref<16384xf32, #tpu.memory_space<hbm>>
    %dma_start3A_155 = arith.constant 0 : i32
    %dma_start3A_156 = tpu.memref_slice %arg13[%dma_start3A_149, %dma_start3A_155] : memref<4x16384xf32, #tpu.memory_space<vmem>> -> memref<1x16384xf32, #tpu.memory_space<vmem>>
    %dma_start3A_157 = tpu.memref_squeeze %dma_start3A_156 : memref<1x16384xf32, #tpu.memory_space<vmem>> -> memref<16384xf32, #tpu.memory_space<vmem>>
    tpu.enqueue_dma source(%dma_start3A_157 : memref<16384xf32, #tpu.memory_space<vmem>>) target(%dma_start3A_154 : memref<16384xf32, #tpu.memory_space<hbm>>) target_semaphore(%arg16 : memref<!tpu.dma_semaphore, #tpu.memory_space<semaphore_mem>>)
    %dma_wait3A_158 = arith.constant 3 : i32
    %dma_wait3A_159 = arith.constant 2 : i32
    %dma_wait3A_160 = arith.constant 2 : i32
    %dma_wait3A_161 = arith.constant 0 : i32
    %dma_wait3A_162 = arith.constant 0 : i32
    %dma_wait3A_163 = tpu.memref_slice %arg12[%dma_wait3A_160, %dma_wait3A_161, %dma_wait3A_162] : memref<4x128x32xf32, #tpu.memory_space<vmem>> -> memref<1x128x32xf32, #tpu.memory_space<vmem>>
    %dma_wait3A_164 = tpu.memref_squeeze %dma_wait3A_163 : memref<1x128x32xf32, #tpu.memory_space<vmem>> -> memref<128x32xf32, #tpu.memory_space<vmem>>
    %dma_wait3A_165 = arith.constant 0 : i32
    %dma_wait3A_166 = arith.constant 0 : i32
    %dma_wait3A_167 = tpu.memref_slice %arg11[%dma_wait3A_158, %dma_wait3A_165, %dma_wait3A_166] : memref<4x4x128xi32, #tpu.memory_space<vmem>> -> memref<1x4x128xi32, #tpu.memory_space<vmem>>
    %dma_wait3A_168 = tpu.memref_squeeze %dma_wait3A_167 : memref<1x4x128xi32, #tpu.memory_space<vmem>> -> memref<4x128xi32, #tpu.memory_space<vmem>>
    %dma_wait3A_169 = arith.constant 0 : i32
    %dma_wait3A_170 = tpu.memref_slice %dma_wait3A_168[%dma_wait3A_159, %dma_wait3A_169] : memref<4x128xi32, #tpu.memory_space<vmem>> -> memref<1x128xi32, #tpu.memory_space<vmem>>
    %dma_wait3A_171 = tpu.memref_squeeze %dma_wait3A_170 : memref<1x128xi32, #tpu.memory_space<vmem>> -> memref<128xi32, #tpu.memory_space<vmem>>
    %dma_wait3A_172 = arith.constant 0 : i32
    %dma_wait3A_173 = arith.constant 0 : i32
    %dma_wait3A_174 = tpu.memref_slice %arg9[%dma_wait3A_172, %dma_wait3A_173] : memref<100000x32xf32, #tpu.memory_space<hbm>> -> memref<100000x32xf32, #tpu.memory_space<hbm>>
    tpu.wait_indirect_dma semaphore(%arg15 : memref<!tpu.dma_semaphore, #tpu.memory_space<semaphore_mem>>) src(%dma_wait3A_174 : memref<100000x32xf32, #tpu.memory_space<hbm>>) dst(%dma_wait3A_164 : memref<128x32xf32, #tpu.memory_space<vmem>>)
    %scan3A_175 = arith.constant 0 : i32
    %scan3A_176 = arith.constant 128 : i32
    %scan3A_177 = arith.addi %scan3A_175, %scan3A_176 : i32
    %scan3A_178 = arith.constant 1 : i32
    scf.for %scan3A_280 = %scan3A_175 to %scan3A_177 step %scan3A_178  : i32 {
      %get3A = arith.constant 2 : i32
      %get3A_281 = arith.index_cast %get3A : i32 to index
      %get3A_282 = arith.index_cast %scan3A_280 : i32 to index
      %get3A_283 = arith.constant 0 : index
      %get3A_284 = tpu.vector_load %arg12[%get3A_281, %get3A_282, %get3A_283] {strides = array<i32>} : memref<4x128x32xf32, #tpu.memory_space<vmem>>, vector<16xf32>,
      %mul3A_285 = arith.constant 128 : i32
      %mul3A_286 = arith.muli %scan3A_280, %mul3A_285 : i32
      %add3A_287 = arith.constant 96 : i32
      %add3A_288 = arith.addi %mul3A_286, %add3A_287 : i32
      %add3A_289 = arith.constant 0 : i32
      %add3A_290 = arith.addi %add3A_288, %add3A_289 : i32
      %swap3A = arith.constant 2 : i32
      %swap3A_291 = arith.index_cast %swap3A : i32 to index
      %swap3A_292 = arith.index_cast %add3A_290 : i32 to index
      %swap3A_293 = tpu.vector_load %arg13[%swap3A_291, %swap3A_292] {strides = array<i32>} : memref<4x16384xf32, #tpu.memory_space<vmem>>, vector<16xf32>,
      tpu.vector_store %arg13[%swap3A_291, %swap3A_292], %get3A_284 {strides = array<i32>} : memref<4x16384xf32, #tpu.memory_space<vmem>>, vector<16xf32>,
      %get3A_294 = arith.constant 2 : i32
      %get3A_295 = arith.index_cast %get3A_294 : i32 to index
      %get3A_296 = arith.index_cast %scan3A_280 : i32 to index
      %get3A_297 = arith.constant 16 : index
      %get3A_298 = tpu.vector_load %arg12[%get3A_295, %get3A_296, %get3A_297] {strides = array<i32>} : memref<4x128x32xf32, #tpu.memory_space<vmem>>, vector<16xf32>,
      %mul3A_299 = arith.constant 128 : i32
      %mul3A_300 = arith.muli %scan3A_280, %mul3A_299 : i32
      %add3A_301 = arith.constant 96 : i32
      %add3A_302 = arith.addi %mul3A_300, %add3A_301 : i32
      %add3A_303 = arith.constant 16 : i32
      %add3A_304 = arith.addi %add3A_302, %add3A_303 : i32
      %swap3A_305 = arith.constant 2 : i32
      %swap3A_306 = arith.index_cast %swap3A_305 : i32 to index
      %swap3A_307 = arith.index_cast %add3A_304 : i32 to index
      %swap3A_308 = tpu.vector_load %arg13[%swap3A_306, %swap3A_307] {strides = array<i32>} : memref<4x16384xf32, #tpu.memory_space<vmem>>, vector<16xf32>,
      tpu.vector_store %arg13[%swap3A_306, %swap3A_307], %get3A_298 {strides = array<i32>} : memref<4x16384xf32, #tpu.memory_space<vmem>>, vector<16xf32>,
    }
    %scan3A_179 = arith.constant 128 : i32
    %add3A_180 = arith.constant 256 : i32
    %add3A_181 = arith.addi %mul3A_88, %add3A_180 : i32
    %mul3A_182 = arith.constant 128 : i32
    %mul3A_183 = arith.muli %add3A_181, %mul3A_182 : i32
    %dma_start3A_184 = arith.constant 2 : i32
    %dma_start3A_185 = arith.constant 0 : i32
    %dma_start3A_186 = tpu.memref_slice %arg13[%dma_start3A_184, %dma_start3A_185] : memref<4x16384xf32, #tpu.memory_space<vmem>> -> memref<1x16384xf32, #tpu.memory_space<vmem>>
    %dma_start3A_187 = tpu.memref_squeeze %dma_start3A_186 : memref<1x16384xf32, #tpu.memory_space<vmem>> -> memref<16384xf32, #tpu.memory_space<vmem>>
    %dma_start3A_188 = tpu.memref_slice %arg10[%mul3A_183] : memref<2097152xf32, #tpu.memory_space<hbm>> -> memref<16384xf32, #tpu.memory_space<hbm>>
    %dma_start3A_189 = tpu.memref_slice %arg10[%mul3A_183] : memref<2097152xf32, #tpu.memory_space<hbm>> -> memref<16384xf32, #tpu.memory_space<hbm>>
    %dma_start3A_190 = arith.constant 0 : i32
    %dma_start3A_191 = tpu.memref_slice %arg13[%dma_start3A_184, %dma_start3A_190] : memref<4x16384xf32, #tpu.memory_space<vmem>> -> memref<1x16384xf32, #tpu.memory_space<vmem>>
    %dma_start3A_192 = tpu.memref_squeeze %dma_start3A_191 : memref<1x16384xf32, #tpu.memory_space<vmem>> -> memref<16384xf32, #tpu.memory_space<vmem>>
    tpu.enqueue_dma source(%dma_start3A_192 : memref<16384xf32, #tpu.memory_space<vmem>>) target(%dma_start3A_189 : memref<16384xf32, #tpu.memory_space<hbm>>) target_semaphore(%arg16 : memref<!tpu.dma_semaphore, #tpu.memory_space<semaphore_mem>>)
    %dma_wait3A_193 = arith.constant 3 : i32
    %dma_wait3A_194 = arith.constant 3 : i32
    %dma_wait3A_195 = arith.constant 3 : i32
    %dma_wait3A_196 = arith.constant 0 : i32
    %dma_wait3A_197 = arith.constant 0 : i32
    %dma_wait3A_198 = tpu.memref_slice %arg12[%dma_wait3A_195, %dma_wait3A_196, %dma_wait3A_197] : memref<4x128x32xf32, #tpu.memory_space<vmem>> -> memref<1x128x32xf32, #tpu.memory_space<vmem>>
    %dma_wait3A_199 = tpu.memref_squeeze %dma_wait3A_198 : memref<1x128x32xf32, #tpu.memory_space<vmem>> -> memref<128x32xf32, #tpu.memory_space<vmem>>
    %dma_wait3A_200 = arith.constant 0 : i32
    %dma_wait3A_201 = arith.constant 0 : i32
    %dma_wait3A_202 = tpu.memref_slice %arg11[%dma_wait3A_193, %dma_wait3A_200, %dma_wait3A_201] : memref<4x4x128xi32, #tpu.memory_space<vmem>> -> memref<1x4x128xi32, #tpu.memory_space<vmem>>
    %dma_wait3A_203 = tpu.memref_squeeze %dma_wait3A_202 : memref<1x4x128xi32, #tpu.memory_space<vmem>> -> memref<4x128xi32, #tpu.memory_space<vmem>>
    %dma_wait3A_204 = arith.constant 0 : i32
    %dma_wait3A_205 = tpu.memref_slice %dma_wait3A_203[%dma_wait3A_194, %dma_wait3A_204] : memref<4x128xi32, #tpu.memory_space<vmem>> -> memref<1x128xi32, #tpu.memory_space<vmem>>
    %dma_wait3A_206 = tpu.memref_squeeze %dma_wait3A_205 : memref<1x128xi32, #tpu.memory_space<vmem>> -> memref<128xi32, #tpu.memory_space<vmem>>
    %dma_wait3A_207 = arith.constant 0 : i32
    %dma_wait3A_208 = arith.constant 0 : i32
    %dma_wait3A_209 = tpu.memref_slice %arg9[%dma_wait3A_207, %dma_wait3A_208] : memref<100000x32xf32, #tpu.memory_space<hbm>> -> memref<100000x32xf32, #tpu.memory_space<hbm>>
    tpu.wait_indirect_dma semaphore(%arg15 : memref<!tpu.dma_semaphore, #tpu.memory_space<semaphore_mem>>) src(%dma_wait3A_209 : memref<100000x32xf32, #tpu.memory_space<hbm>>) dst(%dma_wait3A_199 : memref<128x32xf32, #tpu.memory_space<vmem>>)
    %scan3A_210 = arith.constant 0 : i32
    %scan3A_211 = arith.constant 128 : i32
    %scan3A_212 = arith.addi %scan3A_210, %scan3A_211 : i32
    %scan3A_213 = arith.constant 1 : i32
    scf.for %scan3A_280 = %scan3A_210 to %scan3A_212 step %scan3A_213  : i32 {
      %get3A = arith.constant 3 : i32
      %get3A_281 = arith.index_cast %get3A : i32 to index
      %get3A_282 = arith.index_cast %scan3A_280 : i32 to index
      %get3A_283 = arith.constant 0 : index
      %get3A_284 = tpu.vector_load %arg12[%get3A_281, %get3A_282, %get3A_283] {strides = array<i32>} : memref<4x128x32xf32, #tpu.memory_space<vmem>>, vector<16xf32>,
      %mul3A_285 = arith.constant 128 : i32
      %mul3A_286 = arith.muli %scan3A_280, %mul3A_285 : i32
      %add3A_287 = arith.constant 96 : i32
      %add3A_288 = arith.addi %mul3A_286, %add3A_287 : i32
      %add3A_289 = arith.constant 0 : i32
      %add3A_290 = arith.addi %add3A_288, %add3A_289 : i32
      %swap3A = arith.constant 3 : i32
      %swap3A_291 = arith.index_cast %swap3A : i32 to index
      %swap3A_292 = arith.index_cast %add3A_290 : i32 to index
      %swap3A_293 = tpu.vector_load %arg13[%swap3A_291, %swap3A_292] {strides = array<i32>} : memref<4x16384xf32, #tpu.memory_space<vmem>>, vector<16xf32>,
      tpu.vector_store %arg13[%swap3A_291, %swap3A_292], %get3A_284 {strides = array<i32>} : memref<4x16384xf32, #tpu.memory_space<vmem>>, vector<16xf32>,
      %get3A_294 = arith.constant 3 : i32
      %get3A_295 = arith.index_cast %get3A_294 : i32 to index
      %get3A_296 = arith.index_cast %scan3A_280 : i32 to index
      %get3A_297 = arith.constant 16 : index
      %get3A_298 = tpu.vector_load %arg12[%get3A_295, %get3A_296, %get3A_297] {strides = array<i32>} : memref<4x128x32xf32, #tpu.memory_space<vmem>>, vector<16xf32>,
      %mul3A_299 = arith.constant 128 : i32
      %mul3A_300 = arith.muli %scan3A_280, %mul3A_299 : i32
      %add3A_301 = arith.constant 96 : i32
      %add3A_302 = arith.addi %mul3A_300, %add3A_301 : i32
      %add3A_303 = arith.constant 16 : i32
      %add3A_304 = arith.addi %add3A_302, %add3A_303 : i32
      %swap3A_305 = arith.constant 3 : i32
      %swap3A_306 = arith.index_cast %swap3A_305 : i32 to index
      %swap3A_307 = arith.index_cast %add3A_304 : i32 to index
      %swap3A_308 = tpu.vector_load %arg13[%swap3A_306, %swap3A_307] {strides = array<i32>} : memref<4x16384xf32, #tpu.memory_space<vmem>>, vector<16xf32>,
      tpu.vector_store %arg13[%swap3A_306, %swap3A_307], %get3A_298 {strides = array<i32>} : memref<4x16384xf32, #tpu.memory_space<vmem>>, vector<16xf32>,
    }
    %scan3A_214 = arith.constant 128 : i32
    %add3A_215 = arith.constant 384 : i32
    %add3A_216 = arith.addi %mul3A_88, %add3A_215 : i32
    %mul3A_217 = arith.constant 128 : i32
    %mul3A_218 = arith.muli %add3A_216, %mul3A_217 : i32
    %dma_start3A_219 = arith.constant 3 : i32
    %dma_start3A_220 = arith.constant 0 : i32
    %dma_start3A_221 = tpu.memref_slice %arg13[%dma_start3A_219, %dma_start3A_220] : memref<4x16384xf32, #tpu.memory_space<vmem>> -> memref<1x16384xf32, #tpu.memory_space<vmem>>
    %dma_start3A_222 = tpu.memref_squeeze %dma_start3A_221 : memref<1x16384xf32, #tpu.memory_space<vmem>> -> memref<16384xf32, #tpu.memory_space<vmem>>
    %dma_start3A_223 = tpu.memref_slice %arg10[%mul3A_218] : memref<2097152xf32, #tpu.memory_space<hbm>> -> memref<16384xf32, #tpu.memory_space<hbm>>
    %dma_start3A_224 = tpu.memref_slice %arg10[%mul3A_218] : memref<2097152xf32, #tpu.memory_space<hbm>> -> memref<16384xf32, #tpu.memory_space<hbm>>
    %dma_start3A_225 = arith.constant 0 : i32
    %dma_start3A_226 = tpu.memref_slice %arg13[%dma_start3A_219, %dma_start3A_225] : memref<4x16384xf32, #tpu.memory_space<vmem>> -> memref<1x16384xf32, #tpu.memory_space<vmem>>
    %dma_start3A_227 = tpu.memref_squeeze %dma_start3A_226 : memref<1x16384xf32, #tpu.memory_space<vmem>> -> memref<16384xf32, #tpu.memory_space<vmem>>
    tpu.enqueue_dma source(%dma_start3A_227 : memref<16384xf32, #tpu.memory_space<vmem>>) target(%dma_start3A_224 : memref<16384xf32, #tpu.memory_space<hbm>>) target_semaphore(%arg16 : memref<!tpu.dma_semaphore, #tpu.memory_space<semaphore_mem>>)
    %add3A_228 = arith.constant 0 : i32
    %add3A_229 = arith.addi %mul3A_88, %add3A_228 : i32
    %mul3A_230 = arith.constant 128 : i32
    %mul3A_231 = arith.muli %add3A_229, %mul3A_230 : i32
    %dma_wait3A_232 = arith.constant 0 : i32
    %dma_wait3A_233 = arith.constant 0 : i32
    %dma_wait3A_234 = tpu.memref_slice %arg13[%dma_wait3A_232, %dma_wait3A_233] : memref<4x16384xf32, #tpu.memory_space<vmem>> -> memref<1x16384xf32, #tpu.memory_space<vmem>>
    %dma_wait3A_235 = tpu.memref_squeeze %dma_wait3A_234 : memref<1x16384xf32, #tpu.memory_space<vmem>> -> memref<16384xf32, #tpu.memory_space<vmem>>
    %dma_wait3A_236 = tpu.memref_slice %arg10[%mul3A_231] : memref<2097152xf32, #tpu.memory_space<hbm>> -> memref<16384xf32, #tpu.memory_space<hbm>>
    %dma_wait3A_237 = tpu.memref_slice %arg10[%mul3A_231] : memref<2097152xf32, #tpu.memory_space<hbm>> -> memref<16384xf32, #tpu.memory_space<hbm>>
    %dma_wait3A_238 = arith.constant 0 : i32
    %dma_wait3A_239 = tpu.memref_slice %arg13[%dma_wait3A_232, %dma_wait3A_238] : memref<4x16384xf32, #tpu.memory_space<vmem>> -> memref<1x16384xf32, #tpu.memory_space<vmem>>
    %dma_wait3A_240 = tpu.memref_squeeze %dma_wait3A_239 : memref<1x16384xf32, #tpu.memory_space<vmem>> -> memref<16384xf32, #tpu.memory_space<vmem>>
    tpu.wait_dma2 semaphore(%arg16 : memref<!tpu.dma_semaphore, #tpu.memory_space<semaphore_mem>>) src(%dma_wait3A_240 : memref<16384xf32, #tpu.memory_space<vmem>>) dst(%dma_wait3A_237 : memref<16384xf32, #tpu.memory_space<hbm>>)
    %add3A_241 = arith.constant 128 : i32
    %add3A_242 = arith.addi %mul3A_88, %add3A_241 : i32
    %mul3A_243 = arith.constant 128 : i32
    %mul3A_244 = arith.muli %add3A_242, %mul3A_243 : i32
    %dma_wait3A_245 = arith.constant 1 : i32
    %dma_wait3A_246 = arith.constant 0 : i32
    %dma_wait3A_247 = tpu.memref_slice %arg13[%dma_wait3A_245, %dma_wait3A_246] : memref<4x16384xf32, #tpu.memory_space<vmem>> -> memref<1x16384xf32, #tpu.memory_space<vmem>>
    %dma_wait3A_248 = tpu.memref_squeeze %dma_wait3A_247 : memref<1x16384xf32, #tpu.memory_space<vmem>> -> memref<16384xf32, #tpu.memory_space<vmem>>
    %dma_wait3A_249 = tpu.memref_slice %arg10[%mul3A_244] : memref<2097152xf32, #tpu.memory_space<hbm>> -> memref<16384xf32, #tpu.memory_space<hbm>>
    %dma_wait3A_250 = tpu.memref_slice %arg10[%mul3A_244] : memref<2097152xf32, #tpu.memory_space<hbm>> -> memref<16384xf32, #tpu.memory_space<hbm>>
    %dma_wait3A_251 = arith.constant 0 : i32
    %dma_wait3A_252 = tpu.memref_slice %arg13[%dma_wait3A_245, %dma_wait3A_251] : memref<4x16384xf32, #tpu.memory_space<vmem>> -> memref<1x16384xf32, #tpu.memory_space<vmem>>
    %dma_wait3A_253 = tpu.memref_squeeze %dma_wait3A_252 : memref<1x16384xf32, #tpu.memory_space<vmem>> -> memref<16384xf32, #tpu.memory_space<vmem>>
    tpu.wait_dma2 semaphore(%arg16 : memref<!tpu.dma_semaphore, #tpu.memory_space<semaphore_mem>>) src(%dma_wait3A_253 : memref<16384xf32, #tpu.memory_space<vmem>>) dst(%dma_wait3A_250 : memref<16384xf32, #tpu.memory_space<hbm>>)
    %add3A_254 = arith.constant 256 : i32
    %add3A_255 = arith.addi %mul3A_88, %add3A_254 : i32
    %mul3A_256 = arith.constant 128 : i32
    %mul3A_257 = arith.muli %add3A_255, %mul3A_256 : i32
    %dma_wait3A_258 = arith.constant 2 : i32
    %dma_wait3A_259 = arith.constant 0 : i32
    %dma_wait3A_260 = tpu.memref_slice %arg13[%dma_wait3A_258, %dma_wait3A_259] : memref<4x16384xf32, #tpu.memory_space<vmem>> -> memref<1x16384xf32, #tpu.memory_space<vmem>>
    %dma_wait3A_261 = tpu.memref_squeeze %dma_wait3A_260 : memref<1x16384xf32, #tpu.memory_space<vmem>> -> memref<16384xf32, #tpu.memory_space<vmem>>
    %dma_wait3A_262 = tpu.memref_slice %arg10[%mul3A_257] : memref<2097152xf32, #tpu.memory_space<hbm>> -> memref<16384xf32, #tpu.memory_space<hbm>>
    %dma_wait3A_263 = tpu.memref_slice %arg10[%mul3A_257] : memref<2097152xf32, #tpu.memory_space<hbm>> -> memref<16384xf32, #tpu.memory_space<hbm>>
    %dma_wait3A_264 = arith.constant 0 : i32
    %dma_wait3A_265 = tpu.memref_slice %arg13[%dma_wait3A_258, %dma_wait3A_264] : memref<4x16384xf32, #tpu.memory_space<vmem>> -> memref<1x16384xf32, #tpu.memory_space<vmem>>
    %dma_wait3A_266 = tpu.memref_squeeze %dma_wait3A_265 : memref<1x16384xf32, #tpu.memory_space<vmem>> -> memref<16384xf32, #tpu.memory_space<vmem>>
    tpu.wait_dma2 semaphore(%arg16 : memref<!tpu.dma_semaphore, #tpu.memory_space<semaphore_mem>>) src(%dma_wait3A_266 : memref<16384xf32, #tpu.memory_space<vmem>>) dst(%dma_wait3A_263 : memref<16384xf32, #tpu.memory_space<hbm>>)
    %add3A_267 = arith.constant 384 : i32
    %add3A_268 = arith.addi %mul3A_88, %add3A_267 : i32
    %mul3A_269 = arith.constant 128 : i32
    %mul3A_270 = arith.muli %add3A_268, %mul3A_269 : i32
    %dma_wait3A_271 = arith.constant 3 : i32
    %dma_wait3A_272 = arith.constant 0 : i32
    %dma_wait3A_273 = tpu.memref_slice %arg13[%dma_wait3A_271, %dma_wait3A_272] : memref<4x16384xf32, #tpu.memory_space<vmem>> -> memref<1x16384xf32, #tpu.memory_space<vmem>>
    %dma_wait3A_274 = tpu.memref_squeeze %dma_wait3A_273 : memref<1x16384xf32, #tpu.memory_space<vmem>> -> memref<16384xf32, #tpu.memory_space<vmem>>
    %dma_wait3A_275 = tpu.memref_slice %arg10[%mul3A_270] : memref<2097152xf32, #tpu.memory_space<hbm>> -> memref<16384xf32, #tpu.memory_space<hbm>>
    %dma_wait3A_276 = tpu.memref_slice %arg10[%mul3A_270] : memref<2097152xf32, #tpu.memory_space<hbm>> -> memref<16384xf32, #tpu.memory_space<hbm>>
    %dma_wait3A_277 = arith.constant 0 : i32
    %dma_wait3A_278 = tpu.memref_slice %arg13[%dma_wait3A_271, %dma_wait3A_277] : memref<4x16384xf32, #tpu.memory_space<vmem>> -> memref<1x16384xf32, #tpu.memory_space<vmem>>
    %dma_wait3A_279 = tpu.memref_squeeze %dma_wait3A_278 : memref<1x16384xf32, #tpu.memory_space<vmem>> -> memref<16384xf32, #tpu.memory_space<vmem>>
    tpu.wait_dma2 semaphore(%arg16 : memref<!tpu.dma_semaphore, #tpu.memory_space<semaphore_mem>>) src(%dma_wait3A_279 : memref<16384xf32, #tpu.memory_space<vmem>>) dst(%dma_wait3A_276 : memref<16384xf32, #tpu.memory_space<hbm>>)
    return
  }
}

</mosaic_0001>

<sc_bundles>
// kernel: kernel.3.cloned.1.call-start
scs
__scs_entry_jumppad:
0x0: {  	(pc) =	sbr.rel $0x88, $3  }
0x1: {  	(tag) =	ssettag $0x0;
	lr =	simm.s32 $0x1  }
0x2: {  	[smem:$0x3F99] =	sst lr;
	_ =	strace $0xD0000000  }
0x3: {  	_ = 	snop  }
0x4: {  	_ = 	snop  }
0x5: {  	_ = 	snop  }
0x6: {  	_ = 	snop  }
0x7: {  	_ = 	snop  }
__scs_overlays_trampoline_lowered:
0x8: {  	[smem:$0x3FA8] =	sst s0  }
0x9: {  	[smem:$0x3FA9] =	sst s1  }
0xa: {  	[smem:$0x3FAA] =	sst s2  }
0xb: {  	[smem:$0x3FAB] =	sst s3  }
0xc: {  	[smem:$0x3FAC] =	sst s4  }
0xd: {  	[smem:$0x3FAD] =	sst s5  }
0xe: {  	[smem:$0x3FAE] =	sst s6  }
0xf: {  	[smem:$0x3FAF] =	sst s7  }
0x10: {  	[smem:$0x3FB0] =	sst s8  }
0x11: {  	[smem:$0x3FB1] =	sst s9;
	s0 =	simm.s32 @!p0 $0x0  }
0x12: {  	s1 =	sld [smem:$0x3F97];
	s0 =	simm.s32 @p0 $0x1  }
0x13: {  	[smem:$0x3FB2] =	sst s0;
	s0 =	simm.s32 @!p1 $0x0  }
0x14: {  	s2 =	sld [smem:$0x3F96];
	s0 =	simm.s32 @p1 $0x1  }
0x15: {  	[smem:$0x3FB3] =	sst s0;
	s0 =	simm.s32 @!p2 $0x0  }
0x16: {  	s3 =	sld [smem:$0x3FDB];
	s0 =	simm.s32 @p2 $0x1  }
0x17: {  	s4 =	simm.s32 $0x1BF5;
	[smem:$0x3FB5] =	sst s0  }
0x18: {  	s0 =	sld [smem:$0x3F98];
	_ =	swait.ge [sflag:s4], $0x0  }
0x19: {  	s7 =	sld [smem:$0x3F99]  }
0x1a: {  	s8 =	sadd.s32 $0xFFFFE003, lr  }
0x1b: {  	s9 =	sadd.s32 $0xFFFFFEF7, lr;
	s5 =	simm.s32 $0xFFFFFFFF;
	p2 =	slt.u32 s8, $0xFFFFF086  }
0x1c: {  	p1 =	slt.u32 s9, $0xF7A;
	s5 =	simm.s32 @!p2 $0x0  }
0x1d: {  	s5 =	simm.s32 @p1 $0x1;
	p0 =	seq.s32 s7, s2  }
0x1e: {  	s7 =	smul.u32 @!p0 $0xF7A, s2;
	p2 =	seq.s32 @!p0 s5, $0x0  }
0x1f: {  	s9 =	smul.u32 $0xF7A, s1;
	s8 =	simm.s32 @!p0 $0x1BF5;
	p2 =	por !p2, p0  }
0x20: {  	[sflag:s8] =	ssyncset.s32 @!p0 $0xFFFFF086;
	s6 =	sadd.s32 @!p0 s3, s7;
	s7 =	simm.s32 @!p0 $0x108  }
0x21: {  	s3 =	sadd.s32 s3, s9;
	s6 =	sadd.s32 @!p0 $0x88, s6;
	s7 =	simm.s32 @p2 $0x1082  }
0x22: {  	[simem:s7], [sflag:s8] =	dma.local @!p0 [hbm:s6], $0xF7A  }
0x23: {  	s9 =	sor.u32 $0xD0000000, s2;
	s6 =	simm.s32 $0x108;
	_ =	swait.ge @!p0 [sflag:s8], $0x0  }
0x24: {  	s3 =	sadd.s32 $0x88, s3;
	s6 =	simm.s32 @!p1 $0x1082;
	[sflag:s4] =	ssyncset.s32 $0xFFFFF086  }
0x25: {  	[simem:s6], [sflag:s4] =	dma.local [hbm:s3], $0xF7A  }
0x26: {  	[smem:$0x3F99] =	sst s1;
	(tag) =	ssettag s2;
	_ =	strace s9  }
0x27: {  	s1 =	sld [smem:$0x3FA9]  }
0x28: {  	s2 =	sld [smem:$0x3FAA]  }
0x29: {  	s4 =	sld [smem:$0x3FAC]  }
0x2a: {  	p0 =	seq.s32 s5, $0x0;
	s5 =	sld [smem:$0x3FAD]  }
0x2b: {  	s6 =	sld [smem:$0x3FAE]  }
0x2c: {  	s7 =	sld [smem:$0x3FAF]  }
0x2d: {  	s3 =	simm.s32 $0x108;
	s8 =	sld [smem:$0x3FB0]  }
0x2e: {  	s3 =	simm.s32 @!p0 $0x1082;
	s9 =	sld [smem:$0x3FB1]  }
0x2f: {  	lr =	sadd.s32 s0, s3;
	s0 =	sld [smem:$0x3FA8]  }
0x30: {  	s3 =	sld [smem:$0x3FAB]  }
0x31: {  	[smem:$0x3FB4] =	sst s10  }
0x32: {  	s10 =	sld [smem:$0x3FB2];
	_ =	sdelay $0x3  }
0x33: {  	p0 =	seq.s32 s10, $0x1;
	s10 =	sld [smem:$0x3FB4];
	_ =	sdelay $0x3  }
0x34: {  	[smem:$0x3FB4] =	sst s10  }
0x35: {  	s10 =	sld [smem:$0x3FB3];
	_ =	sdelay $0x3  }
0x36: {  	p1 =	seq.s32 s10, $0x1;
	s10 =	sld [smem:$0x3FB4];
	_ =	sdelay $0x3  }
0x37: {  	[smem:$0x3FB4] =	sst s10  }
0x38: {  	s10 =	sld [smem:$0x3FB5]  }
0x39: {  	_ = 	snop;
	(pc) =	sbr.ind lr, $3  }
0x3a: {  	_ = 	snop  }
0x3b: {  	_ = 	snop  }
0x3c: {  	p2 =	seq.s32 s10, $0x1;
	s10 =	sld [smem:$0x3FB4]  }
0x3d: {  	_ =	shalt  }
0x3e: {  	_ =	shalt  }
0x3f: {  	_ =	shalt  }
0x40: {  	_ =	shalt  }
0x41: {  	_ =	shalt  }
0x42: {  	_ =	shalt  }
0x43: {  	_ =	shalt  }
0x44: {  	_ =	shalt  }
0x45: {  	_ =	shalt  }
0x46: {  	_ =	shalt  }
0x47: {  	_ =	shalt  }
0x48: {  	_ =	shalt  }
0x49: {  	_ =	shalt  }
0x4a: {  	_ =	shalt  }
0x4b: {  	_ =	shalt  }
0x4c: {  	_ =	shalt  }
0x4d: {  	_ =	shalt  }
0x4e: {  	_ =	shalt  }
0x4f: {  	_ =	shalt  }
0x50: {  	_ =	shalt  }
0x51: {  	_ =	shalt  }
0x52: {  	_ =	shalt  }
0x53: {  	_ =	shalt  }
0x54: {  	_ =	shalt  }
0x55: {  	_ =	shalt  }
0x56: {  	_ =	shalt  }
0x57: {  	_ =	shalt  }
0x58: {  	_ =	shalt  }
0x59: {  	_ =	shalt  }
0x5a: {  	_ =	shalt  }
0x5b: {  	_ =	shalt  }
0x5c: {  	_ =	shalt  }
0x5d: {  	_ =	shalt  }
0x5e: {  	_ =	shalt  }
0x5f: {  	_ =	shalt  }
0x60: {  	_ =	shalt  }
0x61: {  	_ =	shalt  }
0x62: {  	_ =	shalt  }
0x63: {  	_ =	shalt  }
0x64: {  	_ =	shalt  }
0x65: {  	_ =	shalt  }
0x66: {  	_ =	shalt  }
0x67: {  	_ =	shalt  }
0x68: {  	_ =	shalt  }
0x69: {  	_ =	shalt  }
0x6a: {  	_ =	shalt  }
0x6b: {  	_ =	shalt  }
0x6c: {  	_ =	shalt  }
0x6d: {  	_ =	shalt  }
0x6e: {  	_ =	shalt  }
0x6f: {  	_ =	shalt  }
0x70: {  	_ =	shalt  }
0x71: {  	_ =	shalt  }
0x72: {  	_ =	shalt  }
0x73: {  	_ =	shalt  }
0x74: {  	_ =	shalt  }
0x75: {  	_ =	shalt  }
0x76: {  	_ =	shalt  }
0x77: {  	_ =	shalt  }
0x78: {  	_ =	shalt  }
0x79: {  	_ =	shalt  }
0x7a: {  	_ =	shalt  }
0x7b: {  	_ =	shalt  }
0x7c: {  	_ =	shalt  }
0x7d: {  	_ =	shalt  }
0x7e: {  	_ =	shalt  }
0x7f: {  	_ =	shalt  }
0x80: {  	_ =	shalt  }
0x81: {  	_ =	shalt  }
0x82: {  	_ =	shalt  }
0x83: {  	_ =	shalt  }
0x84: {  	_ =	shalt  }
0x85: {  	_ =	shalt  }
0x86: {  	_ =	shalt  }
0x87: {  	_ =	shalt  }
.Lfunc_end0:
.L_simem_size_0:
called_computation_lowered:
.L_overlay_start_0:
0x88: {  	s2 =	sld [smem:$0x3FD9]  }
0x89: {  	s3 =	sld [smem:$0x3FFE];
	_ =	sdelay $0x1  }
0x8a: {  	s1 =	srdreg.scid  }
0x8b: {  	s0 =	sand.u32 $0x1, s1  }
0x8c: {  	s17 =	sshll.u32 s0, $0xA;
	s2 =	sadd.s32 s3, s2  }
0x8d: {  	s2 =	sadd.s32 s2, s17  }
0x8e: {  	[smem:$0x3FC0] =	sst s2  }
0x8f: {  	_ = 	snop  }
0x90: {  	s2 =	sld [smem:$0x3FC9]  }
0x91: {  	s18 =	sld [smem:$0x3FC8]  }
0x92: {  	s4 =	sld [smem:$0x3FC7]  }
0x93: {  	s5 =	sld [smem:$0x3FC6]  }
0x94: {  	s6 =	sld [smem:$0x3FD0];
	(tm) =	ssettm $0x1  }
0x95: {  	s7 =	sld [smem:$0x3FFB];
	_ =	sdelay $0x3  }
0x96: {  	_ =	strace s7  }
0x97: {  	s7 =	sld [smem:$0x3FFC];
	_ =	sdelay $0x3  }
0x98: {  	_ =	strace s7  }
0x99: {  	s7 =	sld [smem:$0x3FFD];
	_ =	sdelay $0x3  }
0x9a: {  	_ =	strace s7  }
0x9b: {  	_ =	strace $0x8FFFFFFF  }
0x9c: {  	s19 =	sld [smem:$0x3FDB];
	_ =	sdelay $0x1  }
0x9d: {  	s8 =	simm.s32 $_scs_section_size  }
0x9e: {  	s9 =	simm.s32 $_size__tile_overlayer_lowered;
	s10 =	simm.s32 $_tile_overlayer_lowered  }
0x9f: {  	s22 =	simm.s32 $0x1BFF;
	s21 =	sshll.u32 s10, $0x1;
	s7 =	sadd.s32 s8, s19  }
0xa0: {  	s11 =	simm.s32 $0x0;
	s20 =	sshll.u32 s9, $0x1;
	s9 =	sadd.s32 s21, s7  }
0xa1: {  	[timem:s11], [sflag:s22] =	dma.local [hbm:s9], s20  }
0xa2: {  	_ =	swait.ge [sflag:s22], s20  }
0xa3: {  	s8 =	ssub.s32 $0x0, s20;
	[sflag:s22] =	ssyncset.done $0x0  }
0xa4: {  	[sflag:s22] =	ssyncadd.s32 s8;
	_ =	sdelay $0x1  }
0xa5: {  	s23 =	simm.s32 $0x1B8B  }
0xa6: {  	_ =	swait.ge [sflag:s23], $0x1  }
0xa7: {  	[sflag:s23] =	ssyncset.done $0x0  }
0xa8: {  	s25 =	simm.s32 $0x1B8E;
	s24 =	sld [smem:$0x3FFE];
	[sflag:s23] =	ssyncadd.s32 $0xFFFFFFFF  }
0xa9: {  	s26 =	simm.s32 $execute0_lowered;
	[smem:$0x3FD2] =	sst s25  }
0xaa: {  	s9 =	sshll.u32 s26, $0x1;
	_ =	strace $0x80000046;
	[dreg:$0x1] =	wrdreg $0xFFFFFFFF  }
0xab: {  	s28 =	simm.s32 $_size_execute0_lowered;
	s7 =	sadd.s32 s7, s9;
	[dreg:$0x0] =	wrdreg $0x0  }
0xac: {  	s9 =	sshll.u32 s28, $0x1;
	[dreg:$0x2] =	wrdreg s7  }
0xad: {  	[dreg:$0x3] =	wrdreg s9  }
0xae: {  	[dreg:$0x4] =	wrdreg $0xC0  }
0xaf: {  	_ =	task [dreg:s11], $0x5FFFF  }
0xb0: {  	[dreg:$0x1] =	wrdreg $0xFFFFFFFF  }
0xb1: {  	[dreg:$0x0] =	wrdreg $0x60  }
0xb2: {  	[dreg:$0x2] =	wrdreg s2  }
0xb3: {  	[dreg:$0x3] =	wrdreg s18  }
0xb4: {  	[dreg:$0x4] =	wrdreg s4  }
0xb5: {  	[dreg:$0x5] =	wrdreg s5  }
0xb6: {  	[dreg:$0x6] =	wrdreg s24  }
0xb7: {  	[dreg:$0x7] =	wrdreg s6  }
0xb8: {  	[dreg:$0x8] =	wrdreg $0x9  }
0xb9: {  	_ =	task.clear_ibuf [dreg:s11], $0x9FFFF;
	_ =	strace $0x90000046  }
0xba: {  	s29 =	simm.s32 $0x9;
	_ =	strace $0x80000048  }
0xbb: {  	_ =	swait.ge [sflag:s29], $0x1  }
0xbc: {  	[sflag:s29] =	ssyncadd.s32 $0xFFFFFFFF  }
0xbd: {  	_ =	strace $0x90000048  }
0xbe: {  	_ =	sfence  }
0xbf: {  	s30 =	sld [smem:$0x0];
	_ =	sdelay $0x2  }
0xc0: {  	s31 =	sshll.u32 s1, $0xD;
	s1 =	sshrl.u32 s1, $0x2  }
0xc1: {  	s3 =	sand.u32 $0x4000, s31;
	s1 =	sadd.s32 s1, s30  }
0xc2: {  	s0 =	sor.u32 s3, s0;
	s1 =	sshll.u32 s1, $0x11  }
0xc3: {  	s0 =	sor.u32 s1, s0  }
0xc4: {  	s0 =	sadd.s32 $0x8F2B, s0  }
0xc5: {  	[sflag:s0] =	ssyncadd.remote.s32 $0x1  }
0xc6: {  	_ =	sfence.sel $0xFFFF  }
0xc7: {  	[dreg:$0x0] =	wrdreg $0xFFFFFFFF;
	(pc) =	sbr.abs _section_cstart, $3  }
0xc8: {  	[dreg:$0x1] =	wrdreg $0xFFFFFFFF  }
0xc9: {  	_ =	task.clear_ibuf [dreg:s11], $0x2FFFF;
	_ =	strace $0x9FFFFFFF  }
0xca: {  	(tm) =	ssettm $0x7FFFFFFF  }
0xcb: {  	_ =	shalt  }
tec
execute0_lowered:
.L_overlay_start_1:
0x0: {  	(tag) =	ssettag $0x1  }
0x1: {  	s0 =	rddreg [dreg:$0x0]  }
0x2: {  	s2 =	rddreg [dreg:$0x1]  }
0x3: {  	s11 =	rddreg [dreg:$0x2]  }
0x4: {  	s7 =	rddreg [dreg:$0x3]  }
0x5: {  	s6 =	rddreg [dreg:$0x4]  }
0x6: {  	s10 =	rddreg [dreg:$0x5];
	s1 =	simm.s32 $0x0;
	s5 =	srdreg.scid  }
0x7: {  	s9 =	stileid.u32;
	s17 =	simm.s32 $0x3;
	s18 =	simm.s32 $0x80  }
0x8: {  	s26 =	simm.s32 $0x14800;
	s22 =	simm.s32 $0x2;
	s23 =	simm.s32 $0x0  }
0x9: {  	[smem:$0x7FF] =	sst s1;
	s3 =	sadd.s32 $0xE00, s6;
	s4 =	sadd.s32 $0xC00, s6  }
0xa: {  	s8 =	sand.u32 $0x1, s5;
	s9 =	sshll.u32 s9, $0x1;
	s5 =	sadd.s32 $0xA00, s6  }
0xb: {  	v0 =	vimm.s32 $0x0;
	v1 =	vimm.s32 $0x5;
	v2 =	vlaneseq.u32;
	s6 =	sadd.s32 $0x187400, s6;
	s12 =	ssub.s32 $0x2, s8;
	s8 =	sor.u32 s8, s9  }
0xc: {  	v4 =	vimm.s32 $0x1;
	v5 =	vimm.s32 $0x2;
	v6 =	vimm.s32 $0x3;
	_ =	strace $0x80000047;
	s30 =	sshrl.u32 s12, $0x1;
	s13 =	sshll.u32 s8, $0x6  }
0xd: {  	v7 =	vimm.s32 $0x4;
	v8 =	vimm.s32 $0x6;
	v9 =	vimm.s32 $0x7;
	s31 =	sshll.u32 s8, $0xD;
	s15 =	ssub.s32 s12, s30;
	s7 =	sadd.s32 s7, s13  }
0xe: {  	v10 =	vimm.s32 $0x8;
	v11 =	vimm.s32 $0x9;
	v12 =	vimm.s32 $0xA;
	s8 =	sadd.s32 s0, s13;
	s9 =	sadd.s32 s2, s13;
	s10 =	sadd.s32 s10, s31  }
0xf: {  	v13 =	vimm.s32 $0xB;
	v14 =	vimm.s32 $0xC;
	v15 =	vimm.s32 $0xD;
	s11 =	sadd.s32 s11, s13;
	s0 =	simm.s32 $0x1;
	s12 =	sadd.s32 $0x800, s10  }
0x10: {  	v16 =	vimm.s32 $0xE;
	v17 =	vimm.s32 $0xF;
	v3 =	vor.u32 $0x10, v2;
	s13 =	sadd.s32 $0x1000, s10;
	s14 =	sadd.s32 $0x1800, s10;
	s15 =	smax.u32 s15, $0x1  }
.LBB2_1:
0x11: {  	s2 =	simm.s32 $0x600  }
0x12: {  	[tilespmem:s2], [sflag:$0x3] =	stream.linear.gather [hbm4b:s7+s1], $0x200, $0x38;
	[tilespmem:$0x14BC0] =	vst v63  }
0x13: {  	_ =	swait.ge [sflag:s17], $0x200  }
0x14: {  	[sflag:s17] =	ssyncset.done $0x0  }
0x15: {  	s16 =	simm.s32 $0x800;
	[sflag:s17] =	ssyncadd.s32 $0xFFFFFE00  }
0x16: {  	[tilespmem:s16], [sflag:$0x1] =	stream.indirect.gather [hbm4b:s6+s18], $0x20, s2, s18, $0xb8;
	[tilespmem:$0x14BC0] =	vst v63  }
0x17: {  	s28 =	simm.s32 $0x680;
	s29 =	simm.s32 $0x1800  }
0x18: {  	[tilespmem:s29], [sflag:$0x1] =	stream.indirect.gather [hbm4b:s6+s18], $0x20, s28, s18, $0xb8;
	[tilespmem:$0x14BC0] =	vst v63  }
0x19: {  	s30 =	simm.s32 $0x700;
	s31 =	simm.s32 $0x2800  }
0x1a: {  	[tilespmem:s31], [sflag:$0x1] =	stream.indirect.gather [hbm4b:s6+s18], $0x20, s30, s18, $0xb8;
	[tilespmem:$0x14BC0] =	vst v63  }
0x1b: {  	s19 =	simm.s32 $0x3800;
	s16 =	simm.s32 $0x780  }
0x1c: {  	[tilespmem:s19], [sflag:$0x1] =	stream.indirect.gather [hbm4b:s6+s18], $0x20, s16, s18, $0xb8;
	[tilespmem:$0x14BC0] =	vst v63  }
0x1d: {  	_ = 	snop  }
0x1e: {  	[tilespmem:s26], [sflag:$0x3] =	stream.linear.gather [hbm4b:s3+s1], $0x40, $0x38;
	[tilespmem:$0x14BC0] =	vst v63  }
0x1f: {  	_ =	swait.ge [sflag:s17], $0x40  }
0x20: {  	[sflag:s17] =	ssyncset.done $0x0  }
0x21: {  	s20 =	simm.s32 $0x14840;
	[sflag:s17] =	ssyncadd.s32 $0xFFFFFFC0  }
0x22: {  	[tilespmem:s20], [sflag:$0x3] =	stream.linear.gather [hbm4b:s4+s1], $0xE0, $0x38;
	[tilespmem:$0x14BC0] =	vst v63  }
0x23: {  	_ =	swait.ge [sflag:s17], $0xE0  }
0x24: {  	[sflag:s17] =	ssyncset.done $0x0  }
0x25: {  	s21 =	simm.s32 $0x14920;
	[sflag:s17] =	ssyncadd.s32 $0xFFFFFF20  }
0x26: {  	[tilespmem:s21], [sflag:$0x3] =	stream.linear.gather [hbm4b:s5+s1], $0x2A0, $0x38;
	[tilespmem:$0x14BC0] =	vst v63  }
0x27: {  	_ =	swait.ge [sflag:s17], $0x2A0  }
0x28: {  	[sflag:s17] =	ssyncset.done $0x0  }
0x29: {  	[sflag:s17] =	ssyncadd.s32 $0xFFFFFD60  }
0x2a: {  	[tilespmem:s1], [sflag:$0x3] =	stream.linear.gather [hbm4b:s8+s1], $0x200, $0x38;
	[tilespmem:$0x14BC0] =	vst v63  }
0x2b: {  	_ =	swait.ge [sflag:s17], $0x200  }
0x2c: {  	[sflag:s17] =	ssyncset.done $0x0  }
0x2d: {  	s24 =	simm.s32 $0x200;
	[sflag:s17] =	ssyncadd.s32 $0xFFFFFE00  }
0x2e: {  	[tilespmem:s24], [sflag:$0x3] =	stream.linear.gather [hbm4b:s9+s1], $0x200, $0x38;
	[tilespmem:$0x14BC0] =	vst v63  }
0x2f: {  	_ =	swait.ge [sflag:s17], $0x200  }
0x30: {  	[sflag:s17] =	ssyncset.done $0x0  }
0x31: {  	s25 =	simm.s32 $0x400;
	[sflag:s17] =	ssyncadd.s32 $0xFFFFFE00  }
0x32: {  	[tilespmem:s25], [sflag:$0x3] =	stream.linear.gather [hbm4b:s11+s1], $0x200, $0x38;
	[tilespmem:$0x14BC0] =	vst v63  }
0x33: {  	s28 =	sand.u32 $0x7, s1;
	s29 =	simm.s32 $0x0;
	_ =	swait.ge [sflag:s17], $0x200  }
0x34: {  	s16 =	sand.u32 $0x3FFFFF80, s29;
	s19 =	sshll.u32 s28, $0x4;
	[sflag:s17] =	ssyncset.done $0x0  }
0x35: {  	s16 =	sor.u32 s19, s16;
	[sflag:s17] =	ssyncadd.s32 $0xFFFFFE00  }
0x36: {  	v18 =	vld [tilespmem:s16+$0x0];
	_ =	sdelay $0x4  }
0x37: {  	v19 =	vperm.xlane v18, v0;
	_ =	sdelay $0x1  }
0x38: {  	v19 =	vshll.u32 v19, $0x5  }
0x39: {  	v20 =	vor.u32 v2, v19;
	_ =	sdelay $0x4  }
0x3a: {  	v20 =	vld.idx.msk [tilespmem:v20+s26+$0x0], $0xffff  }
0x3b: {  	v19 =	vor.u32 v3, v19  }
0x3c: {  	s30 =	simm.s32 $0x0  }
0x3d: {  	s2 =	sshll.u32 s28, $0xB;
	s16 =	sand.u32 $0x3FFFC000, s30  }
0x3e: {  	s24 =	sor.u32 s2, s16;
	v21 =	vperm.xlane v18, v4  }
0x3f: {  	[tilespmem:s24+$0x4800] =	vst v20  }
0x40: {  	v20 =	vshll.u32 v21, $0x5;
	v19 =	vld.idx.msk [tilespmem:v19+s26+$0x0], $0xffff  }
0x41: {  	v21 =	vor.u32 v2, v20;
	_ =	sdelay $0x3  }
0x42: {  	[tilespmem:s24+$0x4810] =	vst v19  }
0x43: {  	v19 =	vld.idx.msk [tilespmem:v21+s26+$0x0], $0xffff  }
0x44: {  	v20 =	vor.u32 v3, v20;
	_ =	sdelay $0x2  }
0x45: {  	v51 =	vperm.xlane v18, v5  }
0x46: {  	[tilespmem:s24+$0x4880] =	vst v19  }
0x47: {  	v19 =	vshll.u32 v51, $0x5;
	v20 =	vld.idx.msk [tilespmem:v20+s26+$0x0], $0xffff  }
0x48: {  	v21 =	vor.u32 v2, v19;
	_ =	sdelay $0x3  }
0x49: {  	[tilespmem:s24+$0x4890] =	vst v20  }
0x4a: {  	v20 =	vld.idx.msk [tilespmem:v21+s26+$0x0], $0xffff  }
0x4b: {  	v19 =	vor.u32 v3, v19;
	_ =	sdelay $0x2  }
0x4c: {  	v52 =	vperm.xlane v18, v6  }
0x4d: {  	[tilespmem:s24+$0x4900] =	vst v20  }
0x4e: {  	v20 =	vshll.u32 v52, $0x5;
	v19 =	vld.idx.msk [tilespmem:v19+s26+$0x0], $0xffff  }
0x4f: {  	v21 =	vor.u32 v2, v20;
	_ =	sdelay $0x3  }
0x50: {  	[tilespmem:s24+$0x4910] =	vst v19  }
0x51: {  	v19 =	vld.idx.msk [tilespmem:v21+s26+$0x0], $0xffff  }
0x52: {  	v20 =	vor.u32 v3, v20;
	_ =	sdelay $0x2  }
0x53: {  	v53 =	vperm.xlane v18, v7  }
0x54: {  	[tilespmem:s24+$0x4980] =	vst v19  }
0x55: {  	v19 =	vshll.u32 v53, $0x5;
	v20 =	vld.idx.msk [tilespmem:v20+s26+$0x0], $0xffff  }
0x56: {  	v21 =	vor.u32 v2, v19;
	_ =	sdelay $0x3  }
0x57: {  	[tilespmem:s24+$0x4990] =	vst v20  }
0x58: {  	v20 =	vld.idx.msk [tilespmem:v21+s26+$0x0], $0xffff  }
0x59: {  	v19 =	vor.u32 v3, v19;
	_ =	sdelay $0x2  }
0x5a: {  	v54 =	vperm.xlane v18, v1  }
0x5b: {  	[tilespmem:s24+$0x4A00] =	vst v20  }
0x5c: {  	v20 =	vshll.u32 v54, $0x5;
	v19 =	vld.idx.msk [tilespmem:v19+s26+$0x0], $0xffff  }
0x5d: {  	v21 =	vor.u32 v2, v20;
	_ =	sdelay $0x3  }
0x5e: {  	[tilespmem:s24+$0x4A10] =	vst v19  }
0x5f: {  	v19 =	vld.idx.msk [tilespmem:v21+s26+$0x0], $0xffff  }
0x60: {  	v20 =	vor.u32 v3, v20;
	_ =	sdelay $0x2  }
0x61: {  	v55 =	vperm.xlane v18, v8  }
0x62: {  	[tilespmem:s24+$0x4A80] =	vst v19  }
0x63: {  	v19 =	vshll.u32 v55, $0x5;
	v20 =	vld.idx.msk [tilespmem:v20+s26+$0x0], $0xffff  }
0x64: {  	v21 =	vor.u32 v2, v19;
	_ =	sdelay $0x3  }
0x65: {  	[tilespmem:s24+$0x4A90] =	vst v20  }
0x66: {  	v20 =	vld.idx.msk [tilespmem:v21+s26+$0x0], $0xffff  }
0x67: {  	v19 =	vor.u32 v3, v19;
	_ =	sdelay $0x2  }
0x68: {  	v56 =	vperm.xlane v18, v9  }
0x69: {  	[tilespmem:s24+$0x4B00] =	vst v20  }
0x6a: {  	v20 =	vshll.u32 v56, $0x5;
	v19 =	vld.idx.msk [tilespmem:v19+s26+$0x0], $0xffff  }
0x6b: {  	v21 =	vor.u32 v2, v20;
	_ =	sdelay $0x3  }
0x6c: {  	[tilespmem:s24+$0x4B10] =	vst v19  }
0x6d: {  	v19 =	vld.idx.msk [tilespmem:v21+s26+$0x0], $0xffff  }
0x6e: {  	v20 =	vor.u32 v3, v20;
	_ =	sdelay $0x2  }
0x6f: {  	v57 =	vperm.xlane v18, v10  }
0x70: {  	[tilespmem:s24+$0x4B80] =	vst v19  }
0x71: {  	v19 =	vshll.u32 v57, $0x5;
	v20 =	vld.idx.msk [tilespmem:v20+s26+$0x0], $0xffff  }
0x72: {  	v21 =	vor.u32 v2, v19;
	_ =	sdelay $0x3  }
0x73: {  	[tilespmem:s24+$0x4B90] =	vst v20  }
0x74: {  	v20 =	vld.idx.msk [tilespmem:v21+s26+$0x0], $0xffff  }
0x75: {  	v19 =	vor.u32 v3, v19;
	_ =	sdelay $0x2  }
0x76: {  	v58 =	vperm.xlane v18, v11  }
0x77: {  	[tilespmem:s24+$0x4C00] =	vst v20  }
0x78: {  	v20 =	vshll.u32 v58, $0x5;
	v19 =	vld.idx.msk [tilespmem:v19+s26+$0x0], $0xffff  }
0x79: {  	v21 =	vor.u32 v2, v20;
	_ =	sdelay $0x3  }
0x7a: {  	[tilespmem:s24+$0x4C10] =	vst v19  }
0x7b: {  	v19 =	vld.idx.msk [tilespmem:v21+s26+$0x0], $0xffff  }
0x7c: {  	v20 =	vor.u32 v3, v20;
	_ =	sdelay $0x2  }
0x7d: {  	v59 =	vperm.xlane v18, v12  }
0x7e: {  	[tilespmem:s24+$0x4C80] =	vst v19  }
0x7f: {  	v19 =	vshll.u32 v59, $0x5;
	v20 =	vld.idx.msk [tilespmem:v20+s26+$0x0], $0xffff  }
0x80: {  	v21 =	vor.u32 v2, v19;
	_ =	sdelay $0x3  }
0x81: {  	[tilespmem:s24+$0x4C90] =	vst v20  }
0x82: {  	v20 =	vld.idx.msk [tilespmem:v21+s26+$0x0], $0xffff  }
0x83: {  	v19 =	vor.u32 v3, v19;
	_ =	sdelay $0x2  }
0x84: {  	v60 =	vperm.xlane v18, v13  }
0x85: {  	[tilespmem:s24+$0x4D00] =	vst v20  }
0x86: {  	v20 =	vshll.u32 v60, $0x5;
	v19 =	vld.idx.msk [tilespmem:v19+s26+$0x0], $0xffff  }
0x87: {  	v21 =	vor.u32 v2, v20;
	_ =	sdelay $0x3  }
0x88: {  	[tilespmem:s24+$0x4D10] =	vst v19  }
0x89: {  	v19 =	vld.idx.msk [tilespmem:v21+s26+$0x0], $0xffff  }
0x8a: {  	v20 =	vor.u32 v3, v20;
	_ =	sdelay $0x2  }
0x8b: {  	v61 =	vperm.xlane v18, v14  }
0x8c: {  	[tilespmem:s24+$0x4D80] =	vst v19  }
0x8d: {  	v19 =	vshll.u32 v61, $0x5;
	v20 =	vld.idx.msk [tilespmem:v20+s26+$0x0], $0xffff  }
0x8e: {  	v21 =	vor.u32 v2, v19;
	_ =	sdelay $0x3  }
0x8f: {  	[tilespmem:s24+$0x4D90] =	vst v20  }
0x90: {  	v20 =	vld.idx.msk [tilespmem:v21+s26+$0x0], $0xffff  }
0x91: {  	v19 =	vor.u32 v3, v19;
	_ =	sdelay $0x2  }
0x92: {  	v62 =	vperm.xlane v18, v15  }
0x93: {  	[tilespmem:s24+$0x4E00] =	vst v20  }
0x94: {  	v20 =	vshll.u32 v62, $0x5;
	v19 =	vld.idx.msk [tilespmem:v19+s26+$0x0], $0xffff  }
0x95: {  	v21 =	vor.u32 v2, v20;
	_ =	sdelay $0x3  }
0x96: {  	[tilespmem:s24+$0x4E10] =	vst v19  }
0x97: {  	v19 =	vld.idx.msk [tilespmem:v21+s26+$0x0], $0xffff  }
0x98: {  	v20 =	vor.u32 v3, v20;
	_ =	sdelay $0x2  }
0x99: {  	v63 =	vperm.xlane v18, v16  }
0x9a: {  	[tilespmem:s24+$0x4E80] =	vst v19  }
0x9b: {  	v19 =	vshll.u32 v63, $0x5;
	v20 =	vld.idx.msk [tilespmem:v20+s26+$0x0], $0xffff  }
0x9c: {  	v21 =	vor.u32 v2, v19;
	_ =	sdelay $0x3  }
0x9d: {  	[tilespmem:s24+$0x4E90] =	vst v20  }
0x9e: {  	v20 =	vld.idx.msk [tilespmem:v21+s26+$0x0], $0xffff  }
0x9f: {  	v19 =	vor.u32 v3, v19;
	_ =	sdelay $0x2  }
0xa0: {  	v18 =	vperm.xlane v18, v17  }
0xa1: {  	[tilespmem:s24+$0x4F00] =	vst v20  }
0xa2: {  	v18 =	vshll.u32 v18, $0x5;
	v19 =	vld.idx.msk [tilespmem:v19+s26+$0x0], $0xffff  }
0xa3: {  	v20 =	vor.u32 v2, v18;
	_ =	sdelay $0x3  }
0xa4: {  	[tilespmem:s24+$0x4F10] =	vst v19  }
0xa5: {  	v19 =	vld.idx.msk [tilespmem:v20+s26+$0x0], $0xffff  }
0xa6: {  	v18 =	vor.u32 v3, v18;
	_ =	sdelay $0x3  }
0xa7: {  	[tilespmem:s24+$0x4F80] =	vst v19  }
0xa8: {  	v18 =	vld.idx.msk [tilespmem:v18+s26+$0x0], $0xffff  }
0xa9: {  	s2 =	simm.s32 $0x1  }
0xaa: {  	s31 =	simm.s32 $0x10;
	s20 =	sand.u32 $0x7, s2  }
0xab: {  	s19 =	simm.s32 $0x2;
	s16 =	sand.u32 $0x3FFFFF80, s31;
	s21 =	sshll.u32 s20, $0x4  }
.LBB2_2:
0xac: {  	p0 =	sne.s32 s19, $0x1F  }
0xad: {  	s16 =	sor.u32 s21, s16;
	[tilespmem:s24+$0x4F90] =	vst v18;
	s21 =	smov.u32 s19;
	s19 =	sadd.s32 $0x1, s19  }
0xae: {  	v18 =	vld [tilespmem:s16+$0x0];
	_ =	sdelay $0x4  }
0xaf: {  	v19 =	vperm.xlane v18, v0;
	v20 =	vperm.xlane v18, v8  }
0xb0: {  	v21 =	vperm.xlane v18, v5;
	v22 =	vperm.xlane v18, v1  }
0xb1: {  	v31 =	vperm.xlane v18, v4;
	v23 =	vperm.xlane v18, v9;
	v19 =	vshll.u32 v19, $0x5  }
0xb2: {  	v30 =	vshll.u32 v22, $0x5;
	v29 =	vshll.u32 v20, $0x5;
	v24 =	vor.u32 v2, v19  }
0xb3: {  	v32 =	vshll.u32 v21, $0x5;
	v26 =	vshll.u32 v23, $0x5;
	v28 =	vor.u32 v3, v29  }
0xb4: {  	v20 =	vperm.xlane v18, v6;
	v21 =	vperm.xlane v18, v7;
	v27 =	vor.u32 v2, v26  }
0xb5: {  	v22 =	vperm.xlane v18, v10;
	v23 =	vperm.xlane v18, v11  }
0xb6: {  	v33 =	vshll.u32 v20, $0x5;
	v34 =	vshll.u32 v21, $0x5;
	v20 =	vperm.xlane v18, v12  }
0xb7: {  	v25 =	vshll.u32 v22, $0x5;
	v21 =	vperm.xlane v18, v13;
	v35 =	vld.idx.msk [tilespmem:v24+s26+$0x0], $0xffff;
	v24 =	vshll.u32 v23, $0x5  }
0xb8: {  	v36 =	vperm.xlane v18, v15;
	v23 =	vshll.u32 v20, $0x5;
	v20 =	vperm.xlane v18, v14  }
0xb9: {  	v37 =	vor.u32 v3, v19;
	v19 =	vperm.xlane v18, v16;
	v22 =	vshll.u32 v21, $0x5  }
0xba: {  	s16 =	sshll.u32 s2, $0xB;
	s2 =	smov.u32 s21;
	v18 =	vperm.xlane v18, v17;
	v21 =	vshll.u32 v20, $0x5;
	v20 =	vshll.u32 v36, $0x5  }
0xbb: {  	s20 =	sshll.u32 s20, $0xB;
	s16 =	sand.u32 $0x3FFFC000, s16;
	v19 =	vshll.u32 v19, $0x5  }
0xbc: {  	s24 =	sor.u32 s20, s16;
	v18 =	vshll.u32 v18, $0x5  }
0xbd: {  	[tilespmem:s24+$0x4800] =	vst v35  }
0xbe: {  	v35 =	vld.idx.msk [tilespmem:v37+s26+$0x0], $0xffff  }
0xbf: {  	v31 =	vshll.u32 v31, $0x5  }
0xc0: {  	v36 =	vor.u32 v2, v31;
	_ =	sdelay $0x3  }
0xc1: {  	[tilespmem:s24+$0x4810] =	vst v35  }
0xc2: {  	v35 =	vld.idx.msk [tilespmem:v36+s26+$0x0], $0xffff;
	_ =	sdelay $0x1  }
0xc3: {  	v31 =	vor.u32 v3, v31;
	_ =	sdelay $0x3  }
0xc4: {  	[tilespmem:s24+$0x4880] =	vst v35  }
0xc5: {  	v31 =	vld.idx.msk [tilespmem:v31+s26+$0x0], $0xffff;
	_ =	sdelay $0x1  }
0xc6: {  	v35 =	vor.u32 v2, v32;
	_ =	sdelay $0x3  }
0xc7: {  	[tilespmem:s24+$0x4890] =	vst v31  }
0xc8: {  	v31 =	vld.idx.msk [tilespmem:v35+s26+$0x0], $0xffff;
	_ =	sdelay $0x1  }
0xc9: {  	v32 =	vor.u32 v3, v32;
	_ =	sdelay $0x3  }
0xca: {  	[tilespmem:s24+$0x4900] =	vst v31  }
0xcb: {  	v31 =	vld.idx.msk [tilespmem:v32+s26+$0x0], $0xffff;
	_ =	sdelay $0x1  }
0xcc: {  	v32 =	vor.u32 v2, v33;
	_ =	sdelay $0x3  }
0xcd: {  	[tilespmem:s24+$0x4910] =	vst v31  }
0xce: {  	v31 =	vld.idx.msk [tilespmem:v32+s26+$0x0], $0xffff;
	_ =	sdelay $0x1  }
0xcf: {  	v32 =	vor.u32 v3, v33;
	_ =	sdelay $0x3  }
0xd0: {  	[tilespmem:s24+$0x4980] =	vst v31  }
0xd1: {  	v31 =	vld.idx.msk [tilespmem:v32+s26+$0x0], $0xffff;
	_ =	sdelay $0x1  }
0xd2: {  	v32 =	vor.u32 v2, v34;
	_ =	sdelay $0x3  }
0xd3: {  	[tilespmem:s24+$0x4990] =	vst v31  }
0xd4: {  	v31 =	vld.idx.msk [tilespmem:v32+s26+$0x0], $0xffff;
	_ =	sdelay $0x1  }
0xd5: {  	v32 =	vor.u32 v3, v34;
	_ =	sdelay $0x3  }
0xd6: {  	[tilespmem:s24+$0x4A00] =	vst v31  }
0xd7: {  	v31 =	vld.idx.msk [tilespmem:v32+s26+$0x0], $0xffff;
	_ =	sdelay $0x1  }
0xd8: {  	v32 =	vor.u32 v2, v30;
	_ =	sdelay $0x3  }
0xd9: {  	[tilespmem:s24+$0x4A10] =	vst v31  }
0xda: {  	v31 =	vld.idx.msk [tilespmem:v32+s26+$0x0], $0xffff;
	_ =	sdelay $0x1  }
0xdb: {  	v30 =	vor.u32 v3, v30;
	_ =	sdelay $0x3  }
0xdc: {  	[tilespmem:s24+$0x4A80] =	vst v31  }
0xdd: {  	v30 =	vld.idx.msk [tilespmem:v30+s26+$0x0], $0xffff;
	_ =	sdelay $0x1  }
0xde: {  	v29 =	vor.u32 v2, v29;
	_ =	sdelay $0x3  }
0xdf: {  	[tilespmem:s24+$0x4A90] =	vst v30  }
0xe0: {  	v29 =	vld.idx.msk [tilespmem:v29+s26+$0x0], $0xffff;
	_ =	sdelay $0x5  }
0xe1: {  	[tilespmem:s24+$0x4B00] =	vst v29  }
0xe2: {  	v28 =	vld.idx.msk [tilespmem:v28+s26+$0x0], $0xffff;
	_ =	sdelay $0x5  }
0xe3: {  	[tilespmem:s24+$0x4B10] =	vst v28  }
0xe4: {  	v27 =	vld.idx.msk [tilespmem:v27+s26+$0x0], $0xffff;
	_ =	sdelay $0x1  }
0xe5: {  	v26 =	vor.u32 v3, v26;
	_ =	sdelay $0x3  }
0xe6: {  	[tilespmem:s24+$0x4B80] =	vst v27  }
0xe7: {  	v26 =	vld.idx.msk [tilespmem:v26+s26+$0x0], $0xffff;
	_ =	sdelay $0x1  }
0xe8: {  	v27 =	vor.u32 v2, v25;
	_ =	sdelay $0x3  }
0xe9: {  	[tilespmem:s24+$0x4B90] =	vst v26  }
0xea: {  	v26 =	vld.idx.msk [tilespmem:v27+s26+$0x0], $0xffff;
	_ =	sdelay $0x1  }
0xeb: {  	v25 =	vor.u32 v3, v25;
	_ =	sdelay $0x3  }
0xec: {  	[tilespmem:s24+$0x4C00] =	vst v26  }
0xed: {  	v25 =	vld.idx.msk [tilespmem:v25+s26+$0x0], $0xffff;
	_ =	sdelay $0x1  }
0xee: {  	v26 =	vor.u32 v2, v24;
	_ =	sdelay $0x3  }
0xef: {  	[tilespmem:s24+$0x4C10] =	vst v25  }
0xf0: {  	v25 =	vld.idx.msk [tilespmem:v26+s26+$0x0], $0xffff;
	_ =	sdelay $0x1  }
0xf1: {  	v24 =	vor.u32 v3, v24;
	_ =	sdelay $0x3  }
0xf2: {  	[tilespmem:s24+$0x4C80] =	vst v25  }
0xf3: {  	v24 =	vld.idx.msk [tilespmem:v24+s26+$0x0], $0xffff;
	_ =	sdelay $0x1  }
0xf4: {  	v25 =	vor.u32 v2, v23;
	_ =	sdelay $0x3  }
0xf5: {  	[tilespmem:s24+$0x4C90] =	vst v24  }
0xf6: {  	v24 =	vld.idx.msk [tilespmem:v25+s26+$0x0], $0xffff;
	_ =	sdelay $0x1  }
0xf7: {  	v23 =	vor.u32 v3, v23;
	_ =	sdelay $0x3  }
0xf8: {  	[tilespmem:s24+$0x4D00] =	vst v24  }
0xf9: {  	v23 =	vld.idx.msk [tilespmem:v23+s26+$0x0], $0xffff;
	_ =	sdelay $0x1  }
0xfa: {  	v24 =	vor.u32 v2, v22;
	_ =	sdelay $0x3  }
0xfb: {  	[tilespmem:s24+$0x4D10] =	vst v23  }
0xfc: {  	v23 =	vld.idx.msk [tilespmem:v24+s26+$0x0], $0xffff;
	_ =	sdelay $0x1  }
0xfd: {  	v22 =	vor.u32 v3, v22;
	_ =	sdelay $0x3  }
0xfe: {  	[tilespmem:s24+$0x4D80] =	vst v23  }
0xff: {  	v22 =	vld.idx.msk [tilespmem:v22+s26+$0x0], $0xffff;
	_ =	sdelay $0x1  }
0x100: {  	v23 =	vor.u32 v2, v21;
	_ =	sdelay $0x3  }
0x101: {  	[tilespmem:s24+$0x4D90] =	vst v22  }
0x102: {  	v22 =	vld.idx.msk [tilespmem:v23+s26+$0x0], $0xffff;
	_ =	sdelay $0x1  }
0x103: {  	v21 =	vor.u32 v3, v21;
	_ =	sdelay $0x3  }
0x104: {  	[tilespmem:s24+$0x4E00] =	vst v22  }
0x105: {  	v21 =	vld.idx.msk [tilespmem:v21+s26+$0x0], $0xffff;
	_ =	sdelay $0x1  }
0x106: {  	v22 =	vor.u32 v2, v20;
	_ =	sdelay $0x3  }
0x107: {  	[tilespmem:s24+$0x4E10] =	vst v21  }
0x108: {  	v21 =	vld.idx.msk [tilespmem:v22+s26+$0x0], $0xffff;
	_ =	sdelay $0x1  }
0x109: {  	v20 =	vor.u32 v3, v20;
	_ =	sdelay $0x3  }
0x10a: {  	[tilespmem:s24+$0x4E80] =	vst v21  }
0x10b: {  	v20 =	vld.idx.msk [tilespmem:v20+s26+$0x0], $0xffff;
	_ =	sdelay $0x1  }
0x10c: {  	v21 =	vor.u32 v2, v19;
	_ =	sdelay $0x3  }
0x10d: {  	[tilespmem:s24+$0x4E90] =	vst v20  }
0x10e: {  	v20 =	vld.idx.msk [tilespmem:v21+s26+$0x0], $0xffff;
	_ =	sdelay $0x1  }
0x10f: {  	v19 =	vor.u32 v3, v19;
	_ =	sdelay $0x3  }
0x110: {  	[tilespmem:s24+$0x4F00] =	vst v20  }
0x111: {  	v19 =	vld.idx.msk [tilespmem:v19+s26+$0x0], $0xffff;
	_ =	sdelay $0x1  }
0x112: {  	v20 =	vor.u32 v2, v18;
	_ =	sdelay $0x3  }
0x113: {  	[tilespmem:s24+$0x4F10] =	vst v19  }
0x114: {  	v19 =	vld.idx.msk [tilespmem:v20+s26+$0x0], $0xffff;
	_ =	sdelay $0x1  }
0x115: {  	v18 =	vor.u32 v3, v18;
	_ =	sdelay $0x3  }
0x116: {  	[tilespmem:s24+$0x4F80] =	vst v19  }
0x117: {  	v18 =	vld.idx.msk [tilespmem:v18+s26+$0x0], $0xffff  }
.Ltmp0:
0x118: {  	(pc) =	sbr.rel @p0 .LBB2_2-.Ltmp0, $3  }
0x119: {  	_ =	sdelay $0x1  }
0x11a: {  	s20 =	sand.u32 $0x7, s2;
	s16 =	sshll.u32 s2, $0x4  }
0x11b: {  	s16 =	sand.u32 $0x3FFFFF80, s16;
	s21 =	sshll.u32 s20, $0x4  }
0x11c: {  	s16 =	sor.u32 s21, s16;
	[tilespmem:s24+$0x4F90] =	vst v18  }
0x11d: {  	v18 =	vld [tilespmem:s16+$0x0];
	_ =	sdelay $0x4  }
0x11e: {  	v19 =	vperm.xlane v18, v0;
	_ =	sdelay $0x1  }
0x11f: {  	v19 =	vshll.u32 v19, $0x5  }
0x120: {  	v20 =	vor.u32 v2, v19;
	_ =	sdelay $0x4  }
0x121: {  	v20 =	vld.idx.msk [tilespmem:v20+s26+$0x0], $0xffff  }
0x122: {  	v19 =	vor.u32 v3, v19  }
0x123: {  	s2 =	sshll.u32 s2, $0xB  }
0x124: {  	s24 =	sshll.u32 s20, $0xB;
	s2 =	sand.u32 $0x3FFFC000, s2  }
0x125: {  	s2 =	sor.u32 s24, s2;
	v21 =	vperm.xlane v18, v4  }
0x126: {  	[tilespmem:s2+$0x4800] =	vst v20  }
0x127: {  	v20 =	vshll.u32 v21, $0x5;
	v19 =	vld.idx.msk [tilespmem:v19+s26+$0x0], $0xffff  }
0x128: {  	v21 =	vor.u32 v2, v20;
	_ =	sdelay $0x3  }
0x129: {  	[tilespmem:s2+$0x4810] =	vst v19  }
0x12a: {  	v19 =	vld.idx.msk [tilespmem:v21+s26+$0x0], $0xffff  }
0x12b: {  	v20 =	vor.u32 v3, v20;
	_ =	sdelay $0x2  }
0x12c: {  	v51 =	vperm.xlane v18, v5  }
0x12d: {  	[tilespmem:s2+$0x4880] =	vst v19  }
0x12e: {  	v19 =	vshll.u32 v51, $0x5;
	v20 =	vld.idx.msk [tilespmem:v20+s26+$0x0], $0xffff  }
0x12f: {  	v21 =	vor.u32 v2, v19;
	_ =	sdelay $0x3  }
0x130: {  	[tilespmem:s2+$0x4890] =	vst v20  }
0x131: {  	v20 =	vld.idx.msk [tilespmem:v21+s26+$0x0], $0xffff  }
0x132: {  	v19 =	vor.u32 v3, v19;
	_ =	sdelay $0x2  }
0x133: {  	v52 =	vperm.xlane v18, v6  }
0x134: {  	[tilespmem:s2+$0x4900] =	vst v20  }
0x135: {  	v20 =	vshll.u32 v52, $0x5;
	v19 =	vld.idx.msk [tilespmem:v19+s26+$0x0], $0xffff  }
0x136: {  	v21 =	vor.u32 v2, v20;
	_ =	sdelay $0x3  }
0x137: {  	[tilespmem:s2+$0x4910] =	vst v19  }
0x138: {  	v19 =	vld.idx.msk [tilespmem:v21+s26+$0x0], $0xffff  }
0x139: {  	v20 =	vor.u32 v3, v20;
	_ =	sdelay $0x2  }
0x13a: {  	v53 =	vperm.xlane v18, v7  }
0x13b: {  	[tilespmem:s2+$0x4980] =	vst v19  }
0x13c: {  	v19 =	vshll.u32 v53, $0x5;
	v20 =	vld.idx.msk [tilespmem:v20+s26+$0x0], $0xffff  }
0x13d: {  	v21 =	vor.u32 v2, v19;
	_ =	sdelay $0x3  }
0x13e: {  	[tilespmem:s2+$0x4990] =	vst v20  }
0x13f: {  	v20 =	vld.idx.msk [tilespmem:v21+s26+$0x0], $0xffff  }
0x140: {  	v19 =	vor.u32 v3, v19;
	_ =	sdelay $0x2  }
0x141: {  	v54 =	vperm.xlane v18, v1  }
0x142: {  	[tilespmem:s2+$0x4A00] =	vst v20  }
0x143: {  	v20 =	vshll.u32 v54, $0x5;
	v19 =	vld.idx.msk [tilespmem:v19+s26+$0x0], $0xffff  }
0x144: {  	v21 =	vor.u32 v2, v20;
	_ =	sdelay $0x3  }
0x145: {  	[tilespmem:s2+$0x4A10] =	vst v19  }
0x146: {  	v19 =	vld.idx.msk [tilespmem:v21+s26+$0x0], $0xffff  }
0x147: {  	v20 =	vor.u32 v3, v20;
	_ =	sdelay $0x2  }
0x148: {  	v55 =	vperm.xlane v18, v8  }
0x149: {  	[tilespmem:s2+$0x4A80] =	vst v19  }
0x14a: {  	v19 =	vshll.u32 v55, $0x5;
	v20 =	vld.idx.msk [tilespmem:v20+s26+$0x0], $0xffff  }
0x14b: {  	v21 =	vor.u32 v2, v19;
	_ =	sdelay $0x3  }
0x14c: {  	[tilespmem:s2+$0x4A90] =	vst v20  }
0x14d: {  	v20 =	vld.idx.msk [tilespmem:v21+s26+$0x0], $0xffff  }
0x14e: {  	v19 =	vor.u32 v3, v19;
	_ =	sdelay $0x2  }
0x14f: {  	v56 =	vperm.xlane v18, v9  }
0x150: {  	[tilespmem:s2+$0x4B00] =	vst v20  }
0x151: {  	v20 =	vshll.u32 v56, $0x5;
	v19 =	vld.idx.msk [tilespmem:v19+s26+$0x0], $0xffff  }
0x152: {  	v21 =	vor.u32 v2, v20;
	_ =	sdelay $0x3  }
0x153: {  	[tilespmem:s2+$0x4B10] =	vst v19  }
0x154: {  	v19 =	vld.idx.msk [tilespmem:v21+s26+$0x0], $0xffff  }
0x155: {  	v20 =	vor.u32 v3, v20;
	_ =	sdelay $0x2  }
0x156: {  	v57 =	vperm.xlane v18, v10  }
0x157: {  	[tilespmem:s2+$0x4B80] =	vst v19  }
0x158: {  	v19 =	vshll.u32 v57, $0x5;
	v20 =	vld.idx.msk [tilespmem:v20+s26+$0x0], $0xffff  }
0x159: {  	v21 =	vor.u32 v2, v19;
	_ =	sdelay $0x3  }
0x15a: {  	[tilespmem:s2+$0x4B90] =	vst v20  }
0x15b: {  	v20 =	vld.idx.msk [tilespmem:v21+s26+$0x0], $0xffff  }
0x15c: {  	v19 =	vor.u32 v3, v19;
	_ =	sdelay $0x2  }
0x15d: {  	v58 =	vperm.xlane v18, v11  }
0x15e: {  	[tilespmem:s2+$0x4C00] =	vst v20  }
0x15f: {  	v20 =	vshll.u32 v58, $0x5;
	v19 =	vld.idx.msk [tilespmem:v19+s26+$0x0], $0xffff  }
0x160: {  	v21 =	vor.u32 v2, v20;
	_ =	sdelay $0x3  }
0x161: {  	[tilespmem:s2+$0x4C10] =	vst v19  }
0x162: {  	v19 =	vld.idx.msk [tilespmem:v21+s26+$0x0], $0xffff  }
0x163: {  	v20 =	vor.u32 v3, v20;
	_ =	sdelay $0x2  }
0x164: {  	v59 =	vperm.xlane v18, v12  }
0x165: {  	[tilespmem:s2+$0x4C80] =	vst v19  }
0x166: {  	v19 =	vshll.u32 v59, $0x5;
	v20 =	vld.idx.msk [tilespmem:v20+s26+$0x0], $0xffff  }
0x167: {  	v21 =	vor.u32 v2, v19;
	_ =	sdelay $0x3  }
0x168: {  	[tilespmem:s2+$0x4C90] =	vst v20  }
0x169: {  	v20 =	vld.idx.msk [tilespmem:v21+s26+$0x0], $0xffff  }
0x16a: {  	v19 =	vor.u32 v3, v19;
	_ =	sdelay $0x2  }
0x16b: {  	v60 =	vperm.xlane v18, v13  }
0x16c: {  	[tilespmem:s2+$0x4D00] =	vst v20  }
0x16d: {  	v20 =	vshll.u32 v60, $0x5;
	v19 =	vld.idx.msk [tilespmem:v19+s26+$0x0], $0xffff  }
0x16e: {  	v21 =	vor.u32 v2, v20;
	_ =	sdelay $0x3  }
0x16f: {  	[tilespmem:s2+$0x4D10] =	vst v19  }
0x170: {  	v19 =	vld.idx.msk [tilespmem:v21+s26+$0x0], $0xffff  }
0x171: {  	v20 =	vor.u32 v3, v20;
	_ =	sdelay $0x2  }
0x172: {  	v61 =	vperm.xlane v18, v14  }
0x173: {  	[tilespmem:s2+$0x4D80] =	vst v19  }
0x174: {  	v19 =	vshll.u32 v61, $0x5;
	v20 =	vld.idx.msk [tilespmem:v20+s26+$0x0], $0xffff  }
0x175: {  	v21 =	vor.u32 v2, v19;
	_ =	sdelay $0x3  }
0x176: {  	[tilespmem:s2+$0x4D90] =	vst v20  }
0x177: {  	v20 =	vld.idx.msk [tilespmem:v21+s26+$0x0], $0xffff  }
0x178: {  	v19 =	vor.u32 v3, v19;
	_ =	sdelay $0x2  }
0x179: {  	v62 =	vperm.xlane v18, v15  }
0x17a: {  	[tilespmem:s2+$0x4E00] =	vst v20  }
0x17b: {  	v20 =	vshll.u32 v62, $0x5;
	v19 =	vld.idx.msk [tilespmem:v19+s26+$0x0], $0xffff  }
0x17c: {  	v21 =	vor.u32 v2, v20;
	_ =	sdelay $0x3  }
0x17d: {  	[tilespmem:s2+$0x4E10] =	vst v19  }
0x17e: {  	v19 =	vld.idx.msk [tilespmem:v21+s26+$0x0], $0xffff  }
0x17f: {  	v20 =	vor.u32 v3, v20;
	_ =	sdelay $0x2  }
0x180: {  	v63 =	vperm.xlane v18, v16  }
0x181: {  	[tilespmem:s2+$0x4E80] =	vst v19  }
0x182: {  	v19 =	vshll.u32 v63, $0x5;
	v20 =	vld.idx.msk [tilespmem:v20+s26+$0x0], $0xffff  }
0x183: {  	v21 =	vor.u32 v2, v19;
	_ =	sdelay $0x3  }
0x184: {  	[tilespmem:s2+$0x4E90] =	vst v20  }
0x185: {  	v20 =	vld.idx.msk [tilespmem:v21+s26+$0x0], $0xffff  }
0x186: {  	v19 =	vor.u32 v3, v19;
	_ =	sdelay $0x2  }
0x187: {  	v18 =	vperm.xlane v18, v17  }
0x188: {  	[tilespmem:s2+$0x4F00] =	vst v20  }
0x189: {  	v18 =	vshll.u32 v18, $0x5;
	v19 =	vld.idx.msk [tilespmem:v19+s26+$0x0], $0xffff  }
0x18a: {  	v20 =	vor.u32 v2, v18;
	_ =	sdelay $0x3  }
0x18b: {  	[tilespmem:s2+$0x4F10] =	vst v19  }
0x18c: {  	v19 =	vld.idx.msk [tilespmem:v20+s26+$0x0], $0xffff  }
0x18d: {  	v18 =	vor.u32 v3, v18;
	_ =	sdelay $0x3  }
0x18e: {  	[tilespmem:s2+$0x4F80] =	vst v19  }
0x18f: {  	p1 =	por $0x1, $0x1;
	v18 =	vld.idx.msk [tilespmem:v18+s26+$0x0], $0xffff  }
.Ltmp1:
0x190: {  	_ = 	snop;
	(pc) =	sbr.rel @!p1 .LBB2_7-.Ltmp1, $4  }
0x191: {  	s28 =	simm.s32 $0x0;
	s25 =	simm.s32 $0x0;
	p0 =	por $0x0, $0x0  }
0x192: {  	p2 =	por $0x0, $0x0;
	s20 =	sand.u32 $0x7, s28;
	s21 =	sand.u32 $0x3FFFFF80, s25  }
0x193: {  	s24 =	simm.s32 $0x1;
	s16 =	sshll.u32 s20, $0x4;
	s29 =	smov.u32 s21  }
0x194: {  	s25 =	smov.u32 s20;
	s30 =	smov.u32 s16;
	[tilespmem:s2+$0x4F90] =	vst v18;
	s2 =	simm.s32 $0x0  }
0x195: {  	s2 =	sor.u32 s16, s21  }
0x196: {  	v18 =	vld [tilespmem:s2+$0x200];
	_ =	sdelay $0x4  }
0x197: {  	v18 =	vadd.s32 $0x2, v18  }
0x198: {  	v19 =	vperm.xlane v18, v0;
	_ =	sdelay $0x1  }
0x199: {  	v19 =	vshll.u32 v19, $0x5  }
0x19a: {  	v20 =	vor.u32 v2, v19;
	_ =	sdelay $0x4  }
0x19b: {  	v20 =	vld.idx.msk [tilespmem:v20+s26+$0x0], $0xffff  }
0x19c: {  	v19 =	vor.u32 v3, v19  }
0x19d: {  	s25 =	simm.s32 $0x0  }
0x19e: {  	s19 =	sshll.u32 s20, $0xB;
	s2 =	sand.u32 $0x3FFFC000, s25  }
0x19f: {  	s31 =	sor.u32 s19, s2;
	v21 =	vperm.xlane v18, v4  }
0x1a0: {  	[tilespmem:s31+$0x4820] =	vst v20  }
0x1a1: {  	v20 =	vshll.u32 v21, $0x5;
	v19 =	vld.idx.msk [tilespmem:v19+s26+$0x0], $0xffff  }
0x1a2: {  	v21 =	vor.u32 v2, v20;
	_ =	sdelay $0x3  }
0x1a3: {  	[tilespmem:s31+$0x4830] =	vst v19  }
0x1a4: {  	v19 =	vld.idx.msk [tilespmem:v21+s26+$0x0], $0xffff  }
0x1a5: {  	v20 =	vor.u32 v3, v20;
	_ =	sdelay $0x2  }
0x1a6: {  	v51 =	vperm.xlane v18, v5  }
0x1a7: {  	[tilespmem:s31+$0x48A0] =	vst v19  }
0x1a8: {  	v19 =	vshll.u32 v51, $0x5;
	v20 =	vld.idx.msk [tilespmem:v20+s26+$0x0], $0xffff  }
0x1a9: {  	v21 =	vor.u32 v2, v19;
	_ =	sdelay $0x3  }
0x1aa: {  	[tilespmem:s31+$0x48B0] =	vst v20  }
0x1ab: {  	v20 =	vld.idx.msk [tilespmem:v21+s26+$0x0], $0xffff  }
0x1ac: {  	v19 =	vor.u32 v3, v19;
	_ =	sdelay $0x2  }
0x1ad: {  	v52 =	vperm.xlane v18, v6  }
0x1ae: {  	[tilespmem:s31+$0x4920] =	vst v20  }
0x1af: {  	v20 =	vshll.u32 v52, $0x5;
	v19 =	vld.idx.msk [tilespmem:v19+s26+$0x0], $0xffff  }
0x1b0: {  	v21 =	vor.u32 v2, v20;
	_ =	sdelay $0x3  }
0x1b1: {  	[tilespmem:s31+$0x4930] =	vst v19  }
0x1b2: {  	v19 =	vld.idx.msk [tilespmem:v21+s26+$0x0], $0xffff  }
0x1b3: {  	v20 =	vor.u32 v3, v20;
	_ =	sdelay $0x2  }
0x1b4: {  	v53 =	vperm.xlane v18, v7  }
0x1b5: {  	[tilespmem:s31+$0x49A0] =	vst v19  }
0x1b6: {  	v19 =	vshll.u32 v53, $0x5;
	v20 =	vld.idx.msk [tilespmem:v20+s26+$0x0], $0xffff  }
0x1b7: {  	v21 =	vor.u32 v2, v19;
	_ =	sdelay $0x3  }
0x1b8: {  	[tilespmem:s31+$0x49B0] =	vst v20  }
0x1b9: {  	v20 =	vld.idx.msk [tilespmem:v21+s26+$0x0], $0xffff  }
0x1ba: {  	v19 =	vor.u32 v3, v19;
	_ =	sdelay $0x2  }
0x1bb: {  	v54 =	vperm.xlane v18, v1  }
0x1bc: {  	[tilespmem:s31+$0x4A20] =	vst v20  }
0x1bd: {  	v20 =	vshll.u32 v54, $0x5;
	v19 =	vld.idx.msk [tilespmem:v19+s26+$0x0], $0xffff  }
0x1be: {  	v21 =	vor.u32 v2, v20;
	_ =	sdelay $0x3  }
0x1bf: {  	[tilespmem:s31+$0x4A30] =	vst v19  }
0x1c0: {  	v19 =	vld.idx.msk [tilespmem:v21+s26+$0x0], $0xffff  }
0x1c1: {  	v20 =	vor.u32 v3, v20;
	_ =	sdelay $0x2  }
0x1c2: {  	v55 =	vperm.xlane v18, v8  }
0x1c3: {  	[tilespmem:s31+$0x4AA0] =	vst v19  }
0x1c4: {  	v19 =	vshll.u32 v55, $0x5;
	v20 =	vld.idx.msk [tilespmem:v20+s26+$0x0], $0xffff  }
0x1c5: {  	v21 =	vor.u32 v2, v19;
	_ =	sdelay $0x3  }
0x1c6: {  	[tilespmem:s31+$0x4AB0] =	vst v20  }
0x1c7: {  	v20 =	vld.idx.msk [tilespmem:v21+s26+$0x0], $0xffff  }
0x1c8: {  	v19 =	vor.u32 v3, v19;
	_ =	sdelay $0x2  }
0x1c9: {  	v56 =	vperm.xlane v18, v9  }
0x1ca: {  	[tilespmem:s31+$0x4B20] =	vst v20  }
0x1cb: {  	v20 =	vshll.u32 v56, $0x5;
	v19 =	vld.idx.msk [tilespmem:v19+s26+$0x0], $0xffff  }
0x1cc: {  	v21 =	vor.u32 v2, v20;
	_ =	sdelay $0x3  }
0x1cd: {  	[tilespmem:s31+$0x4B30] =	vst v19  }
0x1ce: {  	v19 =	vld.idx.msk [tilespmem:v21+s26+$0x0], $0xffff  }
0x1cf: {  	v20 =	vor.u32 v3, v20;
	_ =	sdelay $0x2  }
0x1d0: {  	v57 =	vperm.xlane v18, v10  }
0x1d1: {  	[tilespmem:s31+$0x4BA0] =	vst v19  }
0x1d2: {  	v19 =	vshll.u32 v57, $0x5;
	v20 =	vld.idx.msk [tilespmem:v20+s26+$0x0], $0xffff  }
0x1d3: {  	v21 =	vor.u32 v2, v19;
	_ =	sdelay $0x3  }
0x1d4: {  	[tilespmem:s31+$0x4BB0] =	vst v20  }
0x1d5: {  	v20 =	vld.idx.msk [tilespmem:v21+s26+$0x0], $0xffff  }
0x1d6: {  	v19 =	vor.u32 v3, v19;
	_ =	sdelay $0x2  }
0x1d7: {  	v58 =	vperm.xlane v18, v11  }
0x1d8: {  	[tilespmem:s31+$0x4C20] =	vst v20  }
0x1d9: {  	v20 =	vshll.u32 v58, $0x5;
	v19 =	vld.idx.msk [tilespmem:v19+s26+$0x0], $0xffff  }
0x1da: {  	v21 =	vor.u32 v2, v20;
	_ =	sdelay $0x3  }
0x1db: {  	[tilespmem:s31+$0x4C30] =	vst v19  }
0x1dc: {  	v19 =	vld.idx.msk [tilespmem:v21+s26+$0x0], $0xffff  }
0x1dd: {  	v20 =	vor.u32 v3, v20;
	_ =	sdelay $0x2  }
0x1de: {  	v59 =	vperm.xlane v18, v12  }
0x1df: {  	[tilespmem:s31+$0x4CA0] =	vst v19  }
0x1e0: {  	v19 =	vshll.u32 v59, $0x5;
	v20 =	vld.idx.msk [tilespmem:v20+s26+$0x0], $0xffff  }
0x1e1: {  	v21 =	vor.u32 v2, v19;
	_ =	sdelay $0x3  }
0x1e2: {  	[tilespmem:s31+$0x4CB0] =	vst v20  }
0x1e3: {  	v20 =	vld.idx.msk [tilespmem:v21+s26+$0x0], $0xffff  }
0x1e4: {  	v19 =	vor.u32 v3, v19;
	_ =	sdelay $0x2  }
0x1e5: {  	v60 =	vperm.xlane v18, v13  }
0x1e6: {  	[tilespmem:s31+$0x4D20] =	vst v20  }
0x1e7: {  	v20 =	vshll.u32 v60, $0x5;
	v19 =	vld.idx.msk [tilespmem:v19+s26+$0x0], $0xffff  }
0x1e8: {  	v21 =	vor.u32 v2, v20;
	_ =	sdelay $0x3  }
0x1e9: {  	[tilespmem:s31+$0x4D30] =	vst v19  }
0x1ea: {  	v19 =	vld.idx.msk [tilespmem:v21+s26+$0x0], $0xffff  }
0x1eb: {  	v20 =	vor.u32 v3, v20;
	_ =	sdelay $0x2  }
0x1ec: {  	v61 =	vperm.xlane v18, v14  }
0x1ed: {  	[tilespmem:s31+$0x4DA0] =	vst v19  }
0x1ee: {  	v19 =	vshll.u32 v61, $0x5;
	v20 =	vld.idx.msk [tilespmem:v20+s26+$0x0], $0xffff  }
0x1ef: {  	v21 =	vor.u32 v2, v19;
	_ =	sdelay $0x3  }
0x1f0: {  	[tilespmem:s31+$0x4DB0] =	vst v20  }
0x1f1: {  	v20 =	vld.idx.msk [tilespmem:v21+s26+$0x0], $0xffff  }
0x1f2: {  	v19 =	vor.u32 v3, v19;
	_ =	sdelay $0x2  }
0x1f3: {  	v62 =	vperm.xlane v18, v15  }
0x1f4: {  	[tilespmem:s31+$0x4E20] =	vst v20  }
0x1f5: {  	v20 =	vshll.u32 v62, $0x5;
	v19 =	vld.idx.msk [tilespmem:v19+s26+$0x0], $0xffff  }
0x1f6: {  	v21 =	vor.u32 v2, v20;
	_ =	sdelay $0x3  }
0x1f7: {  	[tilespmem:s31+$0x4E30] =	vst v19  }
0x1f8: {  	v19 =	vld.idx.msk [tilespmem:v21+s26+$0x0], $0xffff  }
0x1f9: {  	v20 =	vor.u32 v3, v20;
	_ =	sdelay $0x2  }
0x1fa: {  	v63 =	vperm.xlane v18, v16  }
0x1fb: {  	[tilespmem:s31+$0x4EA0] =	vst v19  }
0x1fc: {  	v19 =	vshll.u32 v63, $0x5;
	v20 =	vld.idx.msk [tilespmem:v20+s26+$0x0], $0xffff  }
0x1fd: {  	v21 =	vor.u32 v2, v19;
	_ =	sdelay $0x3  }
0x1fe: {  	[tilespmem:s31+$0x4EB0] =	vst v20  }
0x1ff: {  	v20 =	vld.idx.msk [tilespmem:v21+s26+$0x0], $0xffff  }
0x200: {  	v19 =	vor.u32 v3, v19;
	_ =	sdelay $0x2  }
0x201: {  	v18 =	vperm.xlane v18, v17  }
0x202: {  	[tilespmem:s31+$0x4F20] =	vst v20  }
0x203: {  	v18 =	vshll.u32 v18, $0x5;
	v19 =	vld.idx.msk [tilespmem:v19+s26+$0x0], $0xffff  }
0x204: {  	v20 =	vor.u32 v2, v18;
	_ =	sdelay $0x3  }
0x205: {  	[tilespmem:s31+$0x4F30] =	vst v19  }
0x206: {  	v19 =	vld.idx.msk [tilespmem:v20+s26+$0x0], $0xffff  }
0x207: {  	v18 =	vor.u32 v3, v18;
	_ =	sdelay $0x1  }
0x208: {  	p3 =	por $0x1, $0x1  }
.Ltmp2:
0x209: {  	_ = 	snop;
	(pc) =	sbr.rel @!p3 .LBB2_5-.Ltmp2, $4  }
0x20a: {  	[tilespmem:s31+$0x4FA0] =	vst v19  }
0x20b: {  	p2 =	por $0x1, $0x1;
	v18 =	vld.idx.msk [tilespmem:v18+s26+$0x0], $0xffff  }
0x20c: {  	s25 =	sand.u32 $0x7, s24;
	s2 =	simm.s32 $0x10;
	s19 =	simm.s32 $0x2  }
0x20d: {  	s30 =	sshll.u32 s25, $0x4;
	s29 =	sand.u32 $0x3FFFFF80, s2;
	s2 =	simm.s32 $0x1  }
.LBB2_6:
0x20e: {  	p3 =	sne.s32 s19, $0x1F  }
0x20f: {  	s29 =	sor.u32 s30, s29;
	s30 =	smov.u32 s19;
	s19 =	sadd.s32 $0x1, s19  }
0x210: {  	[tilespmem:s31+$0x4FB0] =	vst v18  }
0x211: {  	v18 =	vld [tilespmem:s29+$0x200];
	_ =	sdelay $0x4  }
0x212: {  	v18 =	vadd.s32 $0x2, v18  }
0x213: {  	v19 =	vperm.xlane v18, v0;
	v20 =	vperm.xlane v18, v4  }
0x214: {  	v21 =	vperm.xlane v18, v5;
	v22 =	vperm.xlane v18, v6  }
0x215: {  	v19 =	vshll.u32 v19, $0x5;
	v28 =	vshll.u32 v20, $0x5;
	v20 =	vperm.xlane v18, v7  }
0x216: {  	v29 =	vshll.u32 v21, $0x5;
	v30 =	vshll.u32 v22, $0x5;
	v23 =	vor.u32 v2, v19  }
0x217: {  	v21 =	vperm.xlane v18, v8;
	v31 =	vshll.u32 v20, $0x5;
	v20 =	vperm.xlane v18, v1  }
0x218: {  	v24 =	vperm.xlane v18, v10;
	v22 =	vperm.xlane v18, v9  }
0x219: {  	v27 =	vshll.u32 v21, $0x5;
	v32 =	vshll.u32 v20, $0x5;
	v20 =	vperm.xlane v18, v11  }
0x21a: {  	v25 =	vshll.u32 v24, $0x5;
	v26 =	vshll.u32 v22, $0x5;
	v21 =	vperm.xlane v18, v12  }
0x21b: {  	v34 =	vperm.xlane v18, v14;
	v33 =	vld.idx.msk [tilespmem:v23+s26+$0x0], $0xffff;
	v24 =	vshll.u32 v20, $0x5;
	v20 =	vperm.xlane v18, v13  }
0x21c: {  	v35 =	vor.u32 v3, v19;
	v19 =	vperm.xlane v18, v15;
	v23 =	vshll.u32 v21, $0x5  }
0x21d: {  	s29 =	sshll.u32 s2, $0xB;
	s2 =	smov.u32 s30;
	v21 =	vshll.u32 v34, $0x5;
	v34 =	vperm.xlane v18, v16;
	v22 =	vshll.u32 v20, $0x5  }
0x21e: {  	s25 =	sshll.u32 s25, $0xB;
	s29 =	sand.u32 $0x3FFFC000, s29;
	v18 =	vperm.xlane v18, v17;
	v20 =	vshll.u32 v19, $0x5  }
0x21f: {  	s31 =	sor.u32 s25, s29;
	v19 =	vshll.u32 v34, $0x5  }
0x220: {  	v18 =	vshll.u32 v18, $0x5  }
0x221: {  	[tilespmem:s31+$0x4820] =	vst v33  }
0x222: {  	v33 =	vld.idx.msk [tilespmem:v35+s26+$0x0], $0xffff  }
0x223: {  	v34 =	vor.u32 v2, v28;
	_ =	sdelay $0x4  }
0x224: {  	[tilespmem:s31+$0x4830] =	vst v33  }
0x225: {  	v33 =	vld.idx.msk [tilespmem:v34+s26+$0x0], $0xffff  }
0x226: {  	v28 =	vor.u32 v3, v28;
	_ =	sdelay $0x4  }
0x227: {  	[tilespmem:s31+$0x48A0] =	vst v33  }
0x228: {  	v28 =	vld.idx.msk [tilespmem:v28+s26+$0x0], $0xffff  }
0x229: {  	v33 =	vor.u32 v2, v29;
	_ =	sdelay $0x4  }
0x22a: {  	[tilespmem:s31+$0x48B0] =	vst v28  }
0x22b: {  	v28 =	vld.idx.msk [tilespmem:v33+s26+$0x0], $0xffff  }
0x22c: {  	v29 =	vor.u32 v3, v29;
	_ =	sdelay $0x4  }
0x22d: {  	[tilespmem:s31+$0x4920] =	vst v28  }
0x22e: {  	v28 =	vld.idx.msk [tilespmem:v29+s26+$0x0], $0xffff  }
0x22f: {  	v29 =	vor.u32 v2, v30;
	_ =	sdelay $0x4  }
0x230: {  	[tilespmem:s31+$0x4930] =	vst v28  }
0x231: {  	v28 =	vld.idx.msk [tilespmem:v29+s26+$0x0], $0xffff  }
0x232: {  	v29 =	vor.u32 v3, v30;
	_ =	sdelay $0x4  }
0x233: {  	[tilespmem:s31+$0x49A0] =	vst v28  }
0x234: {  	v28 =	vld.idx.msk [tilespmem:v29+s26+$0x0], $0xffff  }
0x235: {  	v29 =	vor.u32 v2, v31;
	_ =	sdelay $0x4  }
0x236: {  	[tilespmem:s31+$0x49B0] =	vst v28  }
0x237: {  	v28 =	vld.idx.msk [tilespmem:v29+s26+$0x0], $0xffff  }
0x238: {  	v29 =	vor.u32 v3, v31;
	_ =	sdelay $0x4  }
0x239: {  	[tilespmem:s31+$0x4A20] =	vst v28  }
0x23a: {  	v28 =	vld.idx.msk [tilespmem:v29+s26+$0x0], $0xffff  }
0x23b: {  	v29 =	vor.u32 v2, v32;
	_ =	sdelay $0x4  }
0x23c: {  	[tilespmem:s31+$0x4A30] =	vst v28  }
0x23d: {  	v28 =	vld.idx.msk [tilespmem:v29+s26+$0x0], $0xffff  }
0x23e: {  	v29 =	vor.u32 v3, v32;
	_ =	sdelay $0x4  }
0x23f: {  	[tilespmem:s31+$0x4AA0] =	vst v28  }
0x240: {  	v28 =	vld.idx.msk [tilespmem:v29+s26+$0x0], $0xffff  }
0x241: {  	v29 =	vor.u32 v2, v27;
	_ =	sdelay $0x4  }
0x242: {  	[tilespmem:s31+$0x4AB0] =	vst v28  }
0x243: {  	v28 =	vld.idx.msk [tilespmem:v29+s26+$0x0], $0xffff  }
0x244: {  	v27 =	vor.u32 v3, v27;
	_ =	sdelay $0x4  }
0x245: {  	[tilespmem:s31+$0x4B20] =	vst v28  }
0x246: {  	v27 =	vld.idx.msk [tilespmem:v27+s26+$0x0], $0xffff  }
0x247: {  	v28 =	vor.u32 v2, v26;
	_ =	sdelay $0x4  }
0x248: {  	[tilespmem:s31+$0x4B30] =	vst v27  }
0x249: {  	v27 =	vld.idx.msk [tilespmem:v28+s26+$0x0], $0xffff  }
0x24a: {  	v26 =	vor.u32 v3, v26;
	_ =	sdelay $0x4  }
0x24b: {  	[tilespmem:s31+$0x4BA0] =	vst v27  }
0x24c: {  	v26 =	vld.idx.msk [tilespmem:v26+s26+$0x0], $0xffff  }
0x24d: {  	v27 =	vor.u32 v2, v25;
	_ =	sdelay $0x4  }
0x24e: {  	[tilespmem:s31+$0x4BB0] =	vst v26  }
0x24f: {  	v26 =	vld.idx.msk [tilespmem:v27+s26+$0x0], $0xffff  }
0x250: {  	v25 =	vor.u32 v3, v25;
	_ =	sdelay $0x4  }
0x251: {  	[tilespmem:s31+$0x4C20] =	vst v26  }
0x252: {  	v25 =	vld.idx.msk [tilespmem:v25+s26+$0x0], $0xffff  }
0x253: {  	v26 =	vor.u32 v2, v24;
	_ =	sdelay $0x4  }
0x254: {  	[tilespmem:s31+$0x4C30] =	vst v25  }
0x255: {  	v25 =	vld.idx.msk [tilespmem:v26+s26+$0x0], $0xffff  }
0x256: {  	v24 =	vor.u32 v3, v24;
	_ =	sdelay $0x4  }
0x257: {  	[tilespmem:s31+$0x4CA0] =	vst v25  }
0x258: {  	v24 =	vld.idx.msk [tilespmem:v24+s26+$0x0], $0xffff  }
0x259: {  	v25 =	vor.u32 v2, v23;
	_ =	sdelay $0x4  }
0x25a: {  	[tilespmem:s31+$0x4CB0] =	vst v24  }
0x25b: {  	v24 =	vld.idx.msk [tilespmem:v25+s26+$0x0], $0xffff  }
0x25c: {  	v23 =	vor.u32 v3, v23;
	_ =	sdelay $0x4  }
0x25d: {  	[tilespmem:s31+$0x4D20] =	vst v24  }
0x25e: {  	v23 =	vld.idx.msk [tilespmem:v23+s26+$0x0], $0xffff  }
0x25f: {  	v24 =	vor.u32 v2, v22;
	_ =	sdelay $0x4  }
0x260: {  	[tilespmem:s31+$0x4D30] =	vst v23  }
0x261: {  	v23 =	vld.idx.msk [tilespmem:v24+s26+$0x0], $0xffff  }
0x262: {  	v22 =	vor.u32 v3, v22;
	_ =	sdelay $0x4  }
0x263: {  	[tilespmem:s31+$0x4DA0] =	vst v23  }
0x264: {  	v22 =	vld.idx.msk [tilespmem:v22+s26+$0x0], $0xffff  }
0x265: {  	v23 =	vor.u32 v2, v21;
	_ =	sdelay $0x4  }
0x266: {  	[tilespmem:s31+$0x4DB0] =	vst v22  }
0x267: {  	v22 =	vld.idx.msk [tilespmem:v23+s26+$0x0], $0xffff  }
0x268: {  	v21 =	vor.u32 v3, v21;
	_ =	sdelay $0x4  }
0x269: {  	[tilespmem:s31+$0x4E20] =	vst v22  }
0x26a: {  	v21 =	vld.idx.msk [tilespmem:v21+s26+$0x0], $0xffff  }
0x26b: {  	v22 =	vor.u32 v2, v20;
	_ =	sdelay $0x4  }
0x26c: {  	[tilespmem:s31+$0x4E30] =	vst v21  }
0x26d: {  	v21 =	vld.idx.msk [tilespmem:v22+s26+$0x0], $0xffff  }
0x26e: {  	v20 =	vor.u32 v3, v20;
	_ =	sdelay $0x4  }
0x26f: {  	[tilespmem:s31+$0x4EA0] =	vst v21  }
0x270: {  	v20 =	vld.idx.msk [tilespmem:v20+s26+$0x0], $0xffff  }
0x271: {  	v21 =	vor.u32 v2, v19;
	_ =	sdelay $0x4  }
0x272: {  	[tilespmem:s31+$0x4EB0] =	vst v20  }
0x273: {  	v20 =	vld.idx.msk [tilespmem:v21+s26+$0x0], $0xffff  }
0x274: {  	v19 =	vor.u32 v3, v19;
	_ =	sdelay $0x4  }
0x275: {  	[tilespmem:s31+$0x4F20] =	vst v20  }
0x276: {  	v19 =	vld.idx.msk [tilespmem:v19+s26+$0x0], $0xffff  }
0x277: {  	v20 =	vor.u32 v2, v18;
	_ =	sdelay $0x4  }
0x278: {  	[tilespmem:s31+$0x4F30] =	vst v19  }
0x279: {  	v19 =	vld.idx.msk [tilespmem:v20+s26+$0x0], $0xffff  }
0x27a: {  	v18 =	vor.u32 v3, v18;
	_ =	sdelay $0x4  }
0x27b: {  	[tilespmem:s31+$0x4FA0] =	vst v19  }
.Ltmp3:
0x27c: {  	v18 =	vld.idx.msk [tilespmem:v18+s26+$0x0], $0xffff;
	(pc) =	sbr.rel @p3 .LBB2_6-.Ltmp3, $3  }
0x27d: {  	_ =	sdelay $0x1  }
0x27e: {  	s25 =	sand.u32 $0x7, s2;
	s29 =	sshll.u32 s2, $0x4  }
0x27f: {  	s29 =	sand.u32 $0x3FFFFF80, s29;
	s30 =	sshll.u32 s25, $0x4  }
.LBB2_7:
0x280: {  	s19 =	sor.u32 s30, s29;
	[tilespmem:s31+$0x4FB0] =	vst @p2 v18  }
0x281: {  	v18 =	vld [tilespmem:s19+$0x200];
	_ =	sdelay $0x4  }
0x282: {  	v18 =	vadd.s32 $0x2, v18  }
0x283: {  	v19 =	vperm.xlane v18, v0;
	_ =	sdelay $0x1  }
0x284: {  	v19 =	vshll.u32 v19, $0x5  }
0x285: {  	v20 =	vor.u32 v2, v19;
	_ =	sdelay $0x4  }
0x286: {  	v20 =	vld.idx.msk [tilespmem:v20+s26+$0x0], $0xffff  }
0x287: {  	v19 =	vor.u32 v3, v19  }
0x288: {  	s2 =	sshll.u32 s2, $0xB  }
0x289: {  	s31 =	sshll.u32 s25, $0xB;
	s2 =	sand.u32 $0x3FFFC000, s2  }
0x28a: {  	s2 =	sor.u32 s31, s2;
	v21 =	vperm.xlane v18, v4  }
0x28b: {  	[tilespmem:s2+$0x4820] =	vst v20  }
0x28c: {  	v43 =	vshll.u32 v21, $0x5;
	v19 =	vld.idx.msk [tilespmem:v19+s26+$0x0], $0xffff  }
0x28d: {  	v21 =	vor.u32 v2, v43;
	_ =	sdelay $0x3  }
0x28e: {  	[tilespmem:s2+$0x4830] =	vst v19  }
0x28f: {  	v19 =	vld.idx.msk [tilespmem:v21+s26+$0x0], $0xffff  }
0x290: {  	v20 =	vor.u32 v3, v43;
	_ =	sdelay $0x2  }
0x291: {  	v44 =	vperm.xlane v18, v5  }
0x292: {  	[tilespmem:s2+$0x48A0] =	vst v19  }
0x293: {  	v19 =	vshll.u32 v44, $0x5;
	v20 =	vld.idx.msk [tilespmem:v20+s26+$0x0], $0xffff  }
0x294: {  	v21 =	vor.u32 v2, v19;
	_ =	sdelay $0x3  }
0x295: {  	[tilespmem:s2+$0x48B0] =	vst v20  }
0x296: {  	v20 =	vld.idx.msk [tilespmem:v21+s26+$0x0], $0xffff  }
0x297: {  	v19 =	vor.u32 v3, v19;
	_ =	sdelay $0x2  }
0x298: {  	v45 =	vperm.xlane v18, v6  }
0x299: {  	[tilespmem:s2+$0x4920] =	vst v20  }
0x29a: {  	v46 =	vshll.u32 v45, $0x5;
	v19 =	vld.idx.msk [tilespmem:v19+s26+$0x0], $0xffff  }
0x29b: {  	v21 =	vor.u32 v2, v46;
	_ =	sdelay $0x3  }
0x29c: {  	[tilespmem:s2+$0x4930] =	vst v19  }
0x29d: {  	v19 =	vld.idx.msk [tilespmem:v21+s26+$0x0], $0xffff  }
0x29e: {  	v20 =	vor.u32 v3, v46;
	_ =	sdelay $0x2  }
0x29f: {  	v47 =	vperm.xlane v18, v7  }
0x2a0: {  	[tilespmem:s2+$0x49A0] =	vst v19  }
0x2a1: {  	v19 =	vshll.u32 v47, $0x5;
	v20 =	vld.idx.msk [tilespmem:v20+s26+$0x0], $0xffff  }
0x2a2: {  	v21 =	vor.u32 v2, v19;
	_ =	sdelay $0x3  }
0x2a3: {  	[tilespmem:s2+$0x49B0] =	vst v20  }
0x2a4: {  	v20 =	vld.idx.msk [tilespmem:v21+s26+$0x0], $0xffff  }
0x2a5: {  	v19 =	vor.u32 v3, v19;
	_ =	sdelay $0x2  }
0x2a6: {  	v48 =	vperm.xlane v18, v1  }
0x2a7: {  	[tilespmem:s2+$0x4A20] =	vst v20  }
0x2a8: {  	v49 =	vshll.u32 v48, $0x5;
	v19 =	vld.idx.msk [tilespmem:v19+s26+$0x0], $0xffff  }
0x2a9: {  	v21 =	vor.u32 v2, v49;
	_ =	sdelay $0x3  }
0x2aa: {  	[tilespmem:s2+$0x4A30] =	vst v19  }
0x2ab: {  	v19 =	vld.idx.msk [tilespmem:v21+s26+$0x0], $0xffff  }
0x2ac: {  	v20 =	vor.u32 v3, v49;
	_ =	sdelay $0x2  }
0x2ad: {  	v50 =	vperm.xlane v18, v8  }
0x2ae: {  	[tilespmem:s2+$0x4AA0] =	vst v19  }
0x2af: {  	v19 =	vshll.u32 v50, $0x5;
	v20 =	vld.idx.msk [tilespmem:v20+s26+$0x0], $0xffff  }
0x2b0: {  	v21 =	vor.u32 v2, v19;
	_ =	sdelay $0x3  }
0x2b1: {  	[tilespmem:s2+$0x4AB0] =	vst v20  }
0x2b2: {  	v20 =	vld.idx.msk [tilespmem:v21+s26+$0x0], $0xffff  }
0x2b3: {  	v19 =	vor.u32 v3, v19;
	_ =	sdelay $0x2  }
0x2b4: {  	v51 =	vperm.xlane v18, v9  }
0x2b5: {  	[tilespmem:s2+$0x4B20] =	vst v20  }
0x2b6: {  	v52 =	vshll.u32 v51, $0x5;
	v19 =	vld.idx.msk [tilespmem:v19+s26+$0x0], $0xffff  }
0x2b7: {  	v21 =	vor.u32 v2, v52;
	_ =	sdelay $0x3  }
0x2b8: {  	[tilespmem:s2+$0x4B30] =	vst v19  }
0x2b9: {  	v19 =	vld.idx.msk [tilespmem:v21+s26+$0x0], $0xffff  }
0x2ba: {  	v20 =	vor.u32 v3, v52;
	_ =	sdelay $0x2  }
0x2bb: {  	v53 =	vperm.xlane v18, v10  }
0x2bc: {  	[tilespmem:s2+$0x4BA0] =	vst v19  }
0x2bd: {  	v19 =	vshll.u32 v53, $0x5;
	v20 =	vld.idx.msk [tilespmem:v20+s26+$0x0], $0xffff  }
0x2be: {  	v21 =	vor.u32 v2, v19;
	_ =	sdelay $0x3  }
0x2bf: {  	[tilespmem:s2+$0x4BB0] =	vst v20  }
0x2c0: {  	v20 =	vld.idx.msk [tilespmem:v21+s26+$0x0], $0xffff  }
0x2c1: {  	v19 =	vor.u32 v3, v19;
	_ =	sdelay $0x2  }
0x2c2: {  	v54 =	vperm.xlane v18, v11  }
0x2c3: {  	[tilespmem:s2+$0x4C20] =	vst v20  }
0x2c4: {  	v55 =	vshll.u32 v54, $0x5;
	v19 =	vld.idx.msk [tilespmem:v19+s26+$0x0], $0xffff  }
0x2c5: {  	v21 =	vor.u32 v2, v55;
	_ =	sdelay $0x3  }
0x2c6: {  	[tilespmem:s2+$0x4C30] =	vst v19  }
0x2c7: {  	v19 =	vld.idx.msk [tilespmem:v21+s26+$0x0], $0xffff  }
0x2c8: {  	v20 =	vor.u32 v3, v55;
	_ =	sdelay $0x2  }
0x2c9: {  	v56 =	vperm.xlane v18, v12  }
0x2ca: {  	[tilespmem:s2+$0x4CA0] =	vst v19  }
0x2cb: {  	v19 =	vshll.u32 v56, $0x5;
	v20 =	vld.idx.msk [tilespmem:v20+s26+$0x0], $0xffff  }
0x2cc: {  	v21 =	vor.u32 v2, v19;
	_ =	sdelay $0x3  }
0x2cd: {  	[tilespmem:s2+$0x4CB0] =	vst v20  }
0x2ce: {  	v20 =	vld.idx.msk [tilespmem:v21+s26+$0x0], $0xffff  }
0x2cf: {  	v19 =	vor.u32 v3, v19;
	_ =	sdelay $0x2  }
0x2d0: {  	v57 =	vperm.xlane v18, v13  }
0x2d1: {  	[tilespmem:s2+$0x4D20] =	vst v20  }
0x2d2: {  	v58 =	vshll.u32 v57, $0x5;
	v19 =	vld.idx.msk [tilespmem:v19+s26+$0x0], $0xffff  }
0x2d3: {  	v21 =	vor.u32 v2, v58;
	_ =	sdelay $0x3  }
0x2d4: {  	[tilespmem:s2+$0x4D30] =	vst v19  }
0x2d5: {  	v19 =	vld.idx.msk [tilespmem:v21+s26+$0x0], $0xffff  }
0x2d6: {  	v20 =	vor.u32 v3, v58;
	_ =	sdelay $0x2  }
0x2d7: {  	v59 =	vperm.xlane v18, v14  }
0x2d8: {  	[tilespmem:s2+$0x4DA0] =	vst v19  }
0x2d9: {  	v19 =	vshll.u32 v59, $0x5;
	v20 =	vld.idx.msk [tilespmem:v20+s26+$0x0], $0xffff  }
0x2da: {  	v21 =	vor.u32 v2, v19;
	_ =	sdelay $0x3  }
0x2db: {  	[tilespmem:s2+$0x4DB0] =	vst v20  }
0x2dc: {  	v20 =	vld.idx.msk [tilespmem:v21+s26+$0x0], $0xffff  }
0x2dd: {  	v19 =	vor.u32 v3, v19;
	_ =	sdelay $0x2  }
0x2de: {  	v60 =	vperm.xlane v18, v15  }
0x2df: {  	[tilespmem:s2+$0x4E20] =	vst v20  }
0x2e0: {  	v61 =	vshll.u32 v60, $0x5;
	v19 =	vld.idx.msk [tilespmem:v19+s26+$0x0], $0xffff  }
0x2e1: {  	v21 =	vor.u32 v2, v61;
	_ =	sdelay $0x3  }
0x2e2: {  	[tilespmem:s2+$0x4E30] =	vst v19  }
0x2e3: {  	v19 =	vld.idx.msk [tilespmem:v21+s26+$0x0], $0xffff  }
0x2e4: {  	v20 =	vor.u32 v3, v61;
	_ =	sdelay $0x2  }
0x2e5: {  	v62 =	vperm.xlane v18, v16  }
0x2e6: {  	[tilespmem:s2+$0x4EA0] =	vst v19  }
0x2e7: {  	v19 =	vshll.u32 v62, $0x5;
	v20 =	vld.idx.msk [tilespmem:v20+s26+$0x0], $0xffff  }
0x2e8: {  	v21 =	vor.u32 v2, v19;
	_ =	sdelay $0x3  }
0x2e9: {  	[tilespmem:s2+$0x4EB0] =	vst v20  }
0x2ea: {  	v20 =	vld.idx.msk [tilespmem:v21+s26+$0x0], $0xffff  }
0x2eb: {  	v19 =	vor.u32 v3, v19;
	_ =	sdelay $0x2  }
0x2ec: {  	v18 =	vperm.xlane v18, v17  }
0x2ed: {  	[tilespmem:s2+$0x4F20] =	vst v20  }
0x2ee: {  	v18 =	vshll.u32 v18, $0x5;
	v19 =	vld.idx.msk [tilespmem:v19+s26+$0x0], $0xffff  }
0x2ef: {  	v63 =	vor.u32 v2, v18;
	_ =	sdelay $0x3  }
0x2f0: {  	[tilespmem:s2+$0x4F30] =	vst v19  }
0x2f1: {  	v19 =	vld.idx.msk [tilespmem:v63+s26+$0x0], $0xffff  }
0x2f2: {  	v18 =	vor.u32 v3, v18;
	_ =	sdelay $0x3  }
0x2f3: {  	[tilespmem:s2+$0x4FA0] =	vst v19  }
0x2f4: {  	v18 =	vld.idx.msk [tilespmem:v18+s26+$0x0], $0xffff  }
.Ltmp4:
0x2f5: {  	_ = 	snop;
	(pc) =	sbr.rel @!p1 .LBB2_8-.Ltmp4, $2  }
0x2f6: {  	_ =	sdelay $0x2  }
0x2f7: {  	[tilespmem:s2+$0x4FB0] =	vst v18  }
0x2f8: {  	s2 =	sor.u32 s16, s21  }
0x2f9: {  	v18 =	vld [tilespmem:s2+$0x400];
	_ =	sdelay $0x4  }
0x2fa: {  	v18 =	vadd.s32 $0x9, v18  }
0x2fb: {  	v19 =	vperm.xlane v18, v0;
	_ =	sdelay $0x1  }
0x2fc: {  	v19 =	vshll.u32 v19, $0x5  }
0x2fd: {  	v20 =	vor.u32 v2, v19;
	_ =	sdelay $0x4  }
0x2fe: {  	v20 =	vld.idx.msk [tilespmem:v20+s26+$0x0], $0xffff  }
0x2ff: {  	v19 =	vor.u32 v3, v19  }
0x300: {  	s28 =	simm.s32 $0x0  }
0x301: {  	s29 =	sshll.u32 s20, $0xB;
	s2 =	sand.u32 $0x3FFFC000, s28  }
0x302: {  	s31 =	sor.u32 s29, s2;
	v21 =	vperm.xlane v18, v4  }
0x303: {  	[tilespmem:s31+$0x4840] =	vst v20  }
0x304: {  	v20 =	vshll.u32 v21, $0x5;
	v19 =	vld.idx.msk [tilespmem:v19+s26+$0x0], $0xffff  }
0x305: {  	v21 =	vor.u32 v2, v20;
	_ =	sdelay $0x3  }
0x306: {  	[tilespmem:s31+$0x4850] =	vst v19  }
0x307: {  	v19 =	vld.idx.msk [tilespmem:v21+s26+$0x0], $0xffff  }
0x308: {  	v20 =	vor.u32 v3, v20;
	_ =	sdelay $0x2  }
0x309: {  	v51 =	vperm.xlane v18, v5  }
0x30a: {  	[tilespmem:s31+$0x48C0] =	vst v19  }
0x30b: {  	v19 =	vshll.u32 v51, $0x5;
	v20 =	vld.idx.msk [tilespmem:v20+s26+$0x0], $0xffff  }
0x30c: {  	v21 =	vor.u32 v2, v19;
	_ =	sdelay $0x3  }
0x30d: {  	[tilespmem:s31+$0x48D0] =	vst v20  }
0x30e: {  	v20 =	vld.idx.msk [tilespmem:v21+s26+$0x0], $0xffff  }
0x30f: {  	v19 =	vor.u32 v3, v19;
	_ =	sdelay $0x2  }
0x310: {  	v52 =	vperm.xlane v18, v6  }
0x311: {  	[tilespmem:s31+$0x4940] =	vst v20  }
0x312: {  	v20 =	vshll.u32 v52, $0x5;
	v19 =	vld.idx.msk [tilespmem:v19+s26+$0x0], $0xffff  }
0x313: {  	v21 =	vor.u32 v2, v20;
	_ =	sdelay $0x3  }
0x314: {  	[tilespmem:s31+$0x4950] =	vst v19  }
0x315: {  	v19 =	vld.idx.msk [tilespmem:v21+s26+$0x0], $0xffff  }
0x316: {  	v20 =	vor.u32 v3, v20;
	_ =	sdelay $0x2  }
0x317: {  	v53 =	vperm.xlane v18, v7  }
0x318: {  	[tilespmem:s31+$0x49C0] =	vst v19  }
0x319: {  	v19 =	vshll.u32 v53, $0x5;
	v20 =	vld.idx.msk [tilespmem:v20+s26+$0x0], $0xffff  }
0x31a: {  	v21 =	vor.u32 v2, v19;
	_ =	sdelay $0x3  }
0x31b: {  	[tilespmem:s31+$0x49D0] =	vst v20  }
0x31c: {  	v20 =	vld.idx.msk [tilespmem:v21+s26+$0x0], $0xffff  }
0x31d: {  	v19 =	vor.u32 v3, v19;
	_ =	sdelay $0x2  }
0x31e: {  	v54 =	vperm.xlane v18, v1  }
0x31f: {  	[tilespmem:s31+$0x4A40] =	vst v20  }
0x320: {  	v20 =	vshll.u32 v54, $0x5;
	v19 =	vld.idx.msk [tilespmem:v19+s26+$0x0], $0xffff  }
0x321: {  	v21 =	vor.u32 v2, v20;
	_ =	sdelay $0x3  }
0x322: {  	[tilespmem:s31+$0x4A50] =	vst v19  }
0x323: {  	v19 =	vld.idx.msk [tilespmem:v21+s26+$0x0], $0xffff  }
0x324: {  	v20 =	vor.u32 v3, v20;
	_ =	sdelay $0x2  }
0x325: {  	v55 =	vperm.xlane v18, v8  }
0x326: {  	[tilespmem:s31+$0x4AC0] =	vst v19  }
0x327: {  	v19 =	vshll.u32 v55, $0x5;
	v20 =	vld.idx.msk [tilespmem:v20+s26+$0x0], $0xffff  }
0x328: {  	v21 =	vor.u32 v2, v19;
	_ =	sdelay $0x3  }
0x329: {  	[tilespmem:s31+$0x4AD0] =	vst v20  }
0x32a: {  	v20 =	vld.idx.msk [tilespmem:v21+s26+$0x0], $0xffff  }
0x32b: {  	v19 =	vor.u32 v3, v19;
	_ =	sdelay $0x2  }
0x32c: {  	v56 =	vperm.xlane v18, v9  }
0x32d: {  	[tilespmem:s31+$0x4B40] =	vst v20  }
0x32e: {  	v20 =	vshll.u32 v56, $0x5;
	v19 =	vld.idx.msk [tilespmem:v19+s26+$0x0], $0xffff  }
0x32f: {  	v21 =	vor.u32 v2, v20;
	_ =	sdelay $0x3  }
0x330: {  	[tilespmem:s31+$0x4B50] =	vst v19  }
0x331: {  	v19 =	vld.idx.msk [tilespmem:v21+s26+$0x0], $0xffff  }
0x332: {  	v20 =	vor.u32 v3, v20;
	_ =	sdelay $0x2  }
0x333: {  	v57 =	vperm.xlane v18, v10  }
0x334: {  	[tilespmem:s31+$0x4BC0] =	vst v19  }
0x335: {  	v19 =	vshll.u32 v57, $0x5;
	v20 =	vld.idx.msk [tilespmem:v20+s26+$0x0], $0xffff  }
0x336: {  	v21 =	vor.u32 v2, v19;
	_ =	sdelay $0x3  }
0x337: {  	[tilespmem:s31+$0x4BD0] =	vst v20  }
0x338: {  	v20 =	vld.idx.msk [tilespmem:v21+s26+$0x0], $0xffff  }
0x339: {  	v19 =	vor.u32 v3, v19;
	_ =	sdelay $0x2  }
0x33a: {  	v58 =	vperm.xlane v18, v11  }
0x33b: {  	[tilespmem:s31+$0x4C40] =	vst v20  }
0x33c: {  	v20 =	vshll.u32 v58, $0x5;
	v19 =	vld.idx.msk [tilespmem:v19+s26+$0x0], $0xffff  }
0x33d: {  	v21 =	vor.u32 v2, v20;
	_ =	sdelay $0x3  }
0x33e: {  	[tilespmem:s31+$0x4C50] =	vst v19  }
0x33f: {  	v19 =	vld.idx.msk [tilespmem:v21+s26+$0x0], $0xffff  }
0x340: {  	v20 =	vor.u32 v3, v20;
	_ =	sdelay $0x2  }
0x341: {  	v59 =	vperm.xlane v18, v12  }
0x342: {  	[tilespmem:s31+$0x4CC0] =	vst v19  }
0x343: {  	v19 =	vshll.u32 v59, $0x5;
	v20 =	vld.idx.msk [tilespmem:v20+s26+$0x0], $0xffff  }
0x344: {  	v21 =	vor.u32 v2, v19;
	_ =	sdelay $0x3  }
0x345: {  	[tilespmem:s31+$0x4CD0] =	vst v20  }
0x346: {  	v20 =	vld.idx.msk [tilespmem:v21+s26+$0x0], $0xffff  }
0x347: {  	v19 =	vor.u32 v3, v19;
	_ =	sdelay $0x2  }
0x348: {  	v60 =	vperm.xlane v18, v13  }
0x349: {  	[tilespmem:s31+$0x4D40] =	vst v20  }
0x34a: {  	v20 =	vshll.u32 v60, $0x5;
	v19 =	vld.idx.msk [tilespmem:v19+s26+$0x0], $0xffff  }
0x34b: {  	v21 =	vor.u32 v2, v20;
	_ =	sdelay $0x3  }
0x34c: {  	[tilespmem:s31+$0x4D50] =	vst v19  }
0x34d: {  	v19 =	vld.idx.msk [tilespmem:v21+s26+$0x0], $0xffff  }
0x34e: {  	v20 =	vor.u32 v3, v20;
	_ =	sdelay $0x2  }
0x34f: {  	v61 =	vperm.xlane v18, v14  }
0x350: {  	[tilespmem:s31+$0x4DC0] =	vst v19  }
0x351: {  	v19 =	vshll.u32 v61, $0x5;
	v20 =	vld.idx.msk [tilespmem:v20+s26+$0x0], $0xffff  }
0x352: {  	v21 =	vor.u32 v2, v19;
	_ =	sdelay $0x3  }
0x353: {  	[tilespmem:s31+$0x4DD0] =	vst v20  }
0x354: {  	v20 =	vld.idx.msk [tilespmem:v21+s26+$0x0], $0xffff  }
0x355: {  	v19 =	vor.u32 v3, v19;
	_ =	sdelay $0x2  }
0x356: {  	v62 =	vperm.xlane v18, v15  }
0x357: {  	[tilespmem:s31+$0x4E40] =	vst v20  }
0x358: {  	v20 =	vshll.u32 v62, $0x5;
	v19 =	vld.idx.msk [tilespmem:v19+s26+$0x0], $0xffff  }
0x359: {  	v21 =	vor.u32 v2, v20;
	_ =	sdelay $0x3  }
0x35a: {  	[tilespmem:s31+$0x4E50] =	vst v19  }
0x35b: {  	v19 =	vld.idx.msk [tilespmem:v21+s26+$0x0], $0xffff  }
0x35c: {  	v20 =	vor.u32 v3, v20;
	_ =	sdelay $0x2  }
0x35d: {  	v63 =	vperm.xlane v18, v16  }
0x35e: {  	[tilespmem:s31+$0x4EC0] =	vst v19  }
0x35f: {  	v19 =	vshll.u32 v63, $0x5;
	v20 =	vld.idx.msk [tilespmem:v20+s26+$0x0], $0xffff  }
0x360: {  	v21 =	vor.u32 v2, v19;
	_ =	sdelay $0x3  }
0x361: {  	[tilespmem:s31+$0x4ED0] =	vst v20  }
0x362: {  	v20 =	vld.idx.msk [tilespmem:v21+s26+$0x0], $0xffff  }
0x363: {  	v19 =	vor.u32 v3, v19;
	_ =	sdelay $0x2  }
0x364: {  	v18 =	vperm.xlane v18, v17  }
0x365: {  	[tilespmem:s31+$0x4F40] =	vst v20  }
0x366: {  	v18 =	vshll.u32 v18, $0x5;
	v19 =	vld.idx.msk [tilespmem:v19+s26+$0x0], $0xffff  }
0x367: {  	v20 =	vor.u32 v2, v18;
	_ =	sdelay $0x3  }
0x368: {  	[tilespmem:s31+$0x4F50] =	vst v19  }
0x369: {  	v19 =	vld.idx.msk [tilespmem:v20+s26+$0x0], $0xffff  }
0x36a: {  	v18 =	vor.u32 v3, v18;
	_ =	sdelay $0x1  }
0x36b: {  	p1 =	por $0x1, $0x1  }
.Ltmp5:
0x36c: {  	_ = 	snop;
	(pc) =	sbr.rel @!p1 .LBB2_10-.Ltmp5, $4  }
0x36d: {  	[tilespmem:s31+$0x4FC0] =	vst v19  }
0x36e: {  	v18 =	vld.idx.msk [tilespmem:v18+s26+$0x0], $0xffff  }
0x36f: {  	s20 =	sand.u32 $0x7, s24;
	s30 =	simm.s32 $0x10;
	p0 =	por $0x1, $0x1  }
0x370: {  	s21 =	sand.u32 $0x3FFFFF80, s30;
	s16 =	sshll.u32 s20, $0x4;
	s2 =	simm.s32 $0x2  }
.LBB2_11:
0x371: {  	p1 =	sne.s32 s2, $0x1F  }
0x372: {  	s16 =	sor.u32 s16, s21;
	s19 =	smov.u32 s2;
	s2 =	sadd.s32 $0x1, s2  }
0x373: {  	[tilespmem:s31+$0x4FD0] =	vst v18  }
0x374: {  	v18 =	vld [tilespmem:s16+$0x400];
	_ =	sdelay $0x4  }
0x375: {  	v18 =	vadd.s32 $0x9, v18  }
0x376: {  	v19 =	vperm.xlane v18, v0;
	v20 =	vperm.xlane v18, v4  }
0x377: {  	v21 =	vperm.xlane v18, v5;
	v22 =	vperm.xlane v18, v6  }
0x378: {  	v19 =	vshll.u32 v19, $0x5;
	v28 =	vshll.u32 v20, $0x5;
	v20 =	vperm.xlane v18, v7  }
0x379: {  	v29 =	vshll.u32 v21, $0x5;
	v30 =	vshll.u32 v22, $0x5;
	v23 =	vor.u32 v2, v19  }
0x37a: {  	v21 =	vperm.xlane v18, v8;
	v31 =	vshll.u32 v20, $0x5;
	v20 =	vperm.xlane v18, v1  }
0x37b: {  	v24 =	vperm.xlane v18, v10;
	v22 =	vperm.xlane v18, v9  }
0x37c: {  	v27 =	vshll.u32 v21, $0x5;
	v32 =	vshll.u32 v20, $0x5;
	v20 =	vperm.xlane v18, v11  }
0x37d: {  	v25 =	vshll.u32 v24, $0x5;
	v26 =	vshll.u32 v22, $0x5;
	v21 =	vperm.xlane v18, v12  }
0x37e: {  	v34 =	vperm.xlane v18, v14;
	v33 =	vld.idx.msk [tilespmem:v23+s26+$0x0], $0xffff;
	v24 =	vshll.u32 v20, $0x5;
	v20 =	vperm.xlane v18, v13  }
0x37f: {  	v35 =	vor.u32 v3, v19;
	v19 =	vperm.xlane v18, v15;
	v23 =	vshll.u32 v21, $0x5  }
0x380: {  	s16 =	sshll.u32 s24, $0xB;
	s24 =	smov.u32 s19;
	v21 =	vshll.u32 v34, $0x5;
	v34 =	vperm.xlane v18, v16;
	v22 =	vshll.u32 v20, $0x5  }
0x381: {  	s19 =	sshll.u32 s20, $0xB;
	s16 =	sand.u32 $0x3FFFC000, s16;
	v18 =	vperm.xlane v18, v17;
	v20 =	vshll.u32 v19, $0x5  }
0x382: {  	s31 =	sor.u32 s19, s16;
	v19 =	vshll.u32 v34, $0x5  }
0x383: {  	v18 =	vshll.u32 v18, $0x5  }
0x384: {  	[tilespmem:s31+$0x4840] =	vst v33  }
0x385: {  	v33 =	vld.idx.msk [tilespmem:v35+s26+$0x0], $0xffff  }
0x386: {  	v34 =	vor.u32 v2, v28;
	_ =	sdelay $0x4  }
0x387: {  	[tilespmem:s31+$0x4850] =	vst v33  }
0x388: {  	v33 =	vld.idx.msk [tilespmem:v34+s26+$0x0], $0xffff  }
0x389: {  	v28 =	vor.u32 v3, v28;
	_ =	sdelay $0x4  }
0x38a: {  	[tilespmem:s31+$0x48C0] =	vst v33  }
0x38b: {  	v28 =	vld.idx.msk [tilespmem:v28+s26+$0x0], $0xffff  }
0x38c: {  	v33 =	vor.u32 v2, v29;
	_ =	sdelay $0x4  }
0x38d: {  	[tilespmem:s31+$0x48D0] =	vst v28  }
0x38e: {  	v28 =	vld.idx.msk [tilespmem:v33+s26+$0x0], $0xffff  }
0x38f: {  	v29 =	vor.u32 v3, v29;
	_ =	sdelay $0x4  }
0x390: {  	[tilespmem:s31+$0x4940] =	vst v28  }
0x391: {  	v28 =	vld.idx.msk [tilespmem:v29+s26+$0x0], $0xffff  }
0x392: {  	v29 =	vor.u32 v2, v30;
	_ =	sdelay $0x4  }
0x393: {  	[tilespmem:s31+$0x4950] =	vst v28  }
0x394: {  	v28 =	vld.idx.msk [tilespmem:v29+s26+$0x0], $0xffff  }
0x395: {  	v29 =	vor.u32 v3, v30;
	_ =	sdelay $0x4  }
0x396: {  	[tilespmem:s31+$0x49C0] =	vst v28  }
0x397: {  	v28 =	vld.idx.msk [tilespmem:v29+s26+$0x0], $0xffff  }
0x398: {  	v29 =	vor.u32 v2, v31;
	_ =	sdelay $0x4  }
0x399: {  	[tilespmem:s31+$0x49D0] =	vst v28  }
0x39a: {  	v28 =	vld.idx.msk [tilespmem:v29+s26+$0x0], $0xffff  }
0x39b: {  	v29 =	vor.u32 v3, v31;
	_ =	sdelay $0x4  }
0x39c: {  	[tilespmem:s31+$0x4A40] =	vst v28  }
0x39d: {  	v28 =	vld.idx.msk [tilespmem:v29+s26+$0x0], $0xffff  }
0x39e: {  	v29 =	vor.u32 v2, v32;
	_ =	sdelay $0x4  }
0x39f: {  	[tilespmem:s31+$0x4A50] =	vst v28  }
0x3a0: {  	v28 =	vld.idx.msk [tilespmem:v29+s26+$0x0], $0xffff  }
0x3a1: {  	v29 =	vor.u32 v3, v32;
	_ =	sdelay $0x4  }
0x3a2: {  	[tilespmem:s31+$0x4AC0] =	vst v28  }
0x3a3: {  	v28 =	vld.idx.msk [tilespmem:v29+s26+$0x0], $0xffff  }
0x3a4: {  	v29 =	vor.u32 v2, v27;
	_ =	sdelay $0x4  }
0x3a5: {  	[tilespmem:s31+$0x4AD0] =	vst v28  }
0x3a6: {  	v28 =	vld.idx.msk [tilespmem:v29+s26+$0x0], $0xffff  }
0x3a7: {  	v27 =	vor.u32 v3, v27;
	_ =	sdelay $0x4  }
0x3a8: {  	[tilespmem:s31+$0x4B40] =	vst v28  }
0x3a9: {  	v27 =	vld.idx.msk [tilespmem:v27+s26+$0x0], $0xffff  }
0x3aa: {  	v28 =	vor.u32 v2, v26;
	_ =	sdelay $0x4  }
0x3ab: {  	[tilespmem:s31+$0x4B50] =	vst v27  }
0x3ac: {  	v27 =	vld.idx.msk [tilespmem:v28+s26+$0x0], $0xffff  }
0x3ad: {  	v26 =	vor.u32 v3, v26;
	_ =	sdelay $0x4  }
0x3ae: {  	[tilespmem:s31+$0x4BC0] =	vst v27  }
0x3af: {  	v26 =	vld.idx.msk [tilespmem:v26+s26+$0x0], $0xffff  }
0x3b0: {  	v27 =	vor.u32 v2, v25;
	_ =	sdelay $0x4  }
0x3b1: {  	[tilespmem:s31+$0x4BD0] =	vst v26  }
0x3b2: {  	v26 =	vld.idx.msk [tilespmem:v27+s26+$0x0], $0xffff  }
0x3b3: {  	v25 =	vor.u32 v3, v25;
	_ =	sdelay $0x4  }
0x3b4: {  	[tilespmem:s31+$0x4C40] =	vst v26  }
0x3b5: {  	v25 =	vld.idx.msk [tilespmem:v25+s26+$0x0], $0xffff  }
0x3b6: {  	v26 =	vor.u32 v2, v24;
	_ =	sdelay $0x4  }
0x3b7: {  	[tilespmem:s31+$0x4C50] =	vst v25  }
0x3b8: {  	v25 =	vld.idx.msk [tilespmem:v26+s26+$0x0], $0xffff  }
0x3b9: {  	v24 =	vor.u32 v3, v24;
	_ =	sdelay $0x4  }
0x3ba: {  	[tilespmem:s31+$0x4CC0] =	vst v25  }
0x3bb: {  	v24 =	vld.idx.msk [tilespmem:v24+s26+$0x0], $0xffff  }
0x3bc: {  	v25 =	vor.u32 v2, v23;
	_ =	sdelay $0x4  }
0x3bd: {  	[tilespmem:s31+$0x4CD0] =	vst v24  }
0x3be: {  	v24 =	vld.idx.msk [tilespmem:v25+s26+$0x0], $0xffff  }
0x3bf: {  	v23 =	vor.u32 v3, v23;
	_ =	sdelay $0x4  }
0x3c0: {  	[tilespmem:s31+$0x4D40] =	vst v24  }
0x3c1: {  	v23 =	vld.idx.msk [tilespmem:v23+s26+$0x0], $0xffff  }
0x3c2: {  	v24 =	vor.u32 v2, v22;
	_ =	sdelay $0x4  }
0x3c3: {  	[tilespmem:s31+$0x4D50] =	vst v23  }
0x3c4: {  	v23 =	vld.idx.msk [tilespmem:v24+s26+$0x0], $0xffff  }
0x3c5: {  	v22 =	vor.u32 v3, v22;
	_ =	sdelay $0x4  }
0x3c6: {  	[tilespmem:s31+$0x4DC0] =	vst v23  }
0x3c7: {  	v22 =	vld.idx.msk [tilespmem:v22+s26+$0x0], $0xffff  }
0x3c8: {  	v23 =	vor.u32 v2, v21;
	_ =	sdelay $0x4  }
0x3c9: {  	[tilespmem:s31+$0x4DD0] =	vst v22  }
0x3ca: {  	v22 =	vld.idx.msk [tilespmem:v23+s26+$0x0], $0xffff  }
0x3cb: {  	v21 =	vor.u32 v3, v21;
	_ =	sdelay $0x4  }
0x3cc: {  	[tilespmem:s31+$0x4E40] =	vst v22  }
0x3cd: {  	v21 =	vld.idx.msk [tilespmem:v21+s26+$0x0], $0xffff  }
0x3ce: {  	v22 =	vor.u32 v2, v20;
	_ =	sdelay $0x4  }
0x3cf: {  	[tilespmem:s31+$0x4E50] =	vst v21  }
0x3d0: {  	v21 =	vld.idx.msk [tilespmem:v22+s26+$0x0], $0xffff  }
0x3d1: {  	v20 =	vor.u32 v3, v20;
	_ =	sdelay $0x4  }
0x3d2: {  	[tilespmem:s31+$0x4EC0] =	vst v21  }
0x3d3: {  	v20 =	vld.idx.msk [tilespmem:v20+s26+$0x0], $0xffff  }
0x3d4: {  	v21 =	vor.u32 v2, v19;
	_ =	sdelay $0x4  }
0x3d5: {  	[tilespmem:s31+$0x4ED0] =	vst v20  }
0x3d6: {  	v20 =	vld.idx.msk [tilespmem:v21+s26+$0x0], $0xffff  }
0x3d7: {  	v19 =	vor.u32 v3, v19;
	_ =	sdelay $0x4  }
0x3d8: {  	[tilespmem:s31+$0x4F40] =	vst v20  }
0x3d9: {  	v19 =	vld.idx.msk [tilespmem:v19+s26+$0x0], $0xffff  }
0x3da: {  	v20 =	vor.u32 v2, v18;
	_ =	sdelay $0x4  }
0x3db: {  	[tilespmem:s31+$0x4F50] =	vst v19  }
0x3dc: {  	v19 =	vld.idx.msk [tilespmem:v20+s26+$0x0], $0xffff  }
0x3dd: {  	v18 =	vor.u32 v3, v18;
	_ =	sdelay $0x4  }
0x3de: {  	[tilespmem:s31+$0x4FC0] =	vst v19  }
.Ltmp6:
0x3df: {  	v18 =	vld.idx.msk [tilespmem:v18+s26+$0x0], $0xffff;
	(pc) =	sbr.rel @p1 .LBB2_11-.Ltmp6, $3  }
0x3e0: {  	_ =	sdelay $0x1  }
0x3e1: {  	s20 =	sand.u32 $0x7, s24;
	s16 =	sshll.u32 s24, $0x4  }
0x3e2: {  	s21 =	sand.u32 $0x3FFFFF80, s16;
	s16 =	sshll.u32 s20, $0x4  }
0x3e3: {  	s28 =	smov.u32 s24  }
.LBB2_13:
0x3e4: {  	s2 =	sor.u32 s16, s21;
	[tilespmem:s31+$0x4FD0] =	vst @p0 v18  }
0x3e5: {  	v18 =	vld [tilespmem:s2+$0x400];
	_ =	sdelay $0x4  }
0x3e6: {  	v18 =	vadd.s32 $0x9, v18  }
0x3e7: {  	v19 =	vperm.xlane v18, v0;
	_ =	sdelay $0x1  }
0x3e8: {  	v19 =	vshll.u32 v19, $0x5  }
0x3e9: {  	v20 =	vor.u32 v2, v19;
	_ =	sdelay $0x4  }
0x3ea: {  	v20 =	vld.idx.msk [tilespmem:v20+s26+$0x0], $0xffff  }
0x3eb: {  	v19 =	vor.u32 v3, v19  }
0x3ec: {  	s29 =	sshll.u32 s28, $0xB  }
0x3ed: {  	s30 =	sshll.u32 s20, $0xB;
	s2 =	sand.u32 $0x3FFFC000, s29  }
0x3ee: {  	s2 =	sor.u32 s30, s2;
	v21 =	vperm.xlane v18, v4  }
0x3ef: {  	[tilespmem:s2+$0x4840] =	vst v20  }
0x3f0: {  	v43 =	vshll.u32 v21, $0x5;
	v19 =	vld.idx.msk [tilespmem:v19+s26+$0x0], $0xffff  }
0x3f1: {  	v21 =	vor.u32 v2, v43;
	_ =	sdelay $0x3  }
0x3f2: {  	[tilespmem:s2+$0x4850] =	vst v19  }
0x3f3: {  	v19 =	vld.idx.msk [tilespmem:v21+s26+$0x0], $0xffff  }
0x3f4: {  	v20 =	vor.u32 v3, v43;
	_ =	sdelay $0x2  }
0x3f5: {  	v44 =	vperm.xlane v18, v5  }
0x3f6: {  	[tilespmem:s2+$0x48C0] =	vst v19  }
0x3f7: {  	v19 =	vshll.u32 v44, $0x5;
	v20 =	vld.idx.msk [tilespmem:v20+s26+$0x0], $0xffff  }
0x3f8: {  	v21 =	vor.u32 v2, v19;
	_ =	sdelay $0x3  }
0x3f9: {  	[tilespmem:s2+$0x48D0] =	vst v20  }
0x3fa: {  	v20 =	vld.idx.msk [tilespmem:v21+s26+$0x0], $0xffff  }
0x3fb: {  	v19 =	vor.u32 v3, v19;
	_ =	sdelay $0x2  }
0x3fc: {  	v45 =	vperm.xlane v18, v6  }
0x3fd: {  	[tilespmem:s2+$0x4940] =	vst v20  }
0x3fe: {  	v46 =	vshll.u32 v45, $0x5;
	v19 =	vld.idx.msk [tilespmem:v19+s26+$0x0], $0xffff  }
0x3ff: {  	v21 =	vor.u32 v2, v46;
	_ =	sdelay $0x3  }
0x400: {  	[tilespmem:s2+$0x4950] =	vst v19  }
0x401: {  	v19 =	vld.idx.msk [tilespmem:v21+s26+$0x0], $0xffff  }
0x402: {  	v20 =	vor.u32 v3, v46;
	_ =	sdelay $0x2  }
0x403: {  	v47 =	vperm.xlane v18, v7  }
0x404: {  	[tilespmem:s2+$0x49C0] =	vst v19  }
0x405: {  	v19 =	vshll.u32 v47, $0x5;
	v20 =	vld.idx.msk [tilespmem:v20+s26+$0x0], $0xffff  }
0x406: {  	v21 =	vor.u32 v2, v19;
	_ =	sdelay $0x3  }
0x407: {  	[tilespmem:s2+$0x49D0] =	vst v20  }
0x408: {  	v20 =	vld.idx.msk [tilespmem:v21+s26+$0x0], $0xffff  }
0x409: {  	v19 =	vor.u32 v3, v19;
	_ =	sdelay $0x2  }
0x40a: {  	v48 =	vperm.xlane v18, v1  }
0x40b: {  	[tilespmem:s2+$0x4A40] =	vst v20  }
0x40c: {  	v49 =	vshll.u32 v48, $0x5;
	v19 =	vld.idx.msk [tilespmem:v19+s26+$0x0], $0xffff  }
0x40d: {  	v21 =	vor.u32 v2, v49;
	_ =	sdelay $0x3  }
0x40e: {  	[tilespmem:s2+$0x4A50] =	vst v19  }
0x40f: {  	v19 =	vld.idx.msk [tilespmem:v21+s26+$0x0], $0xffff  }
0x410: {  	v20 =	vor.u32 v3, v49;
	_ =	sdelay $0x2  }
0x411: {  	v50 =	vperm.xlane v18, v8  }
0x412: {  	[tilespmem:s2+$0x4AC0] =	vst v19  }
0x413: {  	v19 =	vshll.u32 v50, $0x5;
	v20 =	vld.idx.msk [tilespmem:v20+s26+$0x0], $0xffff  }
0x414: {  	v21 =	vor.u32 v2, v19;
	_ =	sdelay $0x3  }
0x415: {  	[tilespmem:s2+$0x4AD0] =	vst v20  }
0x416: {  	v20 =	vld.idx.msk [tilespmem:v21+s26+$0x0], $0xffff  }
0x417: {  	v19 =	vor.u32 v3, v19;
	_ =	sdelay $0x2  }
0x418: {  	v51 =	vperm.xlane v18, v9  }
0x419: {  	[tilespmem:s2+$0x4B40] =	vst v20  }
0x41a: {  	v52 =	vshll.u32 v51, $0x5;
	v19 =	vld.idx.msk [tilespmem:v19+s26+$0x0], $0xffff  }
0x41b: {  	v21 =	vor.u32 v2, v52;
	_ =	sdelay $0x3  }
0x41c: {  	[tilespmem:s2+$0x4B50] =	vst v19  }
0x41d: {  	v19 =	vld.idx.msk [tilespmem:v21+s26+$0x0], $0xffff  }
0x41e: {  	v20 =	vor.u32 v3, v52;
	_ =	sdelay $0x2  }
0x41f: {  	v53 =	vperm.xlane v18, v10  }
0x420: {  	[tilespmem:s2+$0x4BC0] =	vst v19  }
0x421: {  	v19 =	vshll.u32 v53, $0x5;
	v20 =	vld.idx.msk [tilespmem:v20+s26+$0x0], $0xffff  }
0x422: {  	v21 =	vor.u32 v2, v19;
	_ =	sdelay $0x3  }
0x423: {  	[tilespmem:s2+$0x4BD0] =	vst v20  }
0x424: {  	v20 =	vld.idx.msk [tilespmem:v21+s26+$0x0], $0xffff  }
0x425: {  	v19 =	vor.u32 v3, v19;
	_ =	sdelay $0x2  }
0x426: {  	v54 =	vperm.xlane v18, v11  }
0x427: {  	[tilespmem:s2+$0x4C40] =	vst v20  }
0x428: {  	v55 =	vshll.u32 v54, $0x5;
	v19 =	vld.idx.msk [tilespmem:v19+s26+$0x0], $0xffff  }
0x429: {  	v21 =	vor.u32 v2, v55;
	_ =	sdelay $0x3  }
0x42a: {  	[tilespmem:s2+$0x4C50] =	vst v19  }
0x42b: {  	v19 =	vld.idx.msk [tilespmem:v21+s26+$0x0], $0xffff  }
0x42c: {  	v20 =	vor.u32 v3, v55;
	_ =	sdelay $0x2  }
0x42d: {  	v56 =	vperm.xlane v18, v12  }
0x42e: {  	[tilespmem:s2+$0x4CC0] =	vst v19  }
0x42f: {  	v19 =	vshll.u32 v56, $0x5;
	v20 =	vld.idx.msk [tilespmem:v20+s26+$0x0], $0xffff  }
0x430: {  	v21 =	vor.u32 v2, v19;
	_ =	sdelay $0x3  }
0x431: {  	[tilespmem:s2+$0x4CD0] =	vst v20  }
0x432: {  	v20 =	vld.idx.msk [tilespmem:v21+s26+$0x0], $0xffff  }
0x433: {  	v19 =	vor.u32 v3, v19;
	_ =	sdelay $0x2  }
0x434: {  	v57 =	vperm.xlane v18, v13  }
0x435: {  	[tilespmem:s2+$0x4D40] =	vst v20  }
0x436: {  	v58 =	vshll.u32 v57, $0x5;
	v19 =	vld.idx.msk [tilespmem:v19+s26+$0x0], $0xffff  }
0x437: {  	v21 =	vor.u32 v2, v58;
	_ =	sdelay $0x3  }
0x438: {  	[tilespmem:s2+$0x4D50] =	vst v19  }
0x439: {  	v19 =	vld.idx.msk [tilespmem:v21+s26+$0x0], $0xffff  }
0x43a: {  	v20 =	vor.u32 v3, v58;
	_ =	sdelay $0x2  }
0x43b: {  	v59 =	vperm.xlane v18, v14  }
0x43c: {  	[tilespmem:s2+$0x4DC0] =	vst v19  }
0x43d: {  	v19 =	vshll.u32 v59, $0x5;
	v20 =	vld.idx.msk [tilespmem:v20+s26+$0x0], $0xffff  }
0x43e: {  	v21 =	vor.u32 v2, v19;
	_ =	sdelay $0x3  }
0x43f: {  	[tilespmem:s2+$0x4DD0] =	vst v20  }
0x440: {  	v20 =	vld.idx.msk [tilespmem:v21+s26+$0x0], $0xffff  }
0x441: {  	v19 =	vor.u32 v3, v19;
	_ =	sdelay $0x2  }
0x442: {  	v60 =	vperm.xlane v18, v15  }
0x443: {  	[tilespmem:s2+$0x4E40] =	vst v20  }
0x444: {  	v61 =	vshll.u32 v60, $0x5;
	v19 =	vld.idx.msk [tilespmem:v19+s26+$0x0], $0xffff  }
0x445: {  	v21 =	vor.u32 v2, v61;
	_ =	sdelay $0x3  }
0x446: {  	[tilespmem:s2+$0x4E50] =	vst v19  }
0x447: {  	v19 =	vld.idx.msk [tilespmem:v21+s26+$0x0], $0xffff  }
0x448: {  	v20 =	vor.u32 v3, v61;
	_ =	sdelay $0x2  }
0x449: {  	v62 =	vperm.xlane v18, v16  }
0x44a: {  	[tilespmem:s2+$0x4EC0] =	vst v19  }
0x44b: {  	v19 =	vshll.u32 v62, $0x5;
	v20 =	vld.idx.msk [tilespmem:v20+s26+$0x0], $0xffff  }
0x44c: {  	v21 =	vor.u32 v2, v19;
	_ =	sdelay $0x3  }
0x44d: {  	[tilespmem:s2+$0x4ED0] =	vst v20  }
0x44e: {  	v20 =	vld.idx.msk [tilespmem:v21+s26+$0x0], $0xffff  }
0x44f: {  	v19 =	vor.u32 v3, v19;
	_ =	sdelay $0x2  }
0x450: {  	v18 =	vperm.xlane v18, v17  }
0x451: {  	[tilespmem:s2+$0x4F40] =	vst v20  }
0x452: {  	v18 =	vshll.u32 v18, $0x5;
	v19 =	vld.idx.msk [tilespmem:v19+s26+$0x0], $0xffff  }
0x453: {  	v63 =	vor.u32 v2, v18;
	_ =	sdelay $0x3  }
0x454: {  	[tilespmem:s2+$0x4F50] =	vst v19  }
0x455: {  	v19 =	vld.idx.msk [tilespmem:v63+s26+$0x0], $0xffff  }
0x456: {  	v18 =	vor.u32 v3, v18;
	_ =	sdelay $0x3  }
0x457: {  	[tilespmem:s2+$0x4FC0] =	vst v19  }
0x458: {  	v18 =	vld.idx.msk [tilespmem:v18+s26+$0x0], $0xffff;
	_ =	sdelay $0x4  }
0x459: {  	[tilespmem:s2+$0x4FD0] =	vst v18  }
0x45a: {  	_ =	swait.ge [sflag:s0], $0x1000  }
0x45b: {  	[sflag:s0] =	ssyncset.done $0x0  }
0x45c: {  	s31 =	simm.s32 $0x0;
	[sflag:s0] =	ssyncadd.s32 $0xFFFFF000  }
0x45d: {  	v18 =	vld [tilespmem:s31+$0x800];
	_ =	sdelay $0x3  }
0x45e: {  	s2 =	simm.s32 $0x4870  }
0x45f: {  	[tilespmem:s2+$0xFFFFFFF0] =	vst v18  }
0x460: {  	v18 =	vld [tilespmem:s31+$0x810];
	_ =	sdelay $0x4  }
0x461: {  	s20 =	simm.s32 $0x20;
	s19 =	simm.s32 $0x100;
	[tilespmem:s2+$0x0] =	vst v18  }
.LBB2_14:
0x462: {  	p0 =	sne.s32 s19, $0x3F80;
	v18 =	vld [tilespmem:s20+$0x800];
	_ =	sdelay $0x3  }
0x463: {  	s2 =	sadd.s32 $0x80, s2  }
0x464: {  	[tilespmem:s2+$0xFFFFFFF0] =	vst v18  }
0x465: {  	v18 =	vld [tilespmem:s20+$0x810]  }
.Ltmp7:
0x466: {  	(pc) =	sbr.rel @p0 .LBB2_14-.Ltmp7, $2  }
0x467: {  	_ =	sdelay $0x2  }
0x468: {  	s20 =	sshra.s32 s19, $0x2;
	s19 =	sadd.s32 $0x80, s19;
	[tilespmem:s2+$0x0] =	vst v18  }
0x469: {  	v18 =	vld [tilespmem:s20+$0x800];
	_ =	sdelay $0x3  }
0x46a: {  	s2 =	sadd.s32 $0x80, s2  }
0x46b: {  	[tilespmem:s2+$0xFFFFFFF0] =	vst v18  }
0x46c: {  	v18 =	vld [tilespmem:s20+$0x810];
	_ =	sdelay $0x4  }
0x46d: {  	s31 =	simm.s32 $0x4800;
	[tilespmem:s2+$0x0] =	vst v18  }
0x46e: {  	[hbm4b:s10+s1] =	stream.linear.scatter [tilespmem:s31], [sflag:$0x2], $0x4000, $0x38;
	[tilespmem:$0x14BC0] =	vst v63  }
0x46f: {  	_ =	swait.ge [sflag:s0], $0x1000  }
0x470: {  	[sflag:s0] =	ssyncset.done $0x0  }
0x471: {  	s2 =	simm.s32 $0x1810;
	[sflag:s0] =	ssyncadd.s32 $0xFFFFF000  }
0x472: {  	s19 =	simm.s32 $0xFFFF0000;
	s20 =	simm.s32 $0xFFFF0200;
	v18 =	vld [tilespmem:s2+$0xFFFFFFF0]  }
.LBB2_16:
0x473: {  	p0 =	sne.s32 s20, $0xFFFFFE00;
	_ =	sdelay $0x2  }
0x474: {  	s16 =	sshra.s32 s19, $0x2;
	s19 =	smov.u32 s20  }
0x475: {  	[tilespmem:s16+$0xC860] =	vst v18  }
0x476: {  	v18 =	vld [tilespmem:s2+$0x0];
	_ =	sdelay $0x1  }
.Ltmp8:
0x477: {  	(pc) =	sbr.rel @p0 .LBB2_16-.Ltmp8, $3  }
0x478: {  	_ =	sdelay $0x1  }
0x479: {  	s2 =	sadd.s32 $0x20, s2;
	[tilespmem:s16+$0xC870] =	vst v18  }
0x47a: {  	s20 =	sadd.s32 $0x200, s20;
	v18 =	vld [tilespmem:s2+$0xFFFFFFF0]  }
0x47b: {  	_ =	sdelay $0x2  }
0x47c: {  	s16 =	sshra.s32 s19, $0x2  }
0x47d: {  	[tilespmem:s16+$0xC860] =	vst v18  }
0x47e: {  	v18 =	vld [tilespmem:s2+$0x0];
	_ =	sdelay $0x4  }
0x47f: {  	s31 =	simm.s32 $0x8800;
	[tilespmem:s16+$0xC870] =	vst v18  }
0x480: {  	[hbm4b:s12+s1] =	stream.linear.scatter [tilespmem:s31], [sflag:$0x2], $0x4000, $0x38;
	[tilespmem:$0x14BC0] =	vst v63  }
0x481: {  	_ =	swait.ge [sflag:s0], $0x1000  }
0x482: {  	[sflag:s0] =	ssyncset.done $0x0  }
0x483: {  	s2 =	simm.s32 $0x2810;
	[sflag:s0] =	ssyncadd.s32 $0xFFFFF000  }
0x484: {  	s19 =	simm.s32 $0xFFFF0000;
	s20 =	simm.s32 $0xFFFF0200;
	v18 =	vld [tilespmem:s2+$0xFFFFFFF0]  }
.LBB2_18:
0x485: {  	p0 =	sne.s32 s20, $0xFFFFFE00;
	_ =	sdelay $0x2  }
0x486: {  	s16 =	sshra.s32 s19, $0x2;
	s19 =	smov.u32 s20  }
0x487: {  	[tilespmem:s16+$0x10860] =	vst v18  }
0x488: {  	v18 =	vld [tilespmem:s2+$0x0];
	_ =	sdelay $0x1  }
.Ltmp9:
0x489: {  	(pc) =	sbr.rel @p0 .LBB2_18-.Ltmp9, $3  }
0x48a: {  	_ =	sdelay $0x1  }
0x48b: {  	s2 =	sadd.s32 $0x20, s2;
	[tilespmem:s16+$0x10870] =	vst v18  }
0x48c: {  	s20 =	sadd.s32 $0x200, s20;
	v18 =	vld [tilespmem:s2+$0xFFFFFFF0]  }
0x48d: {  	_ =	sdelay $0x2  }
0x48e: {  	s16 =	sshra.s32 s19, $0x2  }
0x48f: {  	[tilespmem:s16+$0x10860] =	vst v18  }
0x490: {  	v18 =	vld [tilespmem:s2+$0x0];
	_ =	sdelay $0x4  }
0x491: {  	s31 =	simm.s32 $0xC800;
	[tilespmem:s16+$0x10870] =	vst v18  }
0x492: {  	[hbm4b:s13+s1] =	stream.linear.scatter [tilespmem:s31], [sflag:$0x2], $0x4000, $0x38;
	[tilespmem:$0x14BC0] =	vst v63  }
0x493: {  	_ =	swait.ge [sflag:s0], $0x1000  }
0x494: {  	[sflag:s0] =	ssyncset.done $0x0  }
0x495: {  	s2 =	simm.s32 $0x3810;
	[sflag:s0] =	ssyncadd.s32 $0xFFFFF000  }
0x496: {  	s19 =	simm.s32 $0xFFFF0000;
	s20 =	simm.s32 $0xFFFF0200;
	v18 =	vld [tilespmem:s2+$0xFFFFFFF0]  }
.LBB2_20:
0x497: {  	p0 =	sne.s32 s20, $0xFFFFFE00;
	_ =	sdelay $0x2  }
0x498: {  	s16 =	sshra.s32 s19, $0x2;
	s19 =	smov.u32 s20  }
0x499: {  	[tilespmem:s16+$0x14860] =	vst v18  }
0x49a: {  	v18 =	vld [tilespmem:s2+$0x0];
	_ =	sdelay $0x1  }
.Ltmp10:
0x49b: {  	(pc) =	sbr.rel @p0 .LBB2_20-.Ltmp10, $3  }
0x49c: {  	_ =	sdelay $0x1  }
0x49d: {  	s2 =	sadd.s32 $0x20, s2;
	[tilespmem:s16+$0x14870] =	vst v18  }
0x49e: {  	s20 =	sadd.s32 $0x200, s20;
	v18 =	vld [tilespmem:s2+$0xFFFFFFF0]  }
0x49f: {  	_ =	sdelay $0x2  }
0x4a0: {  	s16 =	sshra.s32 s19, $0x2  }
0x4a1: {  	[tilespmem:s16+$0x14860] =	vst v18  }
0x4a2: {  	v18 =	vld [tilespmem:s2+$0x0];
	_ =	sdelay $0x4  }
0x4a3: {  	s31 =	simm.s32 $0x10800;
	[tilespmem:s16+$0x14870] =	vst v18  }
0x4a4: {  	[hbm4b:s14+s1] =	stream.linear.scatter [tilespmem:s31], [sflag:$0x2], $0x4000, $0x38;
	[tilespmem:$0x14BC0] =	vst v63  }
0x4a5: {  	_ =	swait.ge [sflag:s22], $0x4000  }
0x4a6: {  	[sflag:s22] =	ssyncset.done $0x0  }
0x4a7: {  	[sflag:s22] =	ssyncadd.s32 $0xFFFFC000  }
0x4a8: {  	_ =	swait.ge [sflag:s22], $0x4000  }
0x4a9: {  	[sflag:s22] =	ssyncset.done $0x0  }
0x4aa: {  	s23 =	sadd.s32 $0x1, s23;
	[sflag:s22] =	ssyncadd.s32 $0xFFFFC000  }
0x4ab: {  	p0 =	sne.s32 s23, s15;
	_ =	swait.ge [sflag:s22], $0x4000  }
.Ltmp11:
0x4ac: {  	[sflag:s22] =	ssyncset.done $0x0;
	(pc) =	sbr.rel @p0 .LBB2_1-.Ltmp11, $4  }
.Ltmp12:
0x4ad: {  	[sflag:s22] =	ssyncadd.s32 $0xFFFFC000;
	(pc) =	sbr.rel @!p0 .LBB2_22-.Ltmp12, $4  }
0x4ae: {  	_ =	swait.ge [sflag:s22], $0x4000  }
0x4af: {  	[sflag:s22] =	ssyncset.done $0x0  }
0x4b0: {  	[sflag:s22] =	ssyncadd.s32 $0xFFFFC000  }
0x4b1: {  	_ = 	snop  }
.LBB2_8:
.Ltmp13:
0x4b2: {  	(pc) =	sbr.rel .LBB2_13-.Ltmp13, $2  }
0x4b3: {  	_ =	sdelay $0x2  }
0x4b4: {  	_ = 	snop  }
.LBB2_5:
.Ltmp14:
0x4b5: {  	(pc) =	sbr.rel .LBB2_7-.Ltmp14, $2  }
0x4b6: {  	_ =	sdelay $0x2  }
0x4b7: {  	s2 =	simm.s32 $0x1  }
.LBB2_10:
.Ltmp15:
0x4b8: {  	(pc) =	sbr.rel .LBB2_13-.Ltmp15, $2  }
0x4b9: {  	_ =	sdelay $0x2  }
0x4ba: {  	s28 =	simm.s32 $0x1  }
.LBB2_22:
0x4bb: {  	_ =	sfence.sel $0x180000  }
0x4bc: {  	[bflag:$0x0] =	sbarrier.arrive $0xFFFF  }
0x4bd: {  	_ =	strace $0x90000047  }
0x4be: {  	s0 =	stileid.u32;
	[bflag:$0x2] =	sbarrier.arrive $0xFFFF  }
0x4bf: {  	p0 =	sne.s32 s0, $0x0;
	s0 =	rddreg [dreg:$0x6]  }
0x4c0: {  	s0 =	sadd.s32 @!p0 $0x100000, s0  }
0x4c1: {  	[sflag:s0] =	ssyncadd.tile.s32 @!p0 $0x1;
	_ =	shalt  }
.Lfunc_end2:
_tile_overlayer_lowered:
.L_overlay_start_2:
0x4c2: {  	(tag) =	ssettag $0x2  }
0x4c3: {  	s0 =	rddreg [dreg:$0x0];
	s2 =	stileid.u32  }
0x4c4: {  	s1 =	rddreg [dreg:$0x1];
	p0 =	sne.s32 s2, $0x0  }
0x4c5: {  	s3 =	rddreg [dreg:$0x2];
	[bflag:$0x3] =	sbarrier.arrive $0xFFFF;
	s2 =	simm.s32 @!p0 $0x1C03  }
0x4c6: {  	[timem:s3], [sflag:s2] =	dma.local @!p0 [hbm:s0], s1  }
0x4c7: {  	s0 =	simm.s32 @!p0 $0x3  }
0x4c8: {  	_ =	swait.ge @!p0 [sflag:s0], s1  }
0x4c9: {  	s1 =	ssub.s32 @!p0 $0x0, s1;
	[sflag:s0] =	ssyncset.done @!p0 $0x0  }
0x4ca: {  	[sflag:s0] =	ssyncadd.s32 @!p0 s1  }
0x4cb: {  	[bflag:$0x3] =	sbarrier.arrive $0xFFFF  }
0x4cc: {  	_ =	shalt  }

</sc_bundles>
